<compile_context>
chip_gen: v7x
topology: tpu7x:2x2x1
jax: 0.10.2.dev20260603
libtpu: 0.0.44.dev20260713+nightly
codegen_flags: <defaults>
</compile_context>

<pallas_src>
import functools
import jax
import jax.numpy as jnp
from jax import lax
from jax.experimental import pallas as pl
from jax.experimental.pallas import tpu as pltpu
from jax.experimental.pallas import tpu_sc as plsc

S_CHUNK = 4
NIN = 3
NOUT = 2


def kernel(x, pos_table):
    seq_len, batch, d_model = x.shape
    info = plsc.get_sparse_core_info()
    nc, ns, lanes = info.num_cores, info.num_subcores, info.num_lanes
    nw = nc * ns
    seq_pw = seq_len // nw
    n_chunks = seq_pw // S_CHUNK
    nj = d_model // lanes

    @functools.partial(
        pl.kernel,
        mesh=plsc.VectorSubcoreMesh(core_axis_name="c", subcore_axis_name="s"),
        out_type=jax.ShapeDtypeStruct((seq_len, batch, d_model), jnp.float32),
        scratch_types=[
            pltpu.VMEM((NIN, S_CHUNK, batch, d_model), jnp.float32),
            pltpu.VMEM((NIN, S_CHUNK, d_model), jnp.float32),
            pltpu.VMEM((NOUT, S_CHUNK, batch, d_model), jnp.float32),
            pltpu.SemaphoreType.DMA,
            pltpu.SemaphoreType.DMA,
            pltpu.SemaphoreType.DMA,
            pltpu.SemaphoreType.DMA,
            pltpu.SemaphoreType.DMA,
            pltpu.SemaphoreType.DMA,
            pltpu.SemaphoreType.DMA,
            pltpu.SemaphoreType.DMA,
        ],
    )
    def k(x_hbm, pos_hbm, out_hbm, xbuf, pbuf, obuf,
          xs0, xs1, xs2, ps0, ps1, ps2, os0, os1):
        wid = lax.axis_index("s") * nc + lax.axis_index("c")
        seq_base = wid * seq_pw

        xsems = (xs0, xs1, xs2)
        psems = (ps0, ps1, ps2)
        osems = (os0, os1)

        def start_load(g):
            b = g % NIN
            s0 = seq_base + g * S_CHUNK
            pltpu.async_copy(x_hbm.at[pl.ds(s0, S_CHUNK)], xbuf.at[b],
                             xsems[b])
            pltpu.async_copy(pos_hbm.at[pl.ds(s0, S_CHUNK)], pbuf.at[b],
                             psems[b])

        start_load(0)
        start_load(1)
        start_load(2)

        out_started = [False, False]
        for g in range(n_chunks):
            b = g % NIN
            ob = g % NOUT
            s0 = seq_base + g * S_CHUNK
            pltpu.make_async_copy(x_hbm.at[pl.ds(s0, S_CHUNK)], xbuf.at[b],
                                  xsems[b]).wait()
            pltpu.make_async_copy(pos_hbm.at[pl.ds(s0, S_CHUNK)], pbuf.at[b],
                                  psems[b]).wait()
            if out_started[ob]:
                prev0 = seq_base + (g - NOUT) * S_CHUNK
                pltpu.make_async_copy(obuf.at[ob],
                                      out_hbm.at[pl.ds(prev0, S_CHUNK)],
                                      osems[ob]).wait()

            pltpu.async_copy(xbuf.at[b], out_hbm.at[pl.ds(s0, S_CHUNK)],
                             osems[ob])
            out_started[ob] = True
            if g + NIN < n_chunks:
                start_load(g + NIN)

        for g in (n_chunks - 2, n_chunks - 1):
            ob = g % NOUT
            b = g % NIN
            s0 = seq_base + g * S_CHUNK
            pltpu.make_async_copy(xbuf.at[b], out_hbm.at[pl.ds(s0, S_CHUNK)],
                                  osems[ob]).wait()

    return k(x, pos_table)

# --- scband reference (transcript-rebuilt; emitter-appended) ---
"""Pipeline reference for scband-learned-positional-encoding-22308060136232 (READ-ONLY COPY).

The authoritative reference and input builder live on the scoring server;
editing this copy changes nothing except your own understanding.
"""

import jax, jax.numpy as jnp
import numpy as np

SEQ_LEN = 2048
BATCH = 4
D_MODEL = 1024
MAX_SEQ_LEN = 2048


def setup_inputs(seed: int = 0) -> dict:
    key = jax.random.key(seed)
    k1, k2 = jax.random.split(key)
    x = jax.random.normal(k1, (SEQ_LEN, BATCH, D_MODEL), dtype=jnp.float32)
    # nn.Embedding weight: [max_seq_len, d_model], default init ~ N(0,1)
    pos_table = jax.random.normal(k2, (MAX_SEQ_LEN, D_MODEL), dtype=jnp.float32)
    return {"x": x, "pos_table": pos_table}


def reference(x, pos_table):
    # x: [seq_len, batch, d_model]
    seq_len = x.shape[0]
    batch = x.shape[1]
    # positions: [batch, seq_len] (arange expanded), matching torch.expand
    positions = jnp.broadcast_to(jnp.arange(seq_len), (batch, seq_len))
    # embedding lookup -> [batch, seq_len, d_model]
    pe = jnp.take(pos_table, positions, axis=0)
    # permute(1, 0, 2) -> [seq_len, batch, d_model]
    pe = jnp.transpose(pe, (1, 0, 2))
    return x + pe

if __name__ == "__main__":
    import jax
    _d = setup_inputs()
    print(jax.jit(kernel)(*tuple(_d.values())))

</pallas_src>

<mosaic_0001>
#map = affine_map<(d0, d1) -> (0, 0, 0)>
#map1 = affine_map<(d0, d1) -> (0, 0)>
module attributes {stable_mosaic.version = 14 : i64} {
  func.func @k(%arg0: i32, %arg1: i32, %arg2: memref<2048x4x1024xf32, #tpu.memory_space<hbm>>, %arg3: memref<2048x1024xf32, #tpu.memory_space<hbm>>, %arg4: memref<2048x4x1024xf32, #tpu.memory_space<hbm>>, %arg5: memref<3x4x4x1024xf32, #tpu.memory_space<vmem>>, %arg6: memref<3x4x1024xf32, #tpu.memory_space<vmem>>, %arg7: memref<2x4x4x1024xf32, #tpu.memory_space<vmem>>, %arg8: memref<!tpu.dma_semaphore, #tpu.memory_space<semaphore_mem>>, %arg9: memref<!tpu.dma_semaphore, #tpu.memory_space<semaphore_mem>>, %arg10: memref<!tpu.dma_semaphore, #tpu.memory_space<semaphore_mem>>, %arg11: memref<!tpu.dma_semaphore, #tpu.memory_space<semaphore_mem>>, %arg12: memref<!tpu.dma_semaphore, #tpu.memory_space<semaphore_mem>>, %arg13: memref<!tpu.dma_semaphore, #tpu.memory_space<semaphore_mem>>, %arg14: memref<!tpu.dma_semaphore, #tpu.memory_space<semaphore_mem>>, %arg15: memref<!tpu.dma_semaphore, #tpu.memory_space<semaphore_mem>>) attributes {dimension_semantics = [#tpu.dimension_semantics<core_parallel>, #tpu.dimension_semantics<subcore_parallel>], iteration_bounds = array<i64: 2, 16>, scalar_prefetch = 0 : i64, scratch_operands = 11 : i64, tpu.core_type = #tpu.core_type<sc_vector_subcore>, window_params = [{transform_indices = #map}, {transform_indices = #map1}, {transform_indices = #map}]} {
    %mul3A = arith.constant 2 : i32
    %mul3A_0 = arith.muli %arg1, %mul3A : i32
    %add3A = arith.addi %mul3A_0, %arg0 : i32
    %mul3A_1 = arith.constant 64 : i32
    %mul3A_2 = arith.muli %add3A, %mul3A_1 : i32
    %add3A_3 = arith.constant 0 : i32
    %add3A_4 = arith.addi %mul3A_2, %add3A_3 : i32
    %dma_start3A = arith.constant 0 : i32
    %dma_start3A_5 = arith.constant 0 : i32
    %dma_start3A_6 = arith.constant 0 : i32
    %dma_start3A_7 = arith.constant 0 : i32
    %dma_start3A_8 = tpu.memref_slice %arg5[%dma_start3A, %dma_start3A_5, %dma_start3A_6, %dma_start3A_7] : memref<3x4x4x1024xf32, #tpu.memory_space<vmem>> -> memref<1x4x4x1024xf32, #tpu.memory_space<vmem>>
    %dma_start3A_9 = tpu.memref_squeeze %dma_start3A_8 : memref<1x4x4x1024xf32, #tpu.memory_space<vmem>> -> memref<4x4x1024xf32, #tpu.memory_space<vmem>>
    %dma_start3A_10 = arith.constant 0 : i32
    %dma_start3A_11 = arith.constant 0 : i32
    %dma_start3A_12 = tpu.memref_slice %arg2[%add3A_4, %dma_start3A_10, %dma_start3A_11] : memref<2048x4x1024xf32, #tpu.memory_space<hbm>> -> memref<4x4x1024xf32, #tpu.memory_space<hbm>>
    %dma_start3A_13 = arith.constant 0 : i32
    %dma_start3A_14 = arith.constant 0 : i32
    %dma_start3A_15 = arith.constant 0 : i32
    %dma_start3A_16 = tpu.memref_slice %arg5[%dma_start3A, %dma_start3A_13, %dma_start3A_14, %dma_start3A_15] : memref<3x4x4x1024xf32, #tpu.memory_space<vmem>> -> memref<1x4x4x1024xf32, #tpu.memory_space<vmem>>
    %dma_start3A_17 = tpu.memref_squeeze %dma_start3A_16 : memref<1x4x4x1024xf32, #tpu.memory_space<vmem>> -> memref<4x4x1024xf32, #tpu.memory_space<vmem>>
    %dma_start3A_18 = arith.constant 0 : i32
    %dma_start3A_19 = arith.constant 0 : i32
    %dma_start3A_20 = tpu.memref_slice %arg2[%add3A_4, %dma_start3A_18, %dma_start3A_19] : memref<2048x4x1024xf32, #tpu.memory_space<hbm>> -> memref<4x4x1024xf32, #tpu.memory_space<hbm>>
    tpu.enqueue_dma source(%dma_start3A_20 : memref<4x4x1024xf32, #tpu.memory_space<hbm>>) target(%dma_start3A_17 : memref<4x4x1024xf32, #tpu.memory_space<vmem>>) target_semaphore(%arg8 : memref<!tpu.dma_semaphore, #tpu.memory_space<semaphore_mem>>)
    %dma_start3A_21 = arith.constant 0 : i32
    %dma_start3A_22 = arith.constant 0 : i32
    %dma_start3A_23 = arith.constant 0 : i32
    %dma_start3A_24 = tpu.memref_slice %arg6[%dma_start3A_21, %dma_start3A_22, %dma_start3A_23] : memref<3x4x1024xf32, #tpu.memory_space<vmem>> -> memref<1x4x1024xf32, #tpu.memory_space<vmem>>
    %dma_start3A_25 = tpu.memref_squeeze %dma_start3A_24 : memref<1x4x1024xf32, #tpu.memory_space<vmem>> -> memref<4x1024xf32, #tpu.memory_space<vmem>>
    %dma_start3A_26 = arith.constant 0 : i32
    %dma_start3A_27 = tpu.memref_slice %arg3[%add3A_4, %dma_start3A_26] : memref<2048x1024xf32, #tpu.memory_space<hbm>> -> memref<4x1024xf32, #tpu.memory_space<hbm>>
    %dma_start3A_28 = arith.constant 0 : i32
    %dma_start3A_29 = arith.constant 0 : i32
    %dma_start3A_30 = tpu.memref_slice %arg6[%dma_start3A_21, %dma_start3A_28, %dma_start3A_29] : memref<3x4x1024xf32, #tpu.memory_space<vmem>> -> memref<1x4x1024xf32, #tpu.memory_space<vmem>>
    %dma_start3A_31 = tpu.memref_squeeze %dma_start3A_30 : memref<1x4x1024xf32, #tpu.memory_space<vmem>> -> memref<4x1024xf32, #tpu.memory_space<vmem>>
    %dma_start3A_32 = arith.constant 0 : i32
    %dma_start3A_33 = tpu.memref_slice %arg3[%add3A_4, %dma_start3A_32] : memref<2048x1024xf32, #tpu.memory_space<hbm>> -> memref<4x1024xf32, #tpu.memory_space<hbm>>
    tpu.enqueue_dma source(%dma_start3A_33 : memref<4x1024xf32, #tpu.memory_space<hbm>>) target(%dma_start3A_31 : memref<4x1024xf32, #tpu.memory_space<vmem>>) target_semaphore(%arg11 : memref<!tpu.dma_semaphore, #tpu.memory_space<semaphore_mem>>)
    %add3A_34 = arith.constant 4 : i32
    %add3A_35 = arith.addi %mul3A_2, %add3A_34 : i32
    %dma_start3A_36 = arith.constant 1 : i32
    %dma_start3A_37 = arith.constant 0 : i32
    %dma_start3A_38 = arith.constant 0 : i32
    %dma_start3A_39 = arith.constant 0 : i32
    %dma_start3A_40 = tpu.memref_slice %arg5[%dma_start3A_36, %dma_start3A_37, %dma_start3A_38, %dma_start3A_39] : memref<3x4x4x1024xf32, #tpu.memory_space<vmem>> -> memref<1x4x4x1024xf32, #tpu.memory_space<vmem>>
    %dma_start3A_41 = tpu.memref_squeeze %dma_start3A_40 : memref<1x4x4x1024xf32, #tpu.memory_space<vmem>> -> memref<4x4x1024xf32, #tpu.memory_space<vmem>>
    %dma_start3A_42 = arith.constant 0 : i32
    %dma_start3A_43 = arith.constant 0 : i32
    %dma_start3A_44 = tpu.memref_slice %arg2[%add3A_35, %dma_start3A_42, %dma_start3A_43] : memref<2048x4x1024xf32, #tpu.memory_space<hbm>> -> memref<4x4x1024xf32, #tpu.memory_space<hbm>>
    %dma_start3A_45 = arith.constant 0 : i32
    %dma_start3A_46 = arith.constant 0 : i32
    %dma_start3A_47 = arith.constant 0 : i32
    %dma_start3A_48 = tpu.memref_slice %arg5[%dma_start3A_36, %dma_start3A_45, %dma_start3A_46, %dma_start3A_47] : memref<3x4x4x1024xf32, #tpu.memory_space<vmem>> -> memref<1x4x4x1024xf32, #tpu.memory_space<vmem>>
    %dma_start3A_49 = tpu.memref_squeeze %dma_start3A_48 : memref<1x4x4x1024xf32, #tpu.memory_space<vmem>> -> memref<4x4x1024xf32, #tpu.memory_space<vmem>>
    %dma_start3A_50 = arith.constant 0 : i32
    %dma_start3A_51 = arith.constant 0 : i32
    %dma_start3A_52 = tpu.memref_slice %arg2[%add3A_35, %dma_start3A_50, %dma_start3A_51] : memref<2048x4x1024xf32, #tpu.memory_space<hbm>> -> memref<4x4x1024xf32, #tpu.memory_space<hbm>>
    tpu.enqueue_dma source(%dma_start3A_52 : memref<4x4x1024xf32, #tpu.memory_space<hbm>>) target(%dma_start3A_49 : memref<4x4x1024xf32, #tpu.memory_space<vmem>>) target_semaphore(%arg9 : memref<!tpu.dma_semaphore, #tpu.memory_space<semaphore_mem>>)
    %dma_start3A_53 = arith.constant 1 : i32
    %dma_start3A_54 = arith.constant 0 : i32
    %dma_start3A_55 = arith.constant 0 : i32
    %dma_start3A_56 = tpu.memref_slice %arg6[%dma_start3A_53, %dma_start3A_54, %dma_start3A_55] : memref<3x4x1024xf32, #tpu.memory_space<vmem>> -> memref<1x4x1024xf32, #tpu.memory_space<vmem>>
    %dma_start3A_57 = tpu.memref_squeeze %dma_start3A_56 : memref<1x4x1024xf32, #tpu.memory_space<vmem>> -> memref<4x1024xf32, #tpu.memory_space<vmem>>
    %dma_start3A_58 = arith.constant 0 : i32
    %dma_start3A_59 = tpu.memref_slice %arg3[%add3A_35, %dma_start3A_58] : memref<2048x1024xf32, #tpu.memory_space<hbm>> -> memref<4x1024xf32, #tpu.memory_space<hbm>>
    %dma_start3A_60 = arith.constant 0 : i32
    %dma_start3A_61 = arith.constant 0 : i32
    %dma_start3A_62 = tpu.memref_slice %arg6[%dma_start3A_53, %dma_start3A_60, %dma_start3A_61] : memref<3x4x1024xf32, #tpu.memory_space<vmem>> -> memref<1x4x1024xf32, #tpu.memory_space<vmem>>
    %dma_start3A_63 = tpu.memref_squeeze %dma_start3A_62 : memref<1x4x1024xf32, #tpu.memory_space<vmem>> -> memref<4x1024xf32, #tpu.memory_space<vmem>>
    %dma_start3A_64 = arith.constant 0 : i32
    %dma_start3A_65 = tpu.memref_slice %arg3[%add3A_35, %dma_start3A_64] : memref<2048x1024xf32, #tpu.memory_space<hbm>> -> memref<4x1024xf32, #tpu.memory_space<hbm>>
    tpu.enqueue_dma source(%dma_start3A_65 : memref<4x1024xf32, #tpu.memory_space<hbm>>) target(%dma_start3A_63 : memref<4x1024xf32, #tpu.memory_space<vmem>>) target_semaphore(%arg12 : memref<!tpu.dma_semaphore, #tpu.memory_space<semaphore_mem>>)
    %add3A_66 = arith.constant 8 : i32
    %add3A_67 = arith.addi %mul3A_2, %add3A_66 : i32
    %dma_start3A_68 = arith.constant 2 : i32
    %dma_start3A_69 = arith.constant 0 : i32
    %dma_start3A_70 = arith.constant 0 : i32
    %dma_start3A_71 = arith.constant 0 : i32
    %dma_start3A_72 = tpu.memref_slice %arg5[%dma_start3A_68, %dma_start3A_69, %dma_start3A_70, %dma_start3A_71] : memref<3x4x4x1024xf32, #tpu.memory_space<vmem>> -> memref<1x4x4x1024xf32, #tpu.memory_space<vmem>>
    %dma_start3A_73 = tpu.memref_squeeze %dma_start3A_72 : memref<1x4x4x1024xf32, #tpu.memory_space<vmem>> -> memref<4x4x1024xf32, #tpu.memory_space<vmem>>
    %dma_start3A_74 = arith.constant 0 : i32
    %dma_start3A_75 = arith.constant 0 : i32
    %dma_start3A_76 = tpu.memref_slice %arg2[%add3A_67, %dma_start3A_74, %dma_start3A_75] : memref<2048x4x1024xf32, #tpu.memory_space<hbm>> -> memref<4x4x1024xf32, #tpu.memory_space<hbm>>
    %dma_start3A_77 = arith.constant 0 : i32
    %dma_start3A_78 = arith.constant 0 : i32
    %dma_start3A_79 = arith.constant 0 : i32
    %dma_start3A_80 = tpu.memref_slice %arg5[%dma_start3A_68, %dma_start3A_77, %dma_start3A_78, %dma_start3A_79] : memref<3x4x4x1024xf32, #tpu.memory_space<vmem>> -> memref<1x4x4x1024xf32, #tpu.memory_space<vmem>>
    %dma_start3A_81 = tpu.memref_squeeze %dma_start3A_80 : memref<1x4x4x1024xf32, #tpu.memory_space<vmem>> -> memref<4x4x1024xf32, #tpu.memory_space<vmem>>
    %dma_start3A_82 = arith.constant 0 : i32
    %dma_start3A_83 = arith.constant 0 : i32
    %dma_start3A_84 = tpu.memref_slice %arg2[%add3A_67, %dma_start3A_82, %dma_start3A_83] : memref<2048x4x1024xf32, #tpu.memory_space<hbm>> -> memref<4x4x1024xf32, #tpu.memory_space<hbm>>
    tpu.enqueue_dma source(%dma_start3A_84 : memref<4x4x1024xf32, #tpu.memory_space<hbm>>) target(%dma_start3A_81 : memref<4x4x1024xf32, #tpu.memory_space<vmem>>) target_semaphore(%arg10 : memref<!tpu.dma_semaphore, #tpu.memory_space<semaphore_mem>>)
    %dma_start3A_85 = arith.constant 2 : i32
    %dma_start3A_86 = arith.constant 0 : i32
    %dma_start3A_87 = arith.constant 0 : i32
    %dma_start3A_88 = tpu.memref_slice %arg6[%dma_start3A_85, %dma_start3A_86, %dma_start3A_87] : memref<3x4x1024xf32, #tpu.memory_space<vmem>> -> memref<1x4x1024xf32, #tpu.memory_space<vmem>>
    %dma_start3A_89 = tpu.memref_squeeze %dma_start3A_88 : memref<1x4x1024xf32, #tpu.memory_space<vmem>> -> memref<4x1024xf32, #tpu.memory_space<vmem>>
    %dma_start3A_90 = arith.constant 0 : i32
    %dma_start3A_91 = tpu.memref_slice %arg3[%add3A_67, %dma_start3A_90] : memref<2048x1024xf32, #tpu.memory_space<hbm>> -> memref<4x1024xf32, #tpu.memory_space<hbm>>
    %dma_start3A_92 = arith.constant 0 : i32
    %dma_start3A_93 = arith.constant 0 : i32
    %dma_start3A_94 = tpu.memref_slice %arg6[%dma_start3A_85, %dma_start3A_92, %dma_start3A_93] : memref<3x4x1024xf32, #tpu.memory_space<vmem>> -> memref<1x4x1024xf32, #tpu.memory_space<vmem>>
    %dma_start3A_95 = tpu.memref_squeeze %dma_start3A_94 : memref<1x4x1024xf32, #tpu.memory_space<vmem>> -> memref<4x1024xf32, #tpu.memory_space<vmem>>
    %dma_start3A_96 = arith.constant 0 : i32
    %dma_start3A_97 = tpu.memref_slice %arg3[%add3A_67, %dma_start3A_96] : memref<2048x1024xf32, #tpu.memory_space<hbm>> -> memref<4x1024xf32, #tpu.memory_space<hbm>>
    tpu.enqueue_dma source(%dma_start3A_97 : memref<4x1024xf32, #tpu.memory_space<hbm>>) target(%dma_start3A_95 : memref<4x1024xf32, #tpu.memory_space<vmem>>) target_semaphore(%arg13 : memref<!tpu.dma_semaphore, #tpu.memory_space<semaphore_mem>>)
    %add3A_98 = arith.constant 0 : i32
    %add3A_99 = arith.addi %mul3A_2, %add3A_98 : i32
    %dma_wait3A = arith.constant 0 : i32
    %dma_wait3A_100 = arith.constant 0 : i32
    %dma_wait3A_101 = arith.constant 0 : i32
    %dma_wait3A_102 = arith.constant 0 : i32
    %dma_wait3A_103 = tpu.memref_slice %arg5[%dma_wait3A, %dma_wait3A_100, %dma_wait3A_101, %dma_wait3A_102] : memref<3x4x4x1024xf32, #tpu.memory_space<vmem>> -> memref<1x4x4x1024xf32, #tpu.memory_space<vmem>>
    %dma_wait3A_104 = tpu.memref_squeeze %dma_wait3A_103 : memref<1x4x4x1024xf32, #tpu.memory_space<vmem>> -> memref<4x4x1024xf32, #tpu.memory_space<vmem>>
    %dma_wait3A_105 = arith.constant 0 : i32
    %dma_wait3A_106 = arith.constant 0 : i32
    %dma_wait3A_107 = tpu.memref_slice %arg2[%add3A_99, %dma_wait3A_105, %dma_wait3A_106] : memref<2048x4x1024xf32, #tpu.memory_space<hbm>> -> memref<4x4x1024xf32, #tpu.memory_space<hbm>>
    %dma_wait3A_108 = arith.constant 0 : i32
    %dma_wait3A_109 = arith.constant 0 : i32
    %dma_wait3A_110 = arith.constant 0 : i32
    %dma_wait3A_111 = tpu.memref_slice %arg5[%dma_wait3A, %dma_wait3A_108, %dma_wait3A_109, %dma_wait3A_110] : memref<3x4x4x1024xf32, #tpu.memory_space<vmem>> -> memref<1x4x4x1024xf32, #tpu.memory_space<vmem>>
    %dma_wait3A_112 = tpu.memref_squeeze %dma_wait3A_111 : memref<1x4x4x1024xf32, #tpu.memory_space<vmem>> -> memref<4x4x1024xf32, #tpu.memory_space<vmem>>
    %dma_wait3A_113 = arith.constant 0 : i32
    %dma_wait3A_114 = arith.constant 0 : i32
    %dma_wait3A_115 = tpu.memref_slice %arg2[%add3A_99, %dma_wait3A_113, %dma_wait3A_114] : memref<2048x4x1024xf32, #tpu.memory_space<hbm>> -> memref<4x4x1024xf32, #tpu.memory_space<hbm>>
    tpu.wait_dma2 semaphore(%arg8 : memref<!tpu.dma_semaphore, #tpu.memory_space<semaphore_mem>>) src(%dma_wait3A_115 : memref<4x4x1024xf32, #tpu.memory_space<hbm>>) dst(%dma_wait3A_112 : memref<4x4x1024xf32, #tpu.memory_space<vmem>>)
    %dma_wait3A_116 = arith.constant 0 : i32
    %dma_wait3A_117 = arith.constant 0 : i32
    %dma_wait3A_118 = arith.constant 0 : i32
    %dma_wait3A_119 = tpu.memref_slice %arg6[%dma_wait3A_116, %dma_wait3A_117, %dma_wait3A_118] : memref<3x4x1024xf32, #tpu.memory_space<vmem>> -> memref<1x4x1024xf32, #tpu.memory_space<vmem>>
    %dma_wait3A_120 = tpu.memref_squeeze %dma_wait3A_119 : memref<1x4x1024xf32, #tpu.memory_space<vmem>> -> memref<4x1024xf32, #tpu.memory_space<vmem>>
    %dma_wait3A_121 = arith.constant 0 : i32
    %dma_wait3A_122 = tpu.memref_slice %arg3[%add3A_99, %dma_wait3A_121] : memref<2048x1024xf32, #tpu.memory_space<hbm>> -> memref<4x1024xf32, #tpu.memory_space<hbm>>
    %dma_wait3A_123 = arith.constant 0 : i32
    %dma_wait3A_124 = arith.constant 0 : i32
    %dma_wait3A_125 = tpu.memref_slice %arg6[%dma_wait3A_116, %dma_wait3A_123, %dma_wait3A_124] : memref<3x4x1024xf32, #tpu.memory_space<vmem>> -> memref<1x4x1024xf32, #tpu.memory_space<vmem>>
    %dma_wait3A_126 = tpu.memref_squeeze %dma_wait3A_125 : memref<1x4x1024xf32, #tpu.memory_space<vmem>> -> memref<4x1024xf32, #tpu.memory_space<vmem>>
    %dma_wait3A_127 = arith.constant 0 : i32
    %dma_wait3A_128 = tpu.memref_slice %arg3[%add3A_99, %dma_wait3A_127] : memref<2048x1024xf32, #tpu.memory_space<hbm>> -> memref<4x1024xf32, #tpu.memory_space<hbm>>
    tpu.wait_dma2 semaphore(%arg11 : memref<!tpu.dma_semaphore, #tpu.memory_space<semaphore_mem>>) src(%dma_wait3A_128 : memref<4x1024xf32, #tpu.memory_space<hbm>>) dst(%dma_wait3A_126 : memref<4x1024xf32, #tpu.memory_space<vmem>>)
    %dma_start3A_129 = arith.constant 0 : i32
    %dma_start3A_130 = arith.constant 0 : i32
    %dma_start3A_131 = arith.constant 0 : i32
    %dma_start3A_132 = arith.constant 0 : i32
    %dma_start3A_133 = tpu.memref_slice %arg5[%dma_start3A_129, %dma_start3A_130, %dma_start3A_131, %dma_start3A_132] : memref<3x4x4x1024xf32, #tpu.memory_space<vmem>> -> memref<1x4x4x1024xf32, #tpu.memory_space<vmem>>
    %dma_start3A_134 = tpu.memref_squeeze %dma_start3A_133 : memref<1x4x4x1024xf32, #tpu.memory_space<vmem>> -> memref<4x4x1024xf32, #tpu.memory_space<vmem>>
    %dma_start3A_135 = arith.constant 0 : i32
    %dma_start3A_136 = arith.constant 0 : i32
    %dma_start3A_137 = tpu.memref_slice %arg4[%add3A_99, %dma_start3A_135, %dma_start3A_136] : memref<2048x4x1024xf32, #tpu.memory_space<hbm>> -> memref<4x4x1024xf32, #tpu.memory_space<hbm>>
    %dma_start3A_138 = arith.constant 0 : i32
    %dma_start3A_139 = arith.constant 0 : i32
    %dma_start3A_140 = tpu.memref_slice %arg4[%add3A_99, %dma_start3A_138, %dma_start3A_139] : memref<2048x4x1024xf32, #tpu.memory_space<hbm>> -> memref<4x4x1024xf32, #tpu.memory_space<hbm>>
    %dma_start3A_141 = arith.constant 0 : i32
    %dma_start3A_142 = arith.constant 0 : i32
    %dma_start3A_143 = arith.constant 0 : i32
    %dma_start3A_144 = tpu.memref_slice %arg5[%dma_start3A_129, %dma_start3A_141, %dma_start3A_142, %dma_start3A_143] : memref<3x4x4x1024xf32, #tpu.memory_space<vmem>> -> memref<1x4x4x1024xf32, #tpu.memory_space<vmem>>
    %dma_start3A_145 = tpu.memref_squeeze %dma_start3A_144 : memref<1x4x4x1024xf32, #tpu.memory_space<vmem>> -> memref<4x4x1024xf32, #tpu.memory_space<vmem>>
    tpu.enqueue_dma source(%dma_start3A_145 : memref<4x4x1024xf32, #tpu.memory_space<vmem>>) target(%dma_start3A_140 : memref<4x4x1024xf32, #tpu.memory_space<hbm>>) target_semaphore(%arg14 : memref<!tpu.dma_semaphore, #tpu.memory_space<semaphore_mem>>)
    %add3A_146 = arith.constant 12 : i32
    %add3A_147 = arith.addi %mul3A_2, %add3A_146 : i32
    %dma_start3A_148 = arith.constant 0 : i32
    %dma_start3A_149 = arith.constant 0 : i32
    %dma_start3A_150 = arith.constant 0 : i32
    %dma_start3A_151 = arith.constant 0 : i32
    %dma_start3A_152 = tpu.memref_slice %arg5[%dma_start3A_148, %dma_start3A_149, %dma_start3A_150, %dma_start3A_151] : memref<3x4x4x1024xf32, #tpu.memory_space<vmem>> -> memref<1x4x4x1024xf32, #tpu.memory_space<vmem>>
    %dma_start3A_153 = tpu.memref_squeeze %dma_start3A_152 : memref<1x4x4x1024xf32, #tpu.memory_space<vmem>> -> memref<4x4x1024xf32, #tpu.memory_space<vmem>>
    %dma_start3A_154 = arith.constant 0 : i32
    %dma_start3A_155 = arith.constant 0 : i32
    %dma_start3A_156 = tpu.memref_slice %arg2[%add3A_147, %dma_start3A_154, %dma_start3A_155] : memref<2048x4x1024xf32, #tpu.memory_space<hbm>> -> memref<4x4x1024xf32, #tpu.memory_space<hbm>>
    %dma_start3A_157 = arith.constant 0 : i32
    %dma_start3A_158 = arith.constant 0 : i32
    %dma_start3A_159 = arith.constant 0 : i32
    %dma_start3A_160 = tpu.memref_slice %arg5[%dma_start3A_148, %dma_start3A_157, %dma_start3A_158, %dma_start3A_159] : memref<3x4x4x1024xf32, #tpu.memory_space<vmem>> -> memref<1x4x4x1024xf32, #tpu.memory_space<vmem>>
    %dma_start3A_161 = tpu.memref_squeeze %dma_start3A_160 : memref<1x4x4x1024xf32, #tpu.memory_space<vmem>> -> memref<4x4x1024xf32, #tpu.memory_space<vmem>>
    %dma_start3A_162 = arith.constant 0 : i32
    %dma_start3A_163 = arith.constant 0 : i32
    %dma_start3A_164 = tpu.memref_slice %arg2[%add3A_147, %dma_start3A_162, %dma_start3A_163] : memref<2048x4x1024xf32, #tpu.memory_space<hbm>> -> memref<4x4x1024xf32, #tpu.memory_space<hbm>>
    tpu.enqueue_dma source(%dma_start3A_164 : memref<4x4x1024xf32, #tpu.memory_space<hbm>>) target(%dma_start3A_161 : memref<4x4x1024xf32, #tpu.memory_space<vmem>>) target_semaphore(%arg8 : memref<!tpu.dma_semaphore, #tpu.memory_space<semaphore_mem>>)
    %dma_start3A_165 = arith.constant 0 : i32
    %dma_start3A_166 = arith.constant 0 : i32
    %dma_start3A_167 = arith.constant 0 : i32
    %dma_start3A_168 = tpu.memref_slice %arg6[%dma_start3A_165, %dma_start3A_166, %dma_start3A_167] : memref<3x4x1024xf32, #tpu.memory_space<vmem>> -> memref<1x4x1024xf32, #tpu.memory_space<vmem>>
    %dma_start3A_169 = tpu.memref_squeeze %dma_start3A_168 : memref<1x4x1024xf32, #tpu.memory_space<vmem>> -> memref<4x1024xf32, #tpu.memory_space<vmem>>
    %dma_start3A_170 = arith.constant 0 : i32
    %dma_start3A_171 = tpu.memref_slice %arg3[%add3A_147, %dma_start3A_170] : memref<2048x1024xf32, #tpu.memory_space<hbm>> -> memref<4x1024xf32, #tpu.memory_space<hbm>>
    %dma_start3A_172 = arith.constant 0 : i32
    %dma_start3A_173 = arith.constant 0 : i32
    %dma_start3A_174 = tpu.memref_slice %arg6[%dma_start3A_165, %dma_start3A_172, %dma_start3A_173] : memref<3x4x1024xf32, #tpu.memory_space<vmem>> -> memref<1x4x1024xf32, #tpu.memory_space<vmem>>
    %dma_start3A_175 = tpu.memref_squeeze %dma_start3A_174 : memref<1x4x1024xf32, #tpu.memory_space<vmem>> -> memref<4x1024xf32, #tpu.memory_space<vmem>>
    %dma_start3A_176 = arith.constant 0 : i32
    %dma_start3A_177 = tpu.memref_slice %arg3[%add3A_147, %dma_start3A_176] : memref<2048x1024xf32, #tpu.memory_space<hbm>> -> memref<4x1024xf32, #tpu.memory_space<hbm>>
    tpu.enqueue_dma source(%dma_start3A_177 : memref<4x1024xf32, #tpu.memory_space<hbm>>) target(%dma_start3A_175 : memref<4x1024xf32, #tpu.memory_space<vmem>>) target_semaphore(%arg11 : memref<!tpu.dma_semaphore, #tpu.memory_space<semaphore_mem>>)
    %add3A_178 = arith.constant 4 : i32
    %add3A_179 = arith.addi %mul3A_2, %add3A_178 : i32
    %dma_wait3A_180 = arith.constant 1 : i32
    %dma_wait3A_181 = arith.constant 0 : i32
    %dma_wait3A_182 = arith.constant 0 : i32
    %dma_wait3A_183 = arith.constant 0 : i32
    %dma_wait3A_184 = tpu.memref_slice %arg5[%dma_wait3A_180, %dma_wait3A_181, %dma_wait3A_182, %dma_wait3A_183] : memref<3x4x4x1024xf32, #tpu.memory_space<vmem>> -> memref<1x4x4x1024xf32, #tpu.memory_space<vmem>>
    %dma_wait3A_185 = tpu.memref_squeeze %dma_wait3A_184 : memref<1x4x4x1024xf32, #tpu.memory_space<vmem>> -> memref<4x4x1024xf32, #tpu.memory_space<vmem>>
    %dma_wait3A_186 = arith.constant 0 : i32
    %dma_wait3A_187 = arith.constant 0 : i32
    %dma_wait3A_188 = tpu.memref_slice %arg2[%add3A_179, %dma_wait3A_186, %dma_wait3A_187] : memref<2048x4x1024xf32, #tpu.memory_space<hbm>> -> memref<4x4x1024xf32, #tpu.memory_space<hbm>>
    %dma_wait3A_189 = arith.constant 0 : i32
    %dma_wait3A_190 = arith.constant 0 : i32
    %dma_wait3A_191 = arith.constant 0 : i32
    %dma_wait3A_192 = tpu.memref_slice %arg5[%dma_wait3A_180, %dma_wait3A_189, %dma_wait3A_190, %dma_wait3A_191] : memref<3x4x4x1024xf32, #tpu.memory_space<vmem>> -> memref<1x4x4x1024xf32, #tpu.memory_space<vmem>>
    %dma_wait3A_193 = tpu.memref_squeeze %dma_wait3A_192 : memref<1x4x4x1024xf32, #tpu.memory_space<vmem>> -> memref<4x4x1024xf32, #tpu.memory_space<vmem>>
    %dma_wait3A_194 = arith.constant 0 : i32
    %dma_wait3A_195 = arith.constant 0 : i32
    %dma_wait3A_196 = tpu.memref_slice %arg2[%add3A_179, %dma_wait3A_194, %dma_wait3A_195] : memref<2048x4x1024xf32, #tpu.memory_space<hbm>> -> memref<4x4x1024xf32, #tpu.memory_space<hbm>>
    tpu.wait_dma2 semaphore(%arg9 : memref<!tpu.dma_semaphore, #tpu.memory_space<semaphore_mem>>) src(%dma_wait3A_196 : memref<4x4x1024xf32, #tpu.memory_space<hbm>>) dst(%dma_wait3A_193 : memref<4x4x1024xf32, #tpu.memory_space<vmem>>)
    %dma_wait3A_197 = arith.constant 1 : i32
    %dma_wait3A_198 = arith.constant 0 : i32
    %dma_wait3A_199 = arith.constant 0 : i32
    %dma_wait3A_200 = tpu.memref_slice %arg6[%dma_wait3A_197, %dma_wait3A_198, %dma_wait3A_199] : memref<3x4x1024xf32, #tpu.memory_space<vmem>> -> memref<1x4x1024xf32, #tpu.memory_space<vmem>>
    %dma_wait3A_201 = tpu.memref_squeeze %dma_wait3A_200 : memref<1x4x1024xf32, #tpu.memory_space<vmem>> -> memref<4x1024xf32, #tpu.memory_space<vmem>>
    %dma_wait3A_202 = arith.constant 0 : i32
    %dma_wait3A_203 = tpu.memref_slice %arg3[%add3A_179, %dma_wait3A_202] : memref<2048x1024xf32, #tpu.memory_space<hbm>> -> memref<4x1024xf32, #tpu.memory_space<hbm>>
    %dma_wait3A_204 = arith.constant 0 : i32
    %dma_wait3A_205 = arith.constant 0 : i32
    %dma_wait3A_206 = tpu.memref_slice %arg6[%dma_wait3A_197, %dma_wait3A_204, %dma_wait3A_205] : memref<3x4x1024xf32, #tpu.memory_space<vmem>> -> memref<1x4x1024xf32, #tpu.memory_space<vmem>>
    %dma_wait3A_207 = tpu.memref_squeeze %dma_wait3A_206 : memref<1x4x1024xf32, #tpu.memory_space<vmem>> -> memref<4x1024xf32, #tpu.memory_space<vmem>>
    %dma_wait3A_208 = arith.constant 0 : i32
    %dma_wait3A_209 = tpu.memref_slice %arg3[%add3A_179, %dma_wait3A_208] : memref<2048x1024xf32, #tpu.memory_space<hbm>> -> memref<4x1024xf32, #tpu.memory_space<hbm>>
    tpu.wait_dma2 semaphore(%arg12 : memref<!tpu.dma_semaphore, #tpu.memory_space<semaphore_mem>>) src(%dma_wait3A_209 : memref<4x1024xf32, #tpu.memory_space<hbm>>) dst(%dma_wait3A_207 : memref<4x1024xf32, #tpu.memory_space<vmem>>)
    %dma_start3A_210 = arith.constant 1 : i32
    %dma_start3A_211 = arith.constant 0 : i32
    %dma_start3A_212 = arith.constant 0 : i32
    %dma_start3A_213 = arith.constant 0 : i32
    %dma_start3A_214 = tpu.memref_slice %arg5[%dma_start3A_210, %dma_start3A_211, %dma_start3A_212, %dma_start3A_213] : memref<3x4x4x1024xf32, #tpu.memory_space<vmem>> -> memref<1x4x4x1024xf32, #tpu.memory_space<vmem>>
    %dma_start3A_215 = tpu.memref_squeeze %dma_start3A_214 : memref<1x4x4x1024xf32, #tpu.memory_space<vmem>> -> memref<4x4x1024xf32, #tpu.memory_space<vmem>>
    %dma_start3A_216 = arith.constant 0 : i32
    %dma_start3A_217 = arith.constant 0 : i32
    %dma_start3A_218 = tpu.memref_slice %arg4[%add3A_179, %dma_start3A_216, %dma_start3A_217] : memref<2048x4x1024xf32, #tpu.memory_space<hbm>> -> memref<4x4x1024xf32, #tpu.memory_space<hbm>>
    %dma_start3A_219 = arith.constant 0 : i32
    %dma_start3A_220 = arith.constant 0 : i32
    %dma_start3A_221 = tpu.memref_slice %arg4[%add3A_179, %dma_start3A_219, %dma_start3A_220] : memref<2048x4x1024xf32, #tpu.memory_space<hbm>> -> memref<4x4x1024xf32, #tpu.memory_space<hbm>>
    %dma_start3A_222 = arith.constant 0 : i32
    %dma_start3A_223 = arith.constant 0 : i32
    %dma_start3A_224 = arith.constant 0 : i32
    %dma_start3A_225 = tpu.memref_slice %arg5[%dma_start3A_210, %dma_start3A_222, %dma_start3A_223, %dma_start3A_224] : memref<3x4x4x1024xf32, #tpu.memory_space<vmem>> -> memref<1x4x4x1024xf32, #tpu.memory_space<vmem>>
    %dma_start3A_226 = tpu.memref_squeeze %dma_start3A_225 : memref<1x4x4x1024xf32, #tpu.memory_space<vmem>> -> memref<4x4x1024xf32, #tpu.memory_space<vmem>>
    tpu.enqueue_dma source(%dma_start3A_226 : memref<4x4x1024xf32, #tpu.memory_space<vmem>>) target(%dma_start3A_221 : memref<4x4x1024xf32, #tpu.memory_space<hbm>>) target_semaphore(%arg15 : memref<!tpu.dma_semaphore, #tpu.memory_space<semaphore_mem>>)
    %add3A_227 = arith.constant 16 : i32
    %add3A_228 = arith.addi %mul3A_2, %add3A_227 : i32
    %dma_start3A_229 = arith.constant 1 : i32
    %dma_start3A_230 = arith.constant 0 : i32
    %dma_start3A_231 = arith.constant 0 : i32
    %dma_start3A_232 = arith.constant 0 : i32
    %dma_start3A_233 = tpu.memref_slice %arg5[%dma_start3A_229, %dma_start3A_230, %dma_start3A_231, %dma_start3A_232] : memref<3x4x4x1024xf32, #tpu.memory_space<vmem>> -> memref<1x4x4x1024xf32, #tpu.memory_space<vmem>>
    %dma_start3A_234 = tpu.memref_squeeze %dma_start3A_233 : memref<1x4x4x1024xf32, #tpu.memory_space<vmem>> -> memref<4x4x1024xf32, #tpu.memory_space<vmem>>
    %dma_start3A_235 = arith.constant 0 : i32
    %dma_start3A_236 = arith.constant 0 : i32
    %dma_start3A_237 = tpu.memref_slice %arg2[%add3A_228, %dma_start3A_235, %dma_start3A_236] : memref<2048x4x1024xf32, #tpu.memory_space<hbm>> -> memref<4x4x1024xf32, #tpu.memory_space<hbm>>
    %dma_start3A_238 = arith.constant 0 : i32
    %dma_start3A_239 = arith.constant 0 : i32
    %dma_start3A_240 = arith.constant 0 : i32
    %dma_start3A_241 = tpu.memref_slice %arg5[%dma_start3A_229, %dma_start3A_238, %dma_start3A_239, %dma_start3A_240] : memref<3x4x4x1024xf32, #tpu.memory_space<vmem>> -> memref<1x4x4x1024xf32, #tpu.memory_space<vmem>>
    %dma_start3A_242 = tpu.memref_squeeze %dma_start3A_241 : memref<1x4x4x1024xf32, #tpu.memory_space<vmem>> -> memref<4x4x1024xf32, #tpu.memory_space<vmem>>
    %dma_start3A_243 = arith.constant 0 : i32
    %dma_start3A_244 = arith.constant 0 : i32
    %dma_start3A_245 = tpu.memref_slice %arg2[%add3A_228, %dma_start3A_243, %dma_start3A_244] : memref<2048x4x1024xf32, #tpu.memory_space<hbm>> -> memref<4x4x1024xf32, #tpu.memory_space<hbm>>
    tpu.enqueue_dma source(%dma_start3A_245 : memref<4x4x1024xf32, #tpu.memory_space<hbm>>) target(%dma_start3A_242 : memref<4x4x1024xf32, #tpu.memory_space<vmem>>) target_semaphore(%arg9 : memref<!tpu.dma_semaphore, #tpu.memory_space<semaphore_mem>>)
    %dma_start3A_246 = arith.constant 1 : i32
    %dma_start3A_247 = arith.constant 0 : i32
    %dma_start3A_248 = arith.constant 0 : i32
    %dma_start3A_249 = tpu.memref_slice %arg6[%dma_start3A_246, %dma_start3A_247, %dma_start3A_248] : memref<3x4x1024xf32, #tpu.memory_space<vmem>> -> memref<1x4x1024xf32, #tpu.memory_space<vmem>>
    %dma_start3A_250 = tpu.memref_squeeze %dma_start3A_249 : memref<1x4x1024xf32, #tpu.memory_space<vmem>> -> memref<4x1024xf32, #tpu.memory_space<vmem>>
    %dma_start3A_251 = arith.constant 0 : i32
    %dma_start3A_252 = tpu.memref_slice %arg3[%add3A_228, %dma_start3A_251] : memref<2048x1024xf32, #tpu.memory_space<hbm>> -> memref<4x1024xf32, #tpu.memory_space<hbm>>
    %dma_start3A_253 = arith.constant 0 : i32
    %dma_start3A_254 = arith.constant 0 : i32
    %dma_start3A_255 = tpu.memref_slice %arg6[%dma_start3A_246, %dma_start3A_253, %dma_start3A_254] : memref<3x4x1024xf32, #tpu.memory_space<vmem>> -> memref<1x4x1024xf32, #tpu.memory_space<vmem>>
    %dma_start3A_256 = tpu.memref_squeeze %dma_start3A_255 : memref<1x4x1024xf32, #tpu.memory_space<vmem>> -> memref<4x1024xf32, #tpu.memory_space<vmem>>
    %dma_start3A_257 = arith.constant 0 : i32
    %dma_start3A_258 = tpu.memref_slice %arg3[%add3A_228, %dma_start3A_257] : memref<2048x1024xf32, #tpu.memory_space<hbm>> -> memref<4x1024xf32, #tpu.memory_space<hbm>>
    tpu.enqueue_dma source(%dma_start3A_258 : memref<4x1024xf32, #tpu.memory_space<hbm>>) target(%dma_start3A_256 : memref<4x1024xf32, #tpu.memory_space<vmem>>) target_semaphore(%arg12 : memref<!tpu.dma_semaphore, #tpu.memory_space<semaphore_mem>>)
    %add3A_259 = arith.constant 8 : i32
    %add3A_260 = arith.addi %mul3A_2, %add3A_259 : i32
    %dma_wait3A_261 = arith.constant 2 : i32
    %dma_wait3A_262 = arith.constant 0 : i32
    %dma_wait3A_263 = arith.constant 0 : i32
    %dma_wait3A_264 = arith.constant 0 : i32
    %dma_wait3A_265 = tpu.memref_slice %arg5[%dma_wait3A_261, %dma_wait3A_262, %dma_wait3A_263, %dma_wait3A_264] : memref<3x4x4x1024xf32, #tpu.memory_space<vmem>> -> memref<1x4x4x1024xf32, #tpu.memory_space<vmem>>
    %dma_wait3A_266 = tpu.memref_squeeze %dma_wait3A_265 : memref<1x4x4x1024xf32, #tpu.memory_space<vmem>> -> memref<4x4x1024xf32, #tpu.memory_space<vmem>>
    %dma_wait3A_267 = arith.constant 0 : i32
    %dma_wait3A_268 = arith.constant 0 : i32
    %dma_wait3A_269 = tpu.memref_slice %arg2[%add3A_260, %dma_wait3A_267, %dma_wait3A_268] : memref<2048x4x1024xf32, #tpu.memory_space<hbm>> -> memref<4x4x1024xf32, #tpu.memory_space<hbm>>
    %dma_wait3A_270 = arith.constant 0 : i32
    %dma_wait3A_271 = arith.constant 0 : i32
    %dma_wait3A_272 = arith.constant 0 : i32
    %dma_wait3A_273 = tpu.memref_slice %arg5[%dma_wait3A_261, %dma_wait3A_270, %dma_wait3A_271, %dma_wait3A_272] : memref<3x4x4x1024xf32, #tpu.memory_space<vmem>> -> memref<1x4x4x1024xf32, #tpu.memory_space<vmem>>
    %dma_wait3A_274 = tpu.memref_squeeze %dma_wait3A_273 : memref<1x4x4x1024xf32, #tpu.memory_space<vmem>> -> memref<4x4x1024xf32, #tpu.memory_space<vmem>>
    %dma_wait3A_275 = arith.constant 0 : i32
    %dma_wait3A_276 = arith.constant 0 : i32
    %dma_wait3A_277 = tpu.memref_slice %arg2[%add3A_260, %dma_wait3A_275, %dma_wait3A_276] : memref<2048x4x1024xf32, #tpu.memory_space<hbm>> -> memref<4x4x1024xf32, #tpu.memory_space<hbm>>
    tpu.wait_dma2 semaphore(%arg10 : memref<!tpu.dma_semaphore, #tpu.memory_space<semaphore_mem>>) src(%dma_wait3A_277 : memref<4x4x1024xf32, #tpu.memory_space<hbm>>) dst(%dma_wait3A_274 : memref<4x4x1024xf32, #tpu.memory_space<vmem>>)
    %dma_wait3A_278 = arith.constant 2 : i32
    %dma_wait3A_279 = arith.constant 0 : i32
    %dma_wait3A_280 = arith.constant 0 : i32
    %dma_wait3A_281 = tpu.memref_slice %arg6[%dma_wait3A_278, %dma_wait3A_279, %dma_wait3A_280] : memref<3x4x1024xf32, #tpu.memory_space<vmem>> -> memref<1x4x1024xf32, #tpu.memory_space<vmem>>
    %dma_wait3A_282 = tpu.memref_squeeze %dma_wait3A_281 : memref<1x4x1024xf32, #tpu.memory_space<vmem>> -> memref<4x1024xf32, #tpu.memory_space<vmem>>
    %dma_wait3A_283 = arith.constant 0 : i32
    %dma_wait3A_284 = tpu.memref_slice %arg3[%add3A_260, %dma_wait3A_283] : memref<2048x1024xf32, #tpu.memory_space<hbm>> -> memref<4x1024xf32, #tpu.memory_space<hbm>>
    %dma_wait3A_285 = arith.constant 0 : i32
    %dma_wait3A_286 = arith.constant 0 : i32
    %dma_wait3A_287 = tpu.memref_slice %arg6[%dma_wait3A_278, %dma_wait3A_285, %dma_wait3A_286] : memref<3x4x1024xf32, #tpu.memory_space<vmem>> -> memref<1x4x1024xf32, #tpu.memory_space<vmem>>
    %dma_wait3A_288 = tpu.memref_squeeze %dma_wait3A_287 : memref<1x4x1024xf32, #tpu.memory_space<vmem>> -> memref<4x1024xf32, #tpu.memory_space<vmem>>
    %dma_wait3A_289 = arith.constant 0 : i32
    %dma_wait3A_290 = tpu.memref_slice %arg3[%add3A_260, %dma_wait3A_289] : memref<2048x1024xf32, #tpu.memory_space<hbm>> -> memref<4x1024xf32, #tpu.memory_space<hbm>>
    tpu.wait_dma2 semaphore(%arg13 : memref<!tpu.dma_semaphore, #tpu.memory_space<semaphore_mem>>) src(%dma_wait3A_290 : memref<4x1024xf32, #tpu.memory_space<hbm>>) dst(%dma_wait3A_288 : memref<4x1024xf32, #tpu.memory_space<vmem>>)
    %add3A_291 = arith.constant 0 : i32
    %add3A_292 = arith.addi %mul3A_2, %add3A_291 : i32
    %dma_wait3A_293 = arith.constant 0 : i32
    %dma_wait3A_294 = arith.constant 0 : i32
    %dma_wait3A_295 = arith.constant 0 : i32
    %dma_wait3A_296 = arith.constant 0 : i32
    %dma_wait3A_297 = tpu.memref_slice %arg7[%dma_wait3A_293, %dma_wait3A_294, %dma_wait3A_295, %dma_wait3A_296] : memref<2x4x4x1024xf32, #tpu.memory_space<vmem>> -> memref<1x4x4x1024xf32, #tpu.memory_space<vmem>>
    %dma_wait3A_298 = tpu.memref_squeeze %dma_wait3A_297 : memref<1x4x4x1024xf32, #tpu.memory_space<vmem>> -> memref<4x4x1024xf32, #tpu.memory_space<vmem>>
    %dma_wait3A_299 = arith.constant 0 : i32
    %dma_wait3A_300 = arith.constant 0 : i32
    %dma_wait3A_301 = tpu.memref_slice %arg4[%add3A_292, %dma_wait3A_299, %dma_wait3A_300] : memref<2048x4x1024xf32, #tpu.memory_space<hbm>> -> memref<4x4x1024xf32, #tpu.memory_space<hbm>>
    %dma_wait3A_302 = arith.constant 0 : i32
    %dma_wait3A_303 = arith.constant 0 : i32
    %dma_wait3A_304 = tpu.memref_slice %arg4[%add3A_292, %dma_wait3A_302, %dma_wait3A_303] : memref<2048x4x1024xf32, #tpu.memory_space<hbm>> -> memref<4x4x1024xf32, #tpu.memory_space<hbm>>
    %dma_wait3A_305 = arith.constant 0 : i32
    %dma_wait3A_306 = arith.constant 0 : i32
    %dma_wait3A_307 = arith.constant 0 : i32
    %dma_wait3A_308 = tpu.memref_slice %arg7[%dma_wait3A_293, %dma_wait3A_305, %dma_wait3A_306, %dma_wait3A_307] : memref<2x4x4x1024xf32, #tpu.memory_space<vmem>> -> memref<1x4x4x1024xf32, #tpu.memory_space<vmem>>
    %dma_wait3A_309 = tpu.memref_squeeze %dma_wait3A_308 : memref<1x4x4x1024xf32, #tpu.memory_space<vmem>> -> memref<4x4x1024xf32, #tpu.memory_space<vmem>>
    tpu.wait_dma2 semaphore(%arg14 : memref<!tpu.dma_semaphore, #tpu.memory_space<semaphore_mem>>) src(%dma_wait3A_309 : memref<4x4x1024xf32, #tpu.memory_space<vmem>>) dst(%dma_wait3A_304 : memref<4x4x1024xf32, #tpu.memory_space<hbm>>)
    %dma_start3A_310 = arith.constant 2 : i32
    %dma_start3A_311 = arith.constant 0 : i32
    %dma_start3A_312 = arith.constant 0 : i32
    %dma_start3A_313 = arith.constant 0 : i32
    %dma_start3A_314 = tpu.memref_slice %arg5[%dma_start3A_310, %dma_start3A_311, %dma_start3A_312, %dma_start3A_313] : memref<3x4x4x1024xf32, #tpu.memory_space<vmem>> -> memref<1x4x4x1024xf32, #tpu.memory_space<vmem>>
    %dma_start3A_315 = tpu.memref_squeeze %dma_start3A_314 : memref<1x4x4x1024xf32, #tpu.memory_space<vmem>> -> memref<4x4x1024xf32, #tpu.memory_space<vmem>>
    %dma_start3A_316 = arith.constant 0 : i32
    %dma_start3A_317 = arith.constant 0 : i32
    %dma_start3A_318 = tpu.memref_slice %arg4[%add3A_260, %dma_start3A_316, %dma_start3A_317] : memref<2048x4x1024xf32, #tpu.memory_space<hbm>> -> memref<4x4x1024xf32, #tpu.memory_space<hbm>>
    %dma_start3A_319 = arith.constant 0 : i32
    %dma_start3A_320 = arith.constant 0 : i32
    %dma_start3A_321 = tpu.memref_slice %arg4[%add3A_260, %dma_start3A_319, %dma_start3A_320] : memref<2048x4x1024xf32, #tpu.memory_space<hbm>> -> memref<4x4x1024xf32, #tpu.memory_space<hbm>>
    %dma_start3A_322 = arith.constant 0 : i32
    %dma_start3A_323 = arith.constant 0 : i32
    %dma_start3A_324 = arith.constant 0 : i32
    %dma_start3A_325 = tpu.memref_slice %arg5[%dma_start3A_310, %dma_start3A_322, %dma_start3A_323, %dma_start3A_324] : memref<3x4x4x1024xf32, #tpu.memory_space<vmem>> -> memref<1x4x4x1024xf32, #tpu.memory_space<vmem>>
    %dma_start3A_326 = tpu.memref_squeeze %dma_start3A_325 : memref<1x4x4x1024xf32, #tpu.memory_space<vmem>> -> memref<4x4x1024xf32, #tpu.memory_space<vmem>>
    tpu.enqueue_dma source(%dma_start3A_326 : memref<4x4x1024xf32, #tpu.memory_space<vmem>>) target(%dma_start3A_321 : memref<4x4x1024xf32, #tpu.memory_space<hbm>>) target_semaphore(%arg14 : memref<!tpu.dma_semaphore, #tpu.memory_space<semaphore_mem>>)
    %add3A_327 = arith.constant 20 : i32
    %add3A_328 = arith.addi %mul3A_2, %add3A_327 : i32
    %dma_start3A_329 = arith.constant 2 : i32
    %dma_start3A_330 = arith.constant 0 : i32
    %dma_start3A_331 = arith.constant 0 : i32
    %dma_start3A_332 = arith.constant 0 : i32
    %dma_start3A_333 = tpu.memref_slice %arg5[%dma_start3A_329, %dma_start3A_330, %dma_start3A_331, %dma_start3A_332] : memref<3x4x4x1024xf32, #tpu.memory_space<vmem>> -> memref<1x4x4x1024xf32, #tpu.memory_space<vmem>>
    %dma_start3A_334 = tpu.memref_squeeze %dma_start3A_333 : memref<1x4x4x1024xf32, #tpu.memory_space<vmem>> -> memref<4x4x1024xf32, #tpu.memory_space<vmem>>
    %dma_start3A_335 = arith.constant 0 : i32
    %dma_start3A_336 = arith.constant 0 : i32
    %dma_start3A_337 = tpu.memref_slice %arg2[%add3A_328, %dma_start3A_335, %dma_start3A_336] : memref<2048x4x1024xf32, #tpu.memory_space<hbm>> -> memref<4x4x1024xf32, #tpu.memory_space<hbm>>
    %dma_start3A_338 = arith.constant 0 : i32
    %dma_start3A_339 = arith.constant 0 : i32
    %dma_start3A_340 = arith.constant 0 : i32
    %dma_start3A_341 = tpu.memref_slice %arg5[%dma_start3A_329, %dma_start3A_338, %dma_start3A_339, %dma_start3A_340] : memref<3x4x4x1024xf32, #tpu.memory_space<vmem>> -> memref<1x4x4x1024xf32, #tpu.memory_space<vmem>>
    %dma_start3A_342 = tpu.memref_squeeze %dma_start3A_341 : memref<1x4x4x1024xf32, #tpu.memory_space<vmem>> -> memref<4x4x1024xf32, #tpu.memory_space<vmem>>
    %dma_start3A_343 = arith.constant 0 : i32
    %dma_start3A_344 = arith.constant 0 : i32
    %dma_start3A_345 = tpu.memref_slice %arg2[%add3A_328, %dma_start3A_343, %dma_start3A_344] : memref<2048x4x1024xf32, #tpu.memory_space<hbm>> -> memref<4x4x1024xf32, #tpu.memory_space<hbm>>
    tpu.enqueue_dma source(%dma_start3A_345 : memref<4x4x1024xf32, #tpu.memory_space<hbm>>) target(%dma_start3A_342 : memref<4x4x1024xf32, #tpu.memory_space<vmem>>) target_semaphore(%arg10 : memref<!tpu.dma_semaphore, #tpu.memory_space<semaphore_mem>>)
    %dma_start3A_346 = arith.constant 2 : i32
    %dma_start3A_347 = arith.constant 0 : i32
    %dma_start3A_348 = arith.constant 0 : i32
    %dma_start3A_349 = tpu.memref_slice %arg6[%dma_start3A_346, %dma_start3A_347, %dma_start3A_348] : memref<3x4x1024xf32, #tpu.memory_space<vmem>> -> memref<1x4x1024xf32, #tpu.memory_space<vmem>>
    %dma_start3A_350 = tpu.memref_squeeze %dma_start3A_349 : memref<1x4x1024xf32, #tpu.memory_space<vmem>> -> memref<4x1024xf32, #tpu.memory_space<vmem>>
    %dma_start3A_351 = arith.constant 0 : i32
    %dma_start3A_352 = tpu.memref_slice %arg3[%add3A_328, %dma_start3A_351] : memref<2048x1024xf32, #tpu.memory_space<hbm>> -> memref<4x1024xf32, #tpu.memory_space<hbm>>
    %dma_start3A_353 = arith.constant 0 : i32
    %dma_start3A_354 = arith.constant 0 : i32
    %dma_start3A_355 = tpu.memref_slice %arg6[%dma_start3A_346, %dma_start3A_353, %dma_start3A_354] : memref<3x4x1024xf32, #tpu.memory_space<vmem>> -> memref<1x4x1024xf32, #tpu.memory_space<vmem>>
    %dma_start3A_356 = tpu.memref_squeeze %dma_start3A_355 : memref<1x4x1024xf32, #tpu.memory_space<vmem>> -> memref<4x1024xf32, #tpu.memory_space<vmem>>
    %dma_start3A_357 = arith.constant 0 : i32
    %dma_start3A_358 = tpu.memref_slice %arg3[%add3A_328, %dma_start3A_357] : memref<2048x1024xf32, #tpu.memory_space<hbm>> -> memref<4x1024xf32, #tpu.memory_space<hbm>>
    tpu.enqueue_dma source(%dma_start3A_358 : memref<4x1024xf32, #tpu.memory_space<hbm>>) target(%dma_start3A_356 : memref<4x1024xf32, #tpu.memory_space<vmem>>) target_semaphore(%arg13 : memref<!tpu.dma_semaphore, #tpu.memory_space<semaphore_mem>>)
    %add3A_359 = arith.constant 12 : i32
    %add3A_360 = arith.addi %mul3A_2, %add3A_359 : i32
    %dma_wait3A_361 = arith.constant 0 : i32
    %dma_wait3A_362 = arith.constant 0 : i32
    %dma_wait3A_363 = arith.constant 0 : i32
    %dma_wait3A_364 = arith.constant 0 : i32
    %dma_wait3A_365 = tpu.memref_slice %arg5[%dma_wait3A_361, %dma_wait3A_362, %dma_wait3A_363, %dma_wait3A_364] : memref<3x4x4x1024xf32, #tpu.memory_space<vmem>> -> memref<1x4x4x1024xf32, #tpu.memory_space<vmem>>
    %dma_wait3A_366 = tpu.memref_squeeze %dma_wait3A_365 : memref<1x4x4x1024xf32, #tpu.memory_space<vmem>> -> memref<4x4x1024xf32, #tpu.memory_space<vmem>>
    %dma_wait3A_367 = arith.constant 0 : i32
    %dma_wait3A_368 = arith.constant 0 : i32
    %dma_wait3A_369 = tpu.memref_slice %arg2[%add3A_360, %dma_wait3A_367, %dma_wait3A_368] : memref<2048x4x1024xf32, #tpu.memory_space<hbm>> -> memref<4x4x1024xf32, #tpu.memory_space<hbm>>
    %dma_wait3A_370 = arith.constant 0 : i32
    %dma_wait3A_371 = arith.constant 0 : i32
    %dma_wait3A_372 = arith.constant 0 : i32
    %dma_wait3A_373 = tpu.memref_slice %arg5[%dma_wait3A_361, %dma_wait3A_370, %dma_wait3A_371, %dma_wait3A_372] : memref<3x4x4x1024xf32, #tpu.memory_space<vmem>> -> memref<1x4x4x1024xf32, #tpu.memory_space<vmem>>
    %dma_wait3A_374 = tpu.memref_squeeze %dma_wait3A_373 : memref<1x4x4x1024xf32, #tpu.memory_space<vmem>> -> memref<4x4x1024xf32, #tpu.memory_space<vmem>>
    %dma_wait3A_375 = arith.constant 0 : i32
    %dma_wait3A_376 = arith.constant 0 : i32
    %dma_wait3A_377 = tpu.memref_slice %arg2[%add3A_360, %dma_wait3A_375, %dma_wait3A_376] : memref<2048x4x1024xf32, #tpu.memory_space<hbm>> -> memref<4x4x1024xf32, #tpu.memory_space<hbm>>
    tpu.wait_dma2 semaphore(%arg8 : memref<!tpu.dma_semaphore, #tpu.memory_space<semaphore_mem>>) src(%dma_wait3A_377 : memref<4x4x1024xf32, #tpu.memory_space<hbm>>) dst(%dma_wait3A_374 : memref<4x4x1024xf32, #tpu.memory_space<vmem>>)
    %dma_wait3A_378 = arith.constant 0 : i32
    %dma_wait3A_379 = arith.constant 0 : i32
    %dma_wait3A_380 = arith.constant 0 : i32
    %dma_wait3A_381 = tpu.memref_slice %arg6[%dma_wait3A_378, %dma_wait3A_379, %dma_wait3A_380] : memref<3x4x1024xf32, #tpu.memory_space<vmem>> -> memref<1x4x1024xf32, #tpu.memory_space<vmem>>
    %dma_wait3A_382 = tpu.memref_squeeze %dma_wait3A_381 : memref<1x4x1024xf32, #tpu.memory_space<vmem>> -> memref<4x1024xf32, #tpu.memory_space<vmem>>
    %dma_wait3A_383 = arith.constant 0 : i32
    %dma_wait3A_384 = tpu.memref_slice %arg3[%add3A_360, %dma_wait3A_383] : memref<2048x1024xf32, #tpu.memory_space<hbm>> -> memref<4x1024xf32, #tpu.memory_space<hbm>>
    %dma_wait3A_385 = arith.constant 0 : i32
    %dma_wait3A_386 = arith.constant 0 : i32
    %dma_wait3A_387 = tpu.memref_slice %arg6[%dma_wait3A_378, %dma_wait3A_385, %dma_wait3A_386] : memref<3x4x1024xf32, #tpu.memory_space<vmem>> -> memref<1x4x1024xf32, #tpu.memory_space<vmem>>
    %dma_wait3A_388 = tpu.memref_squeeze %dma_wait3A_387 : memref<1x4x1024xf32, #tpu.memory_space<vmem>> -> memref<4x1024xf32, #tpu.memory_space<vmem>>
    %dma_wait3A_389 = arith.constant 0 : i32
    %dma_wait3A_390 = tpu.memref_slice %arg3[%add3A_360, %dma_wait3A_389] : memref<2048x1024xf32, #tpu.memory_space<hbm>> -> memref<4x1024xf32, #tpu.memory_space<hbm>>
    tpu.wait_dma2 semaphore(%arg11 : memref<!tpu.dma_semaphore, #tpu.memory_space<semaphore_mem>>) src(%dma_wait3A_390 : memref<4x1024xf32, #tpu.memory_space<hbm>>) dst(%dma_wait3A_388 : memref<4x1024xf32, #tpu.memory_space<vmem>>)
    %add3A_391 = arith.constant 4 : i32
    %add3A_392 = arith.addi %mul3A_2, %add3A_391 : i32
    %dma_wait3A_393 = arith.constant 1 : i32
    %dma_wait3A_394 = arith.constant 0 : i32
    %dma_wait3A_395 = arith.constant 0 : i32
    %dma_wait3A_396 = arith.constant 0 : i32
    %dma_wait3A_397 = tpu.memref_slice %arg7[%dma_wait3A_393, %dma_wait3A_394, %dma_wait3A_395, %dma_wait3A_396] : memref<2x4x4x1024xf32, #tpu.memory_space<vmem>> -> memref<1x4x4x1024xf32, #tpu.memory_space<vmem>>
    %dma_wait3A_398 = tpu.memref_squeeze %dma_wait3A_397 : memref<1x4x4x1024xf32, #tpu.memory_space<vmem>> -> memref<4x4x1024xf32, #tpu.memory_space<vmem>>
    %dma_wait3A_399 = arith.constant 0 : i32
    %dma_wait3A_400 = arith.constant 0 : i32
    %dma_wait3A_401 = tpu.memref_slice %arg4[%add3A_392, %dma_wait3A_399, %dma_wait3A_400] : memref<2048x4x1024xf32, #tpu.memory_space<hbm>> -> memref<4x4x1024xf32, #tpu.memory_space<hbm>>
    %dma_wait3A_402 = arith.constant 0 : i32
    %dma_wait3A_403 = arith.constant 0 : i32
    %dma_wait3A_404 = tpu.memref_slice %arg4[%add3A_392, %dma_wait3A_402, %dma_wait3A_403] : memref<2048x4x1024xf32, #tpu.memory_space<hbm>> -> memref<4x4x1024xf32, #tpu.memory_space<hbm>>
    %dma_wait3A_405 = arith.constant 0 : i32
    %dma_wait3A_406 = arith.constant 0 : i32
    %dma_wait3A_407 = arith.constant 0 : i32
    %dma_wait3A_408 = tpu.memref_slice %arg7[%dma_wait3A_393, %dma_wait3A_405, %dma_wait3A_406, %dma_wait3A_407] : memref<2x4x4x1024xf32, #tpu.memory_space<vmem>> -> memref<1x4x4x1024xf32, #tpu.memory_space<vmem>>
    %dma_wait3A_409 = tpu.memref_squeeze %dma_wait3A_408 : memref<1x4x4x1024xf32, #tpu.memory_space<vmem>> -> memref<4x4x1024xf32, #tpu.memory_space<vmem>>
    tpu.wait_dma2 semaphore(%arg15 : memref<!tpu.dma_semaphore, #tpu.memory_space<semaphore_mem>>) src(%dma_wait3A_409 : memref<4x4x1024xf32, #tpu.memory_space<vmem>>) dst(%dma_wait3A_404 : memref<4x4x1024xf32, #tpu.memory_space<hbm>>)
    %dma_start3A_410 = arith.constant 0 : i32
    %dma_start3A_411 = arith.constant 0 : i32
    %dma_start3A_412 = arith.constant 0 : i32
    %dma_start3A_413 = arith.constant 0 : i32
    %dma_start3A_414 = tpu.memref_slice %arg5[%dma_start3A_410, %dma_start3A_411, %dma_start3A_412, %dma_start3A_413] : memref<3x4x4x1024xf32, #tpu.memory_space<vmem>> -> memref<1x4x4x1024xf32, #tpu.memory_space<vmem>>
    %dma_start3A_415 = tpu.memref_squeeze %dma_start3A_414 : memref<1x4x4x1024xf32, #tpu.memory_space<vmem>> -> memref<4x4x1024xf32, #tpu.memory_space<vmem>>
    %dma_start3A_416 = arith.constant 0 : i32
    %dma_start3A_417 = arith.constant 0 : i32
    %dma_start3A_418 = tpu.memref_slice %arg4[%add3A_360, %dma_start3A_416, %dma_start3A_417] : memref<2048x4x1024xf32, #tpu.memory_space<hbm>> -> memref<4x4x1024xf32, #tpu.memory_space<hbm>>
    %dma_start3A_419 = arith.constant 0 : i32
    %dma_start3A_420 = arith.constant 0 : i32
    %dma_start3A_421 = tpu.memref_slice %arg4[%add3A_360, %dma_start3A_419, %dma_start3A_420] : memref<2048x4x1024xf32, #tpu.memory_space<hbm>> -> memref<4x4x1024xf32, #tpu.memory_space<hbm>>
    %dma_start3A_422 = arith.constant 0 : i32
    %dma_start3A_423 = arith.constant 0 : i32
    %dma_start3A_424 = arith.constant 0 : i32
    %dma_start3A_425 = tpu.memref_slice %arg5[%dma_start3A_410, %dma_start3A_422, %dma_start3A_423, %dma_start3A_424] : memref<3x4x4x1024xf32, #tpu.memory_space<vmem>> -> memref<1x4x4x1024xf32, #tpu.memory_space<vmem>>
    %dma_start3A_426 = tpu.memref_squeeze %dma_start3A_425 : memref<1x4x4x1024xf32, #tpu.memory_space<vmem>> -> memref<4x4x1024xf32, #tpu.memory_space<vmem>>
    tpu.enqueue_dma source(%dma_start3A_426 : memref<4x4x1024xf32, #tpu.memory_space<vmem>>) target(%dma_start3A_421 : memref<4x4x1024xf32, #tpu.memory_space<hbm>>) target_semaphore(%arg15 : memref<!tpu.dma_semaphore, #tpu.memory_space<semaphore_mem>>)
    %add3A_427 = arith.constant 24 : i32
    %add3A_428 = arith.addi %mul3A_2, %add3A_427 : i32
    %dma_start3A_429 = arith.constant 0 : i32
    %dma_start3A_430 = arith.constant 0 : i32
    %dma_start3A_431 = arith.constant 0 : i32
    %dma_start3A_432 = arith.constant 0 : i32
    %dma_start3A_433 = tpu.memref_slice %arg5[%dma_start3A_429, %dma_start3A_430, %dma_start3A_431, %dma_start3A_432] : memref<3x4x4x1024xf32, #tpu.memory_space<vmem>> -> memref<1x4x4x1024xf32, #tpu.memory_space<vmem>>
    %dma_start3A_434 = tpu.memref_squeeze %dma_start3A_433 : memref<1x4x4x1024xf32, #tpu.memory_space<vmem>> -> memref<4x4x1024xf32, #tpu.memory_space<vmem>>
    %dma_start3A_435 = arith.constant 0 : i32
    %dma_start3A_436 = arith.constant 0 : i32
    %dma_start3A_437 = tpu.memref_slice %arg2[%add3A_428, %dma_start3A_435, %dma_start3A_436] : memref<2048x4x1024xf32, #tpu.memory_space<hbm>> -> memref<4x4x1024xf32, #tpu.memory_space<hbm>>
    %dma_start3A_438 = arith.constant 0 : i32
    %dma_start3A_439 = arith.constant 0 : i32
    %dma_start3A_440 = arith.constant 0 : i32
    %dma_start3A_441 = tpu.memref_slice %arg5[%dma_start3A_429, %dma_start3A_438, %dma_start3A_439, %dma_start3A_440] : memref<3x4x4x1024xf32, #tpu.memory_space<vmem>> -> memref<1x4x4x1024xf32, #tpu.memory_space<vmem>>
    %dma_start3A_442 = tpu.memref_squeeze %dma_start3A_441 : memref<1x4x4x1024xf32, #tpu.memory_space<vmem>> -> memref<4x4x1024xf32, #tpu.memory_space<vmem>>
    %dma_start3A_443 = arith.constant 0 : i32
    %dma_start3A_444 = arith.constant 0 : i32
    %dma_start3A_445 = tpu.memref_slice %arg2[%add3A_428, %dma_start3A_443, %dma_start3A_444] : memref<2048x4x1024xf32, #tpu.memory_space<hbm>> -> memref<4x4x1024xf32, #tpu.memory_space<hbm>>
    tpu.enqueue_dma source(%dma_start3A_445 : memref<4x4x1024xf32, #tpu.memory_space<hbm>>) target(%dma_start3A_442 : memref<4x4x1024xf32, #tpu.memory_space<vmem>>) target_semaphore(%arg8 : memref<!tpu.dma_semaphore, #tpu.memory_space<semaphore_mem>>)
    %dma_start3A_446 = arith.constant 0 : i32
    %dma_start3A_447 = arith.constant 0 : i32
    %dma_start3A_448 = arith.constant 0 : i32
    %dma_start3A_449 = tpu.memref_slice %arg6[%dma_start3A_446, %dma_start3A_447, %dma_start3A_448] : memref<3x4x1024xf32, #tpu.memory_space<vmem>> -> memref<1x4x1024xf32, #tpu.memory_space<vmem>>
    %dma_start3A_450 = tpu.memref_squeeze %dma_start3A_449 : memref<1x4x1024xf32, #tpu.memory_space<vmem>> -> memref<4x1024xf32, #tpu.memory_space<vmem>>
    %dma_start3A_451 = arith.constant 0 : i32
    %dma_start3A_452 = tpu.memref_slice %arg3[%add3A_428, %dma_start3A_451] : memref<2048x1024xf32, #tpu.memory_space<hbm>> -> memref<4x1024xf32, #tpu.memory_space<hbm>>
    %dma_start3A_453 = arith.constant 0 : i32
    %dma_start3A_454 = arith.constant 0 : i32
    %dma_start3A_455 = tpu.memref_slice %arg6[%dma_start3A_446, %dma_start3A_453, %dma_start3A_454] : memref<3x4x1024xf32, #tpu.memory_space<vmem>> -> memref<1x4x1024xf32, #tpu.memory_space<vmem>>
    %dma_start3A_456 = tpu.memref_squeeze %dma_start3A_455 : memref<1x4x1024xf32, #tpu.memory_space<vmem>> -> memref<4x1024xf32, #tpu.memory_space<vmem>>
    %dma_start3A_457 = arith.constant 0 : i32
    %dma_start3A_458 = tpu.memref_slice %arg3[%add3A_428, %dma_start3A_457] : memref<2048x1024xf32, #tpu.memory_space<hbm>> -> memref<4x1024xf32, #tpu.memory_space<hbm>>
    tpu.enqueue_dma source(%dma_start3A_458 : memref<4x1024xf32, #tpu.memory_space<hbm>>) target(%dma_start3A_456 : memref<4x1024xf32, #tpu.memory_space<vmem>>) target_semaphore(%arg11 : memref<!tpu.dma_semaphore, #tpu.memory_space<semaphore_mem>>)
    %add3A_459 = arith.constant 16 : i32
    %add3A_460 = arith.addi %mul3A_2, %add3A_459 : i32
    %dma_wait3A_461 = arith.constant 1 : i32
    %dma_wait3A_462 = arith.constant 0 : i32
    %dma_wait3A_463 = arith.constant 0 : i32
    %dma_wait3A_464 = arith.constant 0 : i32
    %dma_wait3A_465 = tpu.memref_slice %arg5[%dma_wait3A_461, %dma_wait3A_462, %dma_wait3A_463, %dma_wait3A_464] : memref<3x4x4x1024xf32, #tpu.memory_space<vmem>> -> memref<1x4x4x1024xf32, #tpu.memory_space<vmem>>
    %dma_wait3A_466 = tpu.memref_squeeze %dma_wait3A_465 : memref<1x4x4x1024xf32, #tpu.memory_space<vmem>> -> memref<4x4x1024xf32, #tpu.memory_space<vmem>>
    %dma_wait3A_467 = arith.constant 0 : i32
    %dma_wait3A_468 = arith.constant 0 : i32
    %dma_wait3A_469 = tpu.memref_slice %arg2[%add3A_460, %dma_wait3A_467, %dma_wait3A_468] : memref<2048x4x1024xf32, #tpu.memory_space<hbm>> -> memref<4x4x1024xf32, #tpu.memory_space<hbm>>
    %dma_wait3A_470 = arith.constant 0 : i32
    %dma_wait3A_471 = arith.constant 0 : i32
    %dma_wait3A_472 = arith.constant 0 : i32
    %dma_wait3A_473 = tpu.memref_slice %arg5[%dma_wait3A_461, %dma_wait3A_470, %dma_wait3A_471, %dma_wait3A_472] : memref<3x4x4x1024xf32, #tpu.memory_space<vmem>> -> memref<1x4x4x1024xf32, #tpu.memory_space<vmem>>
    %dma_wait3A_474 = tpu.memref_squeeze %dma_wait3A_473 : memref<1x4x4x1024xf32, #tpu.memory_space<vmem>> -> memref<4x4x1024xf32, #tpu.memory_space<vmem>>
    %dma_wait3A_475 = arith.constant 0 : i32
    %dma_wait3A_476 = arith.constant 0 : i32
    %dma_wait3A_477 = tpu.memref_slice %arg2[%add3A_460, %dma_wait3A_475, %dma_wait3A_476] : memref<2048x4x1024xf32, #tpu.memory_space<hbm>> -> memref<4x4x1024xf32, #tpu.memory_space<hbm>>
    tpu.wait_dma2 semaphore(%arg9 : memref<!tpu.dma_semaphore, #tpu.memory_space<semaphore_mem>>) src(%dma_wait3A_477 : memref<4x4x1024xf32, #tpu.memory_space<hbm>>) dst(%dma_wait3A_474 : memref<4x4x1024xf32, #tpu.memory_space<vmem>>)
    %dma_wait3A_478 = arith.constant 1 : i32
    %dma_wait3A_479 = arith.constant 0 : i32
    %dma_wait3A_480 = arith.constant 0 : i32
    %dma_wait3A_481 = tpu.memref_slice %arg6[%dma_wait3A_478, %dma_wait3A_479, %dma_wait3A_480] : memref<3x4x1024xf32, #tpu.memory_space<vmem>> -> memref<1x4x1024xf32, #tpu.memory_space<vmem>>
    %dma_wait3A_482 = tpu.memref_squeeze %dma_wait3A_481 : memref<1x4x1024xf32, #tpu.memory_space<vmem>> -> memref<4x1024xf32, #tpu.memory_space<vmem>>
    %dma_wait3A_483 = arith.constant 0 : i32
    %dma_wait3A_484 = tpu.memref_slice %arg3[%add3A_460, %dma_wait3A_483] : memref<2048x1024xf32, #tpu.memory_space<hbm>> -> memref<4x1024xf32, #tpu.memory_space<hbm>>
    %dma_wait3A_485 = arith.constant 0 : i32
    %dma_wait3A_486 = arith.constant 0 : i32
    %dma_wait3A_487 = tpu.memref_slice %arg6[%dma_wait3A_478, %dma_wait3A_485, %dma_wait3A_486] : memref<3x4x1024xf32, #tpu.memory_space<vmem>> -> memref<1x4x1024xf32, #tpu.memory_space<vmem>>
    %dma_wait3A_488 = tpu.memref_squeeze %dma_wait3A_487 : memref<1x4x1024xf32, #tpu.memory_space<vmem>> -> memref<4x1024xf32, #tpu.memory_space<vmem>>
    %dma_wait3A_489 = arith.constant 0 : i32
    %dma_wait3A_490 = tpu.memref_slice %arg3[%add3A_460, %dma_wait3A_489] : memref<2048x1024xf32, #tpu.memory_space<hbm>> -> memref<4x1024xf32, #tpu.memory_space<hbm>>
    tpu.wait_dma2 semaphore(%arg12 : memref<!tpu.dma_semaphore, #tpu.memory_space<semaphore_mem>>) src(%dma_wait3A_490 : memref<4x1024xf32, #tpu.memory_space<hbm>>) dst(%dma_wait3A_488 : memref<4x1024xf32, #tpu.memory_space<vmem>>)
    %add3A_491 = arith.constant 8 : i32
    %add3A_492 = arith.addi %mul3A_2, %add3A_491 : i32
    %dma_wait3A_493 = arith.constant 0 : i32
    %dma_wait3A_494 = arith.constant 0 : i32
    %dma_wait3A_495 = arith.constant 0 : i32
    %dma_wait3A_496 = arith.constant 0 : i32
    %dma_wait3A_497 = tpu.memref_slice %arg7[%dma_wait3A_493, %dma_wait3A_494, %dma_wait3A_495, %dma_wait3A_496] : memref<2x4x4x1024xf32, #tpu.memory_space<vmem>> -> memref<1x4x4x1024xf32, #tpu.memory_space<vmem>>
    %dma_wait3A_498 = tpu.memref_squeeze %dma_wait3A_497 : memref<1x4x4x1024xf32, #tpu.memory_space<vmem>> -> memref<4x4x1024xf32, #tpu.memory_space<vmem>>
    %dma_wait3A_499 = arith.constant 0 : i32
    %dma_wait3A_500 = arith.constant 0 : i32
    %dma_wait3A_501 = tpu.memref_slice %arg4[%add3A_492, %dma_wait3A_499, %dma_wait3A_500] : memref<2048x4x1024xf32, #tpu.memory_space<hbm>> -> memref<4x4x1024xf32, #tpu.memory_space<hbm>>
    %dma_wait3A_502 = arith.constant 0 : i32
    %dma_wait3A_503 = arith.constant 0 : i32
    %dma_wait3A_504 = tpu.memref_slice %arg4[%add3A_492, %dma_wait3A_502, %dma_wait3A_503] : memref<2048x4x1024xf32, #tpu.memory_space<hbm>> -> memref<4x4x1024xf32, #tpu.memory_space<hbm>>
    %dma_wait3A_505 = arith.constant 0 : i32
    %dma_wait3A_506 = arith.constant 0 : i32
    %dma_wait3A_507 = arith.constant 0 : i32
    %dma_wait3A_508 = tpu.memref_slice %arg7[%dma_wait3A_493, %dma_wait3A_505, %dma_wait3A_506, %dma_wait3A_507] : memref<2x4x4x1024xf32, #tpu.memory_space<vmem>> -> memref<1x4x4x1024xf32, #tpu.memory_space<vmem>>
    %dma_wait3A_509 = tpu.memref_squeeze %dma_wait3A_508 : memref<1x4x4x1024xf32, #tpu.memory_space<vmem>> -> memref<4x4x1024xf32, #tpu.memory_space<vmem>>
    tpu.wait_dma2 semaphore(%arg14 : memref<!tpu.dma_semaphore, #tpu.memory_space<semaphore_mem>>) src(%dma_wait3A_509 : memref<4x4x1024xf32, #tpu.memory_space<vmem>>) dst(%dma_wait3A_504 : memref<4x4x1024xf32, #tpu.memory_space<hbm>>)
    %dma_start3A_510 = arith.constant 1 : i32
    %dma_start3A_511 = arith.constant 0 : i32
    %dma_start3A_512 = arith.constant 0 : i32
    %dma_start3A_513 = arith.constant 0 : i32
    %dma_start3A_514 = tpu.memref_slice %arg5[%dma_start3A_510, %dma_start3A_511, %dma_start3A_512, %dma_start3A_513] : memref<3x4x4x1024xf32, #tpu.memory_space<vmem>> -> memref<1x4x4x1024xf32, #tpu.memory_space<vmem>>
    %dma_start3A_515 = tpu.memref_squeeze %dma_start3A_514 : memref<1x4x4x1024xf32, #tpu.memory_space<vmem>> -> memref<4x4x1024xf32, #tpu.memory_space<vmem>>
    %dma_start3A_516 = arith.constant 0 : i32
    %dma_start3A_517 = arith.constant 0 : i32
    %dma_start3A_518 = tpu.memref_slice %arg4[%add3A_460, %dma_start3A_516, %dma_start3A_517] : memref<2048x4x1024xf32, #tpu.memory_space<hbm>> -> memref<4x4x1024xf32, #tpu.memory_space<hbm>>
    %dma_start3A_519 = arith.constant 0 : i32
    %dma_start3A_520 = arith.constant 0 : i32
    %dma_start3A_521 = tpu.memref_slice %arg4[%add3A_460, %dma_start3A_519, %dma_start3A_520] : memref<2048x4x1024xf32, #tpu.memory_space<hbm>> -> memref<4x4x1024xf32, #tpu.memory_space<hbm>>
    %dma_start3A_522 = arith.constant 0 : i32
    %dma_start3A_523 = arith.constant 0 : i32
    %dma_start3A_524 = arith.constant 0 : i32
    %dma_start3A_525 = tpu.memref_slice %arg5[%dma_start3A_510, %dma_start3A_522, %dma_start3A_523, %dma_start3A_524] : memref<3x4x4x1024xf32, #tpu.memory_space<vmem>> -> memref<1x4x4x1024xf32, #tpu.memory_space<vmem>>
    %dma_start3A_526 = tpu.memref_squeeze %dma_start3A_525 : memref<1x4x4x1024xf32, #tpu.memory_space<vmem>> -> memref<4x4x1024xf32, #tpu.memory_space<vmem>>
    tpu.enqueue_dma source(%dma_start3A_526 : memref<4x4x1024xf32, #tpu.memory_space<vmem>>) target(%dma_start3A_521 : memref<4x4x1024xf32, #tpu.memory_space<hbm>>) target_semaphore(%arg14 : memref<!tpu.dma_semaphore, #tpu.memory_space<semaphore_mem>>)
    %add3A_527 = arith.constant 28 : i32
    %add3A_528 = arith.addi %mul3A_2, %add3A_527 : i32
    %dma_start3A_529 = arith.constant 1 : i32
    %dma_start3A_530 = arith.constant 0 : i32
    %dma_start3A_531 = arith.constant 0 : i32
    %dma_start3A_532 = arith.constant 0 : i32
    %dma_start3A_533 = tpu.memref_slice %arg5[%dma_start3A_529, %dma_start3A_530, %dma_start3A_531, %dma_start3A_532] : memref<3x4x4x1024xf32, #tpu.memory_space<vmem>> -> memref<1x4x4x1024xf32, #tpu.memory_space<vmem>>
    %dma_start3A_534 = tpu.memref_squeeze %dma_start3A_533 : memref<1x4x4x1024xf32, #tpu.memory_space<vmem>> -> memref<4x4x1024xf32, #tpu.memory_space<vmem>>
    %dma_start3A_535 = arith.constant 0 : i32
    %dma_start3A_536 = arith.constant 0 : i32
    %dma_start3A_537 = tpu.memref_slice %arg2[%add3A_528, %dma_start3A_535, %dma_start3A_536] : memref<2048x4x1024xf32, #tpu.memory_space<hbm>> -> memref<4x4x1024xf32, #tpu.memory_space<hbm>>
    %dma_start3A_538 = arith.constant 0 : i32
    %dma_start3A_539 = arith.constant 0 : i32
    %dma_start3A_540 = arith.constant 0 : i32
    %dma_start3A_541 = tpu.memref_slice %arg5[%dma_start3A_529, %dma_start3A_538, %dma_start3A_539, %dma_start3A_540] : memref<3x4x4x1024xf32, #tpu.memory_space<vmem>> -> memref<1x4x4x1024xf32, #tpu.memory_space<vmem>>
    %dma_start3A_542 = tpu.memref_squeeze %dma_start3A_541 : memref<1x4x4x1024xf32, #tpu.memory_space<vmem>> -> memref<4x4x1024xf32, #tpu.memory_space<vmem>>
    %dma_start3A_543 = arith.constant 0 : i32
    %dma_start3A_544 = arith.constant 0 : i32
    %dma_start3A_545 = tpu.memref_slice %arg2[%add3A_528, %dma_start3A_543, %dma_start3A_544] : memref<2048x4x1024xf32, #tpu.memory_space<hbm>> -> memref<4x4x1024xf32, #tpu.memory_space<hbm>>
    tpu.enqueue_dma source(%dma_start3A_545 : memref<4x4x1024xf32, #tpu.memory_space<hbm>>) target(%dma_start3A_542 : memref<4x4x1024xf32, #tpu.memory_space<vmem>>) target_semaphore(%arg9 : memref<!tpu.dma_semaphore, #tpu.memory_space<semaphore_mem>>)
    %dma_start3A_546 = arith.constant 1 : i32
    %dma_start3A_547 = arith.constant 0 : i32
    %dma_start3A_548 = arith.constant 0 : i32
    %dma_start3A_549 = tpu.memref_slice %arg6[%dma_start3A_546, %dma_start3A_547, %dma_start3A_548] : memref<3x4x1024xf32, #tpu.memory_space<vmem>> -> memref<1x4x1024xf32, #tpu.memory_space<vmem>>
    %dma_start3A_550 = tpu.memref_squeeze %dma_start3A_549 : memref<1x4x1024xf32, #tpu.memory_space<vmem>> -> memref<4x1024xf32, #tpu.memory_space<vmem>>
    %dma_start3A_551 = arith.constant 0 : i32
    %dma_start3A_552 = tpu.memref_slice %arg3[%add3A_528, %dma_start3A_551] : memref<2048x1024xf32, #tpu.memory_space<hbm>> -> memref<4x1024xf32, #tpu.memory_space<hbm>>
    %dma_start3A_553 = arith.constant 0 : i32
    %dma_start3A_554 = arith.constant 0 : i32
    %dma_start3A_555 = tpu.memref_slice %arg6[%dma_start3A_546, %dma_start3A_553, %dma_start3A_554] : memref<3x4x1024xf32, #tpu.memory_space<vmem>> -> memref<1x4x1024xf32, #tpu.memory_space<vmem>>
    %dma_start3A_556 = tpu.memref_squeeze %dma_start3A_555 : memref<1x4x1024xf32, #tpu.memory_space<vmem>> -> memref<4x1024xf32, #tpu.memory_space<vmem>>
    %dma_start3A_557 = arith.constant 0 : i32
    %dma_start3A_558 = tpu.memref_slice %arg3[%add3A_528, %dma_start3A_557] : memref<2048x1024xf32, #tpu.memory_space<hbm>> -> memref<4x1024xf32, #tpu.memory_space<hbm>>
    tpu.enqueue_dma source(%dma_start3A_558 : memref<4x1024xf32, #tpu.memory_space<hbm>>) target(%dma_start3A_556 : memref<4x1024xf32, #tpu.memory_space<vmem>>) target_semaphore(%arg12 : memref<!tpu.dma_semaphore, #tpu.memory_space<semaphore_mem>>)
    %add3A_559 = arith.constant 20 : i32
    %add3A_560 = arith.addi %mul3A_2, %add3A_559 : i32
    %dma_wait3A_561 = arith.constant 2 : i32
    %dma_wait3A_562 = arith.constant 0 : i32
    %dma_wait3A_563 = arith.constant 0 : i32
    %dma_wait3A_564 = arith.constant 0 : i32
    %dma_wait3A_565 = tpu.memref_slice %arg5[%dma_wait3A_561, %dma_wait3A_562, %dma_wait3A_563, %dma_wait3A_564] : memref<3x4x4x1024xf32, #tpu.memory_space<vmem>> -> memref<1x4x4x1024xf32, #tpu.memory_space<vmem>>
    %dma_wait3A_566 = tpu.memref_squeeze %dma_wait3A_565 : memref<1x4x4x1024xf32, #tpu.memory_space<vmem>> -> memref<4x4x1024xf32, #tpu.memory_space<vmem>>
    %dma_wait3A_567 = arith.constant 0 : i32
    %dma_wait3A_568 = arith.constant 0 : i32
    %dma_wait3A_569 = tpu.memref_slice %arg2[%add3A_560, %dma_wait3A_567, %dma_wait3A_568] : memref<2048x4x1024xf32, #tpu.memory_space<hbm>> -> memref<4x4x1024xf32, #tpu.memory_space<hbm>>
    %dma_wait3A_570 = arith.constant 0 : i32
    %dma_wait3A_571 = arith.constant 0 : i32
    %dma_wait3A_572 = arith.constant 0 : i32
    %dma_wait3A_573 = tpu.memref_slice %arg5[%dma_wait3A_561, %dma_wait3A_570, %dma_wait3A_571, %dma_wait3A_572] : memref<3x4x4x1024xf32, #tpu.memory_space<vmem>> -> memref<1x4x4x1024xf32, #tpu.memory_space<vmem>>
    %dma_wait3A_574 = tpu.memref_squeeze %dma_wait3A_573 : memref<1x4x4x1024xf32, #tpu.memory_space<vmem>> -> memref<4x4x1024xf32, #tpu.memory_space<vmem>>
    %dma_wait3A_575 = arith.constant 0 : i32
    %dma_wait3A_576 = arith.constant 0 : i32
    %dma_wait3A_577 = tpu.memref_slice %arg2[%add3A_560, %dma_wait3A_575, %dma_wait3A_576] : memref<2048x4x1024xf32, #tpu.memory_space<hbm>> -> memref<4x4x1024xf32, #tpu.memory_space<hbm>>
    tpu.wait_dma2 semaphore(%arg10 : memref<!tpu.dma_semaphore, #tpu.memory_space<semaphore_mem>>) src(%dma_wait3A_577 : memref<4x4x1024xf32, #tpu.memory_space<hbm>>) dst(%dma_wait3A_574 : memref<4x4x1024xf32, #tpu.memory_space<vmem>>)
    %dma_wait3A_578 = arith.constant 2 : i32
    %dma_wait3A_579 = arith.constant 0 : i32
    %dma_wait3A_580 = arith.constant 0 : i32
    %dma_wait3A_581 = tpu.memref_slice %arg6[%dma_wait3A_578, %dma_wait3A_579, %dma_wait3A_580] : memref<3x4x1024xf32, #tpu.memory_space<vmem>> -> memref<1x4x1024xf32, #tpu.memory_space<vmem>>
    %dma_wait3A_582 = tpu.memref_squeeze %dma_wait3A_581 : memref<1x4x1024xf32, #tpu.memory_space<vmem>> -> memref<4x1024xf32, #tpu.memory_space<vmem>>
    %dma_wait3A_583 = arith.constant 0 : i32
    %dma_wait3A_584 = tpu.memref_slice %arg3[%add3A_560, %dma_wait3A_583] : memref<2048x1024xf32, #tpu.memory_space<hbm>> -> memref<4x1024xf32, #tpu.memory_space<hbm>>
    %dma_wait3A_585 = arith.constant 0 : i32
    %dma_wait3A_586 = arith.constant 0 : i32
    %dma_wait3A_587 = tpu.memref_slice %arg6[%dma_wait3A_578, %dma_wait3A_585, %dma_wait3A_586] : memref<3x4x1024xf32, #tpu.memory_space<vmem>> -> memref<1x4x1024xf32, #tpu.memory_space<vmem>>
    %dma_wait3A_588 = tpu.memref_squeeze %dma_wait3A_587 : memref<1x4x1024xf32, #tpu.memory_space<vmem>> -> memref<4x1024xf32, #tpu.memory_space<vmem>>
    %dma_wait3A_589 = arith.constant 0 : i32
    %dma_wait3A_590 = tpu.memref_slice %arg3[%add3A_560, %dma_wait3A_589] : memref<2048x1024xf32, #tpu.memory_space<hbm>> -> memref<4x1024xf32, #tpu.memory_space<hbm>>
    tpu.wait_dma2 semaphore(%arg13 : memref<!tpu.dma_semaphore, #tpu.memory_space<semaphore_mem>>) src(%dma_wait3A_590 : memref<4x1024xf32, #tpu.memory_space<hbm>>) dst(%dma_wait3A_588 : memref<4x1024xf32, #tpu.memory_space<vmem>>)
    %add3A_591 = arith.constant 12 : i32
    %add3A_592 = arith.addi %mul3A_2, %add3A_591 : i32
    %dma_wait3A_593 = arith.constant 1 : i32
    %dma_wait3A_594 = arith.constant 0 : i32
    %dma_wait3A_595 = arith.constant 0 : i32
    %dma_wait3A_596 = arith.constant 0 : i32
    %dma_wait3A_597 = tpu.memref_slice %arg7[%dma_wait3A_593, %dma_wait3A_594, %dma_wait3A_595, %dma_wait3A_596] : memref<2x4x4x1024xf32, #tpu.memory_space<vmem>> -> memref<1x4x4x1024xf32, #tpu.memory_space<vmem>>
    %dma_wait3A_598 = tpu.memref_squeeze %dma_wait3A_597 : memref<1x4x4x1024xf32, #tpu.memory_space<vmem>> -> memref<4x4x1024xf32, #tpu.memory_space<vmem>>
    %dma_wait3A_599 = arith.constant 0 : i32
    %dma_wait3A_600 = arith.constant 0 : i32
    %dma_wait3A_601 = tpu.memref_slice %arg4[%add3A_592, %dma_wait3A_599, %dma_wait3A_600] : memref<2048x4x1024xf32, #tpu.memory_space<hbm>> -> memref<4x4x1024xf32, #tpu.memory_space<hbm>>
    %dma_wait3A_602 = arith.constant 0 : i32
    %dma_wait3A_603 = arith.constant 0 : i32
    %dma_wait3A_604 = tpu.memref_slice %arg4[%add3A_592, %dma_wait3A_602, %dma_wait3A_603] : memref<2048x4x1024xf32, #tpu.memory_space<hbm>> -> memref<4x4x1024xf32, #tpu.memory_space<hbm>>
    %dma_wait3A_605 = arith.constant 0 : i32
    %dma_wait3A_606 = arith.constant 0 : i32
    %dma_wait3A_607 = arith.constant 0 : i32
    %dma_wait3A_608 = tpu.memref_slice %arg7[%dma_wait3A_593, %dma_wait3A_605, %dma_wait3A_606, %dma_wait3A_607] : memref<2x4x4x1024xf32, #tpu.memory_space<vmem>> -> memref<1x4x4x1024xf32, #tpu.memory_space<vmem>>
    %dma_wait3A_609 = tpu.memref_squeeze %dma_wait3A_608 : memref<1x4x4x1024xf32, #tpu.memory_space<vmem>> -> memref<4x4x1024xf32, #tpu.memory_space<vmem>>
    tpu.wait_dma2 semaphore(%arg15 : memref<!tpu.dma_semaphore, #tpu.memory_space<semaphore_mem>>) src(%dma_wait3A_609 : memref<4x4x1024xf32, #tpu.memory_space<vmem>>) dst(%dma_wait3A_604 : memref<4x4x1024xf32, #tpu.memory_space<hbm>>)
    %dma_start3A_610 = arith.constant 2 : i32
    %dma_start3A_611 = arith.constant 0 : i32
    %dma_start3A_612 = arith.constant 0 : i32
    %dma_start3A_613 = arith.constant 0 : i32
    %dma_start3A_614 = tpu.memref_slice %arg5[%dma_start3A_610, %dma_start3A_611, %dma_start3A_612, %dma_start3A_613] : memref<3x4x4x1024xf32, #tpu.memory_space<vmem>> -> memref<1x4x4x1024xf32, #tpu.memory_space<vmem>>
    %dma_start3A_615 = tpu.memref_squeeze %dma_start3A_614 : memref<1x4x4x1024xf32, #tpu.memory_space<vmem>> -> memref<4x4x1024xf32, #tpu.memory_space<vmem>>
    %dma_start3A_616 = arith.constant 0 : i32
    %dma_start3A_617 = arith.constant 0 : i32
    %dma_start3A_618 = tpu.memref_slice %arg4[%add3A_560, %dma_start3A_616, %dma_start3A_617] : memref<2048x4x1024xf32, #tpu.memory_space<hbm>> -> memref<4x4x1024xf32, #tpu.memory_space<hbm>>
    %dma_start3A_619 = arith.constant 0 : i32
    %dma_start3A_620 = arith.constant 0 : i32
    %dma_start3A_621 = tpu.memref_slice %arg4[%add3A_560, %dma_start3A_619, %dma_start3A_620] : memref<2048x4x1024xf32, #tpu.memory_space<hbm>> -> memref<4x4x1024xf32, #tpu.memory_space<hbm>>
    %dma_start3A_622 = arith.constant 0 : i32
    %dma_start3A_623 = arith.constant 0 : i32
    %dma_start3A_624 = arith.constant 0 : i32
    %dma_start3A_625 = tpu.memref_slice %arg5[%dma_start3A_610, %dma_start3A_622, %dma_start3A_623, %dma_start3A_624] : memref<3x4x4x1024xf32, #tpu.memory_space<vmem>> -> memref<1x4x4x1024xf32, #tpu.memory_space<vmem>>
    %dma_start3A_626 = tpu.memref_squeeze %dma_start3A_625 : memref<1x4x4x1024xf32, #tpu.memory_space<vmem>> -> memref<4x4x1024xf32, #tpu.memory_space<vmem>>
    tpu.enqueue_dma source(%dma_start3A_626 : memref<4x4x1024xf32, #tpu.memory_space<vmem>>) target(%dma_start3A_621 : memref<4x4x1024xf32, #tpu.memory_space<hbm>>) target_semaphore(%arg15 : memref<!tpu.dma_semaphore, #tpu.memory_space<semaphore_mem>>)
    %add3A_627 = arith.constant 32 : i32
    %add3A_628 = arith.addi %mul3A_2, %add3A_627 : i32
    %dma_start3A_629 = arith.constant 2 : i32
    %dma_start3A_630 = arith.constant 0 : i32
    %dma_start3A_631 = arith.constant 0 : i32
    %dma_start3A_632 = arith.constant 0 : i32
    %dma_start3A_633 = tpu.memref_slice %arg5[%dma_start3A_629, %dma_start3A_630, %dma_start3A_631, %dma_start3A_632] : memref<3x4x4x1024xf32, #tpu.memory_space<vmem>> -> memref<1x4x4x1024xf32, #tpu.memory_space<vmem>>
    %dma_start3A_634 = tpu.memref_squeeze %dma_start3A_633 : memref<1x4x4x1024xf32, #tpu.memory_space<vmem>> -> memref<4x4x1024xf32, #tpu.memory_space<vmem>>
    %dma_start3A_635 = arith.constant 0 : i32
    %dma_start3A_636 = arith.constant 0 : i32
    %dma_start3A_637 = tpu.memref_slice %arg2[%add3A_628, %dma_start3A_635, %dma_start3A_636] : memref<2048x4x1024xf32, #tpu.memory_space<hbm>> -> memref<4x4x1024xf32, #tpu.memory_space<hbm>>
    %dma_start3A_638 = arith.constant 0 : i32
    %dma_start3A_639 = arith.constant 0 : i32
    %dma_start3A_640 = arith.constant 0 : i32
    %dma_start3A_641 = tpu.memref_slice %arg5[%dma_start3A_629, %dma_start3A_638, %dma_start3A_639, %dma_start3A_640] : memref<3x4x4x1024xf32, #tpu.memory_space<vmem>> -> memref<1x4x4x1024xf32, #tpu.memory_space<vmem>>
    %dma_start3A_642 = tpu.memref_squeeze %dma_start3A_641 : memref<1x4x4x1024xf32, #tpu.memory_space<vmem>> -> memref<4x4x1024xf32, #tpu.memory_space<vmem>>
    %dma_start3A_643 = arith.constant 0 : i32
    %dma_start3A_644 = arith.constant 0 : i32
    %dma_start3A_645 = tpu.memref_slice %arg2[%add3A_628, %dma_start3A_643, %dma_start3A_644] : memref<2048x4x1024xf32, #tpu.memory_space<hbm>> -> memref<4x4x1024xf32, #tpu.memory_space<hbm>>
    tpu.enqueue_dma source(%dma_start3A_645 : memref<4x4x1024xf32, #tpu.memory_space<hbm>>) target(%dma_start3A_642 : memref<4x4x1024xf32, #tpu.memory_space<vmem>>) target_semaphore(%arg10 : memref<!tpu.dma_semaphore, #tpu.memory_space<semaphore_mem>>)
    %dma_start3A_646 = arith.constant 2 : i32
    %dma_start3A_647 = arith.constant 0 : i32
    %dma_start3A_648 = arith.constant 0 : i32
    %dma_start3A_649 = tpu.memref_slice %arg6[%dma_start3A_646, %dma_start3A_647, %dma_start3A_648] : memref<3x4x1024xf32, #tpu.memory_space<vmem>> -> memref<1x4x1024xf32, #tpu.memory_space<vmem>>
    %dma_start3A_650 = tpu.memref_squeeze %dma_start3A_649 : memref<1x4x1024xf32, #tpu.memory_space<vmem>> -> memref<4x1024xf32, #tpu.memory_space<vmem>>
    %dma_start3A_651 = arith.constant 0 : i32
    %dma_start3A_652 = tpu.memref_slice %arg3[%add3A_628, %dma_start3A_651] : memref<2048x1024xf32, #tpu.memory_space<hbm>> -> memref<4x1024xf32, #tpu.memory_space<hbm>>
    %dma_start3A_653 = arith.constant 0 : i32
    %dma_start3A_654 = arith.constant 0 : i32
    %dma_start3A_655 = tpu.memref_slice %arg6[%dma_start3A_646, %dma_start3A_653, %dma_start3A_654] : memref<3x4x1024xf32, #tpu.memory_space<vmem>> -> memref<1x4x1024xf32, #tpu.memory_space<vmem>>
    %dma_start3A_656 = tpu.memref_squeeze %dma_start3A_655 : memref<1x4x1024xf32, #tpu.memory_space<vmem>> -> memref<4x1024xf32, #tpu.memory_space<vmem>>
    %dma_start3A_657 = arith.constant 0 : i32
    %dma_start3A_658 = tpu.memref_slice %arg3[%add3A_628, %dma_start3A_657] : memref<2048x1024xf32, #tpu.memory_space<hbm>> -> memref<4x1024xf32, #tpu.memory_space<hbm>>
    tpu.enqueue_dma source(%dma_start3A_658 : memref<4x1024xf32, #tpu.memory_space<hbm>>) target(%dma_start3A_656 : memref<4x1024xf32, #tpu.memory_space<vmem>>) target_semaphore(%arg13 : memref<!tpu.dma_semaphore, #tpu.memory_space<semaphore_mem>>)
    %add3A_659 = arith.constant 24 : i32
    %add3A_660 = arith.addi %mul3A_2, %add3A_659 : i32
    %dma_wait3A_661 = arith.constant 0 : i32
    %dma_wait3A_662 = arith.constant 0 : i32
    %dma_wait3A_663 = arith.constant 0 : i32
    %dma_wait3A_664 = arith.constant 0 : i32
    %dma_wait3A_665 = tpu.memref_slice %arg5[%dma_wait3A_661, %dma_wait3A_662, %dma_wait3A_663, %dma_wait3A_664] : memref<3x4x4x1024xf32, #tpu.memory_space<vmem>> -> memref<1x4x4x1024xf32, #tpu.memory_space<vmem>>
    %dma_wait3A_666 = tpu.memref_squeeze %dma_wait3A_665 : memref<1x4x4x1024xf32, #tpu.memory_space<vmem>> -> memref<4x4x1024xf32, #tpu.memory_space<vmem>>
    %dma_wait3A_667 = arith.constant 0 : i32
    %dma_wait3A_668 = arith.constant 0 : i32
    %dma_wait3A_669 = tpu.memref_slice %arg2[%add3A_660, %dma_wait3A_667, %dma_wait3A_668] : memref<2048x4x1024xf32, #tpu.memory_space<hbm>> -> memref<4x4x1024xf32, #tpu.memory_space<hbm>>
    %dma_wait3A_670 = arith.constant 0 : i32
    %dma_wait3A_671 = arith.constant 0 : i32
    %dma_wait3A_672 = arith.constant 0 : i32
    %dma_wait3A_673 = tpu.memref_slice %arg5[%dma_wait3A_661, %dma_wait3A_670, %dma_wait3A_671, %dma_wait3A_672] : memref<3x4x4x1024xf32, #tpu.memory_space<vmem>> -> memref<1x4x4x1024xf32, #tpu.memory_space<vmem>>
    %dma_wait3A_674 = tpu.memref_squeeze %dma_wait3A_673 : memref<1x4x4x1024xf32, #tpu.memory_space<vmem>> -> memref<4x4x1024xf32, #tpu.memory_space<vmem>>
    %dma_wait3A_675 = arith.constant 0 : i32
    %dma_wait3A_676 = arith.constant 0 : i32
    %dma_wait3A_677 = tpu.memref_slice %arg2[%add3A_660, %dma_wait3A_675, %dma_wait3A_676] : memref<2048x4x1024xf32, #tpu.memory_space<hbm>> -> memref<4x4x1024xf32, #tpu.memory_space<hbm>>
    tpu.wait_dma2 semaphore(%arg8 : memref<!tpu.dma_semaphore, #tpu.memory_space<semaphore_mem>>) src(%dma_wait3A_677 : memref<4x4x1024xf32, #tpu.memory_space<hbm>>) dst(%dma_wait3A_674 : memref<4x4x1024xf32, #tpu.memory_space<vmem>>)
    %dma_wait3A_678 = arith.constant 0 : i32
    %dma_wait3A_679 = arith.constant 0 : i32
    %dma_wait3A_680 = arith.constant 0 : i32
    %dma_wait3A_681 = tpu.memref_slice %arg6[%dma_wait3A_678, %dma_wait3A_679, %dma_wait3A_680] : memref<3x4x1024xf32, #tpu.memory_space<vmem>> -> memref<1x4x1024xf32, #tpu.memory_space<vmem>>
    %dma_wait3A_682 = tpu.memref_squeeze %dma_wait3A_681 : memref<1x4x1024xf32, #tpu.memory_space<vmem>> -> memref<4x1024xf32, #tpu.memory_space<vmem>>
    %dma_wait3A_683 = arith.constant 0 : i32
    %dma_wait3A_684 = tpu.memref_slice %arg3[%add3A_660, %dma_wait3A_683] : memref<2048x1024xf32, #tpu.memory_space<hbm>> -> memref<4x1024xf32, #tpu.memory_space<hbm>>
    %dma_wait3A_685 = arith.constant 0 : i32
    %dma_wait3A_686 = arith.constant 0 : i32
    %dma_wait3A_687 = tpu.memref_slice %arg6[%dma_wait3A_678, %dma_wait3A_685, %dma_wait3A_686] : memref<3x4x1024xf32, #tpu.memory_space<vmem>> -> memref<1x4x1024xf32, #tpu.memory_space<vmem>>
    %dma_wait3A_688 = tpu.memref_squeeze %dma_wait3A_687 : memref<1x4x1024xf32, #tpu.memory_space<vmem>> -> memref<4x1024xf32, #tpu.memory_space<vmem>>
    %dma_wait3A_689 = arith.constant 0 : i32
    %dma_wait3A_690 = tpu.memref_slice %arg3[%add3A_660, %dma_wait3A_689] : memref<2048x1024xf32, #tpu.memory_space<hbm>> -> memref<4x1024xf32, #tpu.memory_space<hbm>>
    tpu.wait_dma2 semaphore(%arg11 : memref<!tpu.dma_semaphore, #tpu.memory_space<semaphore_mem>>) src(%dma_wait3A_690 : memref<4x1024xf32, #tpu.memory_space<hbm>>) dst(%dma_wait3A_688 : memref<4x1024xf32, #tpu.memory_space<vmem>>)
    %add3A_691 = arith.constant 16 : i32
    %add3A_692 = arith.addi %mul3A_2, %add3A_691 : i32
    %dma_wait3A_693 = arith.constant 0 : i32
    %dma_wait3A_694 = arith.constant 0 : i32
    %dma_wait3A_695 = arith.constant 0 : i32
    %dma_wait3A_696 = arith.constant 0 : i32
    %dma_wait3A_697 = tpu.memref_slice %arg7[%dma_wait3A_693, %dma_wait3A_694, %dma_wait3A_695, %dma_wait3A_696] : memref<2x4x4x1024xf32, #tpu.memory_space<vmem>> -> memref<1x4x4x1024xf32, #tpu.memory_space<vmem>>
    %dma_wait3A_698 = tpu.memref_squeeze %dma_wait3A_697 : memref<1x4x4x1024xf32, #tpu.memory_space<vmem>> -> memref<4x4x1024xf32, #tpu.memory_space<vmem>>
    %dma_wait3A_699 = arith.constant 0 : i32
    %dma_wait3A_700 = arith.constant 0 : i32
    %dma_wait3A_701 = tpu.memref_slice %arg4[%add3A_692, %dma_wait3A_699, %dma_wait3A_700] : memref<2048x4x1024xf32, #tpu.memory_space<hbm>> -> memref<4x4x1024xf32, #tpu.memory_space<hbm>>
    %dma_wait3A_702 = arith.constant 0 : i32
    %dma_wait3A_703 = arith.constant 0 : i32
    %dma_wait3A_704 = tpu.memref_slice %arg4[%add3A_692, %dma_wait3A_702, %dma_wait3A_703] : memref<2048x4x1024xf32, #tpu.memory_space<hbm>> -> memref<4x4x1024xf32, #tpu.memory_space<hbm>>
    %dma_wait3A_705 = arith.constant 0 : i32
    %dma_wait3A_706 = arith.constant 0 : i32
    %dma_wait3A_707 = arith.constant 0 : i32
    %dma_wait3A_708 = tpu.memref_slice %arg7[%dma_wait3A_693, %dma_wait3A_705, %dma_wait3A_706, %dma_wait3A_707] : memref<2x4x4x1024xf32, #tpu.memory_space<vmem>> -> memref<1x4x4x1024xf32, #tpu.memory_space<vmem>>
    %dma_wait3A_709 = tpu.memref_squeeze %dma_wait3A_708 : memref<1x4x4x1024xf32, #tpu.memory_space<vmem>> -> memref<4x4x1024xf32, #tpu.memory_space<vmem>>
    tpu.wait_dma2 semaphore(%arg14 : memref<!tpu.dma_semaphore, #tpu.memory_space<semaphore_mem>>) src(%dma_wait3A_709 : memref<4x4x1024xf32, #tpu.memory_space<vmem>>) dst(%dma_wait3A_704 : memref<4x4x1024xf32, #tpu.memory_space<hbm>>)
    %dma_start3A_710 = arith.constant 0 : i32
    %dma_start3A_711 = arith.constant 0 : i32
    %dma_start3A_712 = arith.constant 0 : i32
    %dma_start3A_713 = arith.constant 0 : i32
    %dma_start3A_714 = tpu.memref_slice %arg5[%dma_start3A_710, %dma_start3A_711, %dma_start3A_712, %dma_start3A_713] : memref<3x4x4x1024xf32, #tpu.memory_space<vmem>> -> memref<1x4x4x1024xf32, #tpu.memory_space<vmem>>
    %dma_start3A_715 = tpu.memref_squeeze %dma_start3A_714 : memref<1x4x4x1024xf32, #tpu.memory_space<vmem>> -> memref<4x4x1024xf32, #tpu.memory_space<vmem>>
    %dma_start3A_716 = arith.constant 0 : i32
    %dma_start3A_717 = arith.constant 0 : i32
    %dma_start3A_718 = tpu.memref_slice %arg4[%add3A_660, %dma_start3A_716, %dma_start3A_717] : memref<2048x4x1024xf32, #tpu.memory_space<hbm>> -> memref<4x4x1024xf32, #tpu.memory_space<hbm>>
    %dma_start3A_719 = arith.constant 0 : i32
    %dma_start3A_720 = arith.constant 0 : i32
    %dma_start3A_721 = tpu.memref_slice %arg4[%add3A_660, %dma_start3A_719, %dma_start3A_720] : memref<2048x4x1024xf32, #tpu.memory_space<hbm>> -> memref<4x4x1024xf32, #tpu.memory_space<hbm>>
    %dma_start3A_722 = arith.constant 0 : i32
    %dma_start3A_723 = arith.constant 0 : i32
    %dma_start3A_724 = arith.constant 0 : i32
    %dma_start3A_725 = tpu.memref_slice %arg5[%dma_start3A_710, %dma_start3A_722, %dma_start3A_723, %dma_start3A_724] : memref<3x4x4x1024xf32, #tpu.memory_space<vmem>> -> memref<1x4x4x1024xf32, #tpu.memory_space<vmem>>
    %dma_start3A_726 = tpu.memref_squeeze %dma_start3A_725 : memref<1x4x4x1024xf32, #tpu.memory_space<vmem>> -> memref<4x4x1024xf32, #tpu.memory_space<vmem>>
    tpu.enqueue_dma source(%dma_start3A_726 : memref<4x4x1024xf32, #tpu.memory_space<vmem>>) target(%dma_start3A_721 : memref<4x4x1024xf32, #tpu.memory_space<hbm>>) target_semaphore(%arg14 : memref<!tpu.dma_semaphore, #tpu.memory_space<semaphore_mem>>)
    %add3A_727 = arith.constant 36 : i32
    %add3A_728 = arith.addi %mul3A_2, %add3A_727 : i32
    %dma_start3A_729 = arith.constant 0 : i32
    %dma_start3A_730 = arith.constant 0 : i32
    %dma_start3A_731 = arith.constant 0 : i32
    %dma_start3A_732 = arith.constant 0 : i32
    %dma_start3A_733 = tpu.memref_slice %arg5[%dma_start3A_729, %dma_start3A_730, %dma_start3A_731, %dma_start3A_732] : memref<3x4x4x1024xf32, #tpu.memory_space<vmem>> -> memref<1x4x4x1024xf32, #tpu.memory_space<vmem>>
    %dma_start3A_734 = tpu.memref_squeeze %dma_start3A_733 : memref<1x4x4x1024xf32, #tpu.memory_space<vmem>> -> memref<4x4x1024xf32, #tpu.memory_space<vmem>>
    %dma_start3A_735 = arith.constant 0 : i32
    %dma_start3A_736 = arith.constant 0 : i32
    %dma_start3A_737 = tpu.memref_slice %arg2[%add3A_728, %dma_start3A_735, %dma_start3A_736] : memref<2048x4x1024xf32, #tpu.memory_space<hbm>> -> memref<4x4x1024xf32, #tpu.memory_space<hbm>>
    %dma_start3A_738 = arith.constant 0 : i32
    %dma_start3A_739 = arith.constant 0 : i32
    %dma_start3A_740 = arith.constant 0 : i32
    %dma_start3A_741 = tpu.memref_slice %arg5[%dma_start3A_729, %dma_start3A_738, %dma_start3A_739, %dma_start3A_740] : memref<3x4x4x1024xf32, #tpu.memory_space<vmem>> -> memref<1x4x4x1024xf32, #tpu.memory_space<vmem>>
    %dma_start3A_742 = tpu.memref_squeeze %dma_start3A_741 : memref<1x4x4x1024xf32, #tpu.memory_space<vmem>> -> memref<4x4x1024xf32, #tpu.memory_space<vmem>>
    %dma_start3A_743 = arith.constant 0 : i32
    %dma_start3A_744 = arith.constant 0 : i32
    %dma_start3A_745 = tpu.memref_slice %arg2[%add3A_728, %dma_start3A_743, %dma_start3A_744] : memref<2048x4x1024xf32, #tpu.memory_space<hbm>> -> memref<4x4x1024xf32, #tpu.memory_space<hbm>>
    tpu.enqueue_dma source(%dma_start3A_745 : memref<4x4x1024xf32, #tpu.memory_space<hbm>>) target(%dma_start3A_742 : memref<4x4x1024xf32, #tpu.memory_space<vmem>>) target_semaphore(%arg8 : memref<!tpu.dma_semaphore, #tpu.memory_space<semaphore_mem>>)
    %dma_start3A_746 = arith.constant 0 : i32
    %dma_start3A_747 = arith.constant 0 : i32
    %dma_start3A_748 = arith.constant 0 : i32
    %dma_start3A_749 = tpu.memref_slice %arg6[%dma_start3A_746, %dma_start3A_747, %dma_start3A_748] : memref<3x4x1024xf32, #tpu.memory_space<vmem>> -> memref<1x4x1024xf32, #tpu.memory_space<vmem>>
    %dma_start3A_750 = tpu.memref_squeeze %dma_start3A_749 : memref<1x4x1024xf32, #tpu.memory_space<vmem>> -> memref<4x1024xf32, #tpu.memory_space<vmem>>
    %dma_start3A_751 = arith.constant 0 : i32
    %dma_start3A_752 = tpu.memref_slice %arg3[%add3A_728, %dma_start3A_751] : memref<2048x1024xf32, #tpu.memory_space<hbm>> -> memref<4x1024xf32, #tpu.memory_space<hbm>>
    %dma_start3A_753 = arith.constant 0 : i32
    %dma_start3A_754 = arith.constant 0 : i32
    %dma_start3A_755 = tpu.memref_slice %arg6[%dma_start3A_746, %dma_start3A_753, %dma_start3A_754] : memref<3x4x1024xf32, #tpu.memory_space<vmem>> -> memref<1x4x1024xf32, #tpu.memory_space<vmem>>
    %dma_start3A_756 = tpu.memref_squeeze %dma_start3A_755 : memref<1x4x1024xf32, #tpu.memory_space<vmem>> -> memref<4x1024xf32, #tpu.memory_space<vmem>>
    %dma_start3A_757 = arith.constant 0 : i32
    %dma_start3A_758 = tpu.memref_slice %arg3[%add3A_728, %dma_start3A_757] : memref<2048x1024xf32, #tpu.memory_space<hbm>> -> memref<4x1024xf32, #tpu.memory_space<hbm>>
    tpu.enqueue_dma source(%dma_start3A_758 : memref<4x1024xf32, #tpu.memory_space<hbm>>) target(%dma_start3A_756 : memref<4x1024xf32, #tpu.memory_space<vmem>>) target_semaphore(%arg11 : memref<!tpu.dma_semaphore, #tpu.memory_space<semaphore_mem>>)
    %add3A_759 = arith.constant 28 : i32
    %add3A_760 = arith.addi %mul3A_2, %add3A_759 : i32
    %dma_wait3A_761 = arith.constant 1 : i32
    %dma_wait3A_762 = arith.constant 0 : i32
    %dma_wait3A_763 = arith.constant 0 : i32
    %dma_wait3A_764 = arith.constant 0 : i32
    %dma_wait3A_765 = tpu.memref_slice %arg5[%dma_wait3A_761, %dma_wait3A_762, %dma_wait3A_763, %dma_wait3A_764] : memref<3x4x4x1024xf32, #tpu.memory_space<vmem>> -> memref<1x4x4x1024xf32, #tpu.memory_space<vmem>>
    %dma_wait3A_766 = tpu.memref_squeeze %dma_wait3A_765 : memref<1x4x4x1024xf32, #tpu.memory_space<vmem>> -> memref<4x4x1024xf32, #tpu.memory_space<vmem>>
    %dma_wait3A_767 = arith.constant 0 : i32
    %dma_wait3A_768 = arith.constant 0 : i32
    %dma_wait3A_769 = tpu.memref_slice %arg2[%add3A_760, %dma_wait3A_767, %dma_wait3A_768] : memref<2048x4x1024xf32, #tpu.memory_space<hbm>> -> memref<4x4x1024xf32, #tpu.memory_space<hbm>>
    %dma_wait3A_770 = arith.constant 0 : i32
    %dma_wait3A_771 = arith.constant 0 : i32
    %dma_wait3A_772 = arith.constant 0 : i32
    %dma_wait3A_773 = tpu.memref_slice %arg5[%dma_wait3A_761, %dma_wait3A_770, %dma_wait3A_771, %dma_wait3A_772] : memref<3x4x4x1024xf32, #tpu.memory_space<vmem>> -> memref<1x4x4x1024xf32, #tpu.memory_space<vmem>>
    %dma_wait3A_774 = tpu.memref_squeeze %dma_wait3A_773 : memref<1x4x4x1024xf32, #tpu.memory_space<vmem>> -> memref<4x4x1024xf32, #tpu.memory_space<vmem>>
    %dma_wait3A_775 = arith.constant 0 : i32
    %dma_wait3A_776 = arith.constant 0 : i32
    %dma_wait3A_777 = tpu.memref_slice %arg2[%add3A_760, %dma_wait3A_775, %dma_wait3A_776] : memref<2048x4x1024xf32, #tpu.memory_space<hbm>> -> memref<4x4x1024xf32, #tpu.memory_space<hbm>>
    tpu.wait_dma2 semaphore(%arg9 : memref<!tpu.dma_semaphore, #tpu.memory_space<semaphore_mem>>) src(%dma_wait3A_777 : memref<4x4x1024xf32, #tpu.memory_space<hbm>>) dst(%dma_wait3A_774 : memref<4x4x1024xf32, #tpu.memory_space<vmem>>)
    %dma_wait3A_778 = arith.constant 1 : i32
    %dma_wait3A_779 = arith.constant 0 : i32
    %dma_wait3A_780 = arith.constant 0 : i32
    %dma_wait3A_781 = tpu.memref_slice %arg6[%dma_wait3A_778, %dma_wait3A_779, %dma_wait3A_780] : memref<3x4x1024xf32, #tpu.memory_space<vmem>> -> memref<1x4x1024xf32, #tpu.memory_space<vmem>>
    %dma_wait3A_782 = tpu.memref_squeeze %dma_wait3A_781 : memref<1x4x1024xf32, #tpu.memory_space<vmem>> -> memref<4x1024xf32, #tpu.memory_space<vmem>>
    %dma_wait3A_783 = arith.constant 0 : i32
    %dma_wait3A_784 = tpu.memref_slice %arg3[%add3A_760, %dma_wait3A_783] : memref<2048x1024xf32, #tpu.memory_space<hbm>> -> memref<4x1024xf32, #tpu.memory_space<hbm>>
    %dma_wait3A_785 = arith.constant 0 : i32
    %dma_wait3A_786 = arith.constant 0 : i32
    %dma_wait3A_787 = tpu.memref_slice %arg6[%dma_wait3A_778, %dma_wait3A_785, %dma_wait3A_786] : memref<3x4x1024xf32, #tpu.memory_space<vmem>> -> memref<1x4x1024xf32, #tpu.memory_space<vmem>>
    %dma_wait3A_788 = tpu.memref_squeeze %dma_wait3A_787 : memref<1x4x1024xf32, #tpu.memory_space<vmem>> -> memref<4x1024xf32, #tpu.memory_space<vmem>>
    %dma_wait3A_789 = arith.constant 0 : i32
    %dma_wait3A_790 = tpu.memref_slice %arg3[%add3A_760, %dma_wait3A_789] : memref<2048x1024xf32, #tpu.memory_space<hbm>> -> memref<4x1024xf32, #tpu.memory_space<hbm>>
    tpu.wait_dma2 semaphore(%arg12 : memref<!tpu.dma_semaphore, #tpu.memory_space<semaphore_mem>>) src(%dma_wait3A_790 : memref<4x1024xf32, #tpu.memory_space<hbm>>) dst(%dma_wait3A_788 : memref<4x1024xf32, #tpu.memory_space<vmem>>)
    %add3A_791 = arith.constant 20 : i32
    %add3A_792 = arith.addi %mul3A_2, %add3A_791 : i32
    %dma_wait3A_793 = arith.constant 1 : i32
    %dma_wait3A_794 = arith.constant 0 : i32
    %dma_wait3A_795 = arith.constant 0 : i32
    %dma_wait3A_796 = arith.constant 0 : i32
    %dma_wait3A_797 = tpu.memref_slice %arg7[%dma_wait3A_793, %dma_wait3A_794, %dma_wait3A_795, %dma_wait3A_796] : memref<2x4x4x1024xf32, #tpu.memory_space<vmem>> -> memref<1x4x4x1024xf32, #tpu.memory_space<vmem>>
    %dma_wait3A_798 = tpu.memref_squeeze %dma_wait3A_797 : memref<1x4x4x1024xf32, #tpu.memory_space<vmem>> -> memref<4x4x1024xf32, #tpu.memory_space<vmem>>
    %dma_wait3A_799 = arith.constant 0 : i32
    %dma_wait3A_800 = arith.constant 0 : i32
    %dma_wait3A_801 = tpu.memref_slice %arg4[%add3A_792, %dma_wait3A_799, %dma_wait3A_800] : memref<2048x4x1024xf32, #tpu.memory_space<hbm>> -> memref<4x4x1024xf32, #tpu.memory_space<hbm>>
    %dma_wait3A_802 = arith.constant 0 : i32
    %dma_wait3A_803 = arith.constant 0 : i32
    %dma_wait3A_804 = tpu.memref_slice %arg4[%add3A_792, %dma_wait3A_802, %dma_wait3A_803] : memref<2048x4x1024xf32, #tpu.memory_space<hbm>> -> memref<4x4x1024xf32, #tpu.memory_space<hbm>>
    %dma_wait3A_805 = arith.constant 0 : i32
    %dma_wait3A_806 = arith.constant 0 : i32
    %dma_wait3A_807 = arith.constant 0 : i32
    %dma_wait3A_808 = tpu.memref_slice %arg7[%dma_wait3A_793, %dma_wait3A_805, %dma_wait3A_806, %dma_wait3A_807] : memref<2x4x4x1024xf32, #tpu.memory_space<vmem>> -> memref<1x4x4x1024xf32, #tpu.memory_space<vmem>>
    %dma_wait3A_809 = tpu.memref_squeeze %dma_wait3A_808 : memref<1x4x4x1024xf32, #tpu.memory_space<vmem>> -> memref<4x4x1024xf32, #tpu.memory_space<vmem>>
    tpu.wait_dma2 semaphore(%arg15 : memref<!tpu.dma_semaphore, #tpu.memory_space<semaphore_mem>>) src(%dma_wait3A_809 : memref<4x4x1024xf32, #tpu.memory_space<vmem>>) dst(%dma_wait3A_804 : memref<4x4x1024xf32, #tpu.memory_space<hbm>>)
    %dma_start3A_810 = arith.constant 1 : i32
    %dma_start3A_811 = arith.constant 0 : i32
    %dma_start3A_812 = arith.constant 0 : i32
    %dma_start3A_813 = arith.constant 0 : i32
    %dma_start3A_814 = tpu.memref_slice %arg5[%dma_start3A_810, %dma_start3A_811, %dma_start3A_812, %dma_start3A_813] : memref<3x4x4x1024xf32, #tpu.memory_space<vmem>> -> memref<1x4x4x1024xf32, #tpu.memory_space<vmem>>
    %dma_start3A_815 = tpu.memref_squeeze %dma_start3A_814 : memref<1x4x4x1024xf32, #tpu.memory_space<vmem>> -> memref<4x4x1024xf32, #tpu.memory_space<vmem>>
    %dma_start3A_816 = arith.constant 0 : i32
    %dma_start3A_817 = arith.constant 0 : i32
    %dma_start3A_818 = tpu.memref_slice %arg4[%add3A_760, %dma_start3A_816, %dma_start3A_817] : memref<2048x4x1024xf32, #tpu.memory_space<hbm>> -> memref<4x4x1024xf32, #tpu.memory_space<hbm>>
    %dma_start3A_819 = arith.constant 0 : i32
    %dma_start3A_820 = arith.constant 0 : i32
    %dma_start3A_821 = tpu.memref_slice %arg4[%add3A_760, %dma_start3A_819, %dma_start3A_820] : memref<2048x4x1024xf32, #tpu.memory_space<hbm>> -> memref<4x4x1024xf32, #tpu.memory_space<hbm>>
    %dma_start3A_822 = arith.constant 0 : i32
    %dma_start3A_823 = arith.constant 0 : i32
    %dma_start3A_824 = arith.constant 0 : i32
    %dma_start3A_825 = tpu.memref_slice %arg5[%dma_start3A_810, %dma_start3A_822, %dma_start3A_823, %dma_start3A_824] : memref<3x4x4x1024xf32, #tpu.memory_space<vmem>> -> memref<1x4x4x1024xf32, #tpu.memory_space<vmem>>
    %dma_start3A_826 = tpu.memref_squeeze %dma_start3A_825 : memref<1x4x4x1024xf32, #tpu.memory_space<vmem>> -> memref<4x4x1024xf32, #tpu.memory_space<vmem>>
    tpu.enqueue_dma source(%dma_start3A_826 : memref<4x4x1024xf32, #tpu.memory_space<vmem>>) target(%dma_start3A_821 : memref<4x4x1024xf32, #tpu.memory_space<hbm>>) target_semaphore(%arg15 : memref<!tpu.dma_semaphore, #tpu.memory_space<semaphore_mem>>)
    %add3A_827 = arith.constant 40 : i32
    %add3A_828 = arith.addi %mul3A_2, %add3A_827 : i32
    %dma_start3A_829 = arith.constant 1 : i32
    %dma_start3A_830 = arith.constant 0 : i32
    %dma_start3A_831 = arith.constant 0 : i32
    %dma_start3A_832 = arith.constant 0 : i32
    %dma_start3A_833 = tpu.memref_slice %arg5[%dma_start3A_829, %dma_start3A_830, %dma_start3A_831, %dma_start3A_832] : memref<3x4x4x1024xf32, #tpu.memory_space<vmem>> -> memref<1x4x4x1024xf32, #tpu.memory_space<vmem>>
    %dma_start3A_834 = tpu.memref_squeeze %dma_start3A_833 : memref<1x4x4x1024xf32, #tpu.memory_space<vmem>> -> memref<4x4x1024xf32, #tpu.memory_space<vmem>>
    %dma_start3A_835 = arith.constant 0 : i32
    %dma_start3A_836 = arith.constant 0 : i32
    %dma_start3A_837 = tpu.memref_slice %arg2[%add3A_828, %dma_start3A_835, %dma_start3A_836] : memref<2048x4x1024xf32, #tpu.memory_space<hbm>> -> memref<4x4x1024xf32, #tpu.memory_space<hbm>>
    %dma_start3A_838 = arith.constant 0 : i32
    %dma_start3A_839 = arith.constant 0 : i32
    %dma_start3A_840 = arith.constant 0 : i32
    %dma_start3A_841 = tpu.memref_slice %arg5[%dma_start3A_829, %dma_start3A_838, %dma_start3A_839, %dma_start3A_840] : memref<3x4x4x1024xf32, #tpu.memory_space<vmem>> -> memref<1x4x4x1024xf32, #tpu.memory_space<vmem>>
    %dma_start3A_842 = tpu.memref_squeeze %dma_start3A_841 : memref<1x4x4x1024xf32, #tpu.memory_space<vmem>> -> memref<4x4x1024xf32, #tpu.memory_space<vmem>>
    %dma_start3A_843 = arith.constant 0 : i32
    %dma_start3A_844 = arith.constant 0 : i32
    %dma_start3A_845 = tpu.memref_slice %arg2[%add3A_828, %dma_start3A_843, %dma_start3A_844] : memref<2048x4x1024xf32, #tpu.memory_space<hbm>> -> memref<4x4x1024xf32, #tpu.memory_space<hbm>>
    tpu.enqueue_dma source(%dma_start3A_845 : memref<4x4x1024xf32, #tpu.memory_space<hbm>>) target(%dma_start3A_842 : memref<4x4x1024xf32, #tpu.memory_space<vmem>>) target_semaphore(%arg9 : memref<!tpu.dma_semaphore, #tpu.memory_space<semaphore_mem>>)
    %dma_start3A_846 = arith.constant 1 : i32
    %dma_start3A_847 = arith.constant 0 : i32
    %dma_start3A_848 = arith.constant 0 : i32
    %dma_start3A_849 = tpu.memref_slice %arg6[%dma_start3A_846, %dma_start3A_847, %dma_start3A_848] : memref<3x4x1024xf32, #tpu.memory_space<vmem>> -> memref<1x4x1024xf32, #tpu.memory_space<vmem>>
    %dma_start3A_850 = tpu.memref_squeeze %dma_start3A_849 : memref<1x4x1024xf32, #tpu.memory_space<vmem>> -> memref<4x1024xf32, #tpu.memory_space<vmem>>
    %dma_start3A_851 = arith.constant 0 : i32
    %dma_start3A_852 = tpu.memref_slice %arg3[%add3A_828, %dma_start3A_851] : memref<2048x1024xf32, #tpu.memory_space<hbm>> -> memref<4x1024xf32, #tpu.memory_space<hbm>>
    %dma_start3A_853 = arith.constant 0 : i32
    %dma_start3A_854 = arith.constant 0 : i32
    %dma_start3A_855 = tpu.memref_slice %arg6[%dma_start3A_846, %dma_start3A_853, %dma_start3A_854] : memref<3x4x1024xf32, #tpu.memory_space<vmem>> -> memref<1x4x1024xf32, #tpu.memory_space<vmem>>
    %dma_start3A_856 = tpu.memref_squeeze %dma_start3A_855 : memref<1x4x1024xf32, #tpu.memory_space<vmem>> -> memref<4x1024xf32, #tpu.memory_space<vmem>>
    %dma_start3A_857 = arith.constant 0 : i32
    %dma_start3A_858 = tpu.memref_slice %arg3[%add3A_828, %dma_start3A_857] : memref<2048x1024xf32, #tpu.memory_space<hbm>> -> memref<4x1024xf32, #tpu.memory_space<hbm>>
    tpu.enqueue_dma source(%dma_start3A_858 : memref<4x1024xf32, #tpu.memory_space<hbm>>) target(%dma_start3A_856 : memref<4x1024xf32, #tpu.memory_space<vmem>>) target_semaphore(%arg12 : memref<!tpu.dma_semaphore, #tpu.memory_space<semaphore_mem>>)
    %add3A_859 = arith.constant 32 : i32
    %add3A_860 = arith.addi %mul3A_2, %add3A_859 : i32
    %dma_wait3A_861 = arith.constant 2 : i32
    %dma_wait3A_862 = arith.constant 0 : i32
    %dma_wait3A_863 = arith.constant 0 : i32
    %dma_wait3A_864 = arith.constant 0 : i32
    %dma_wait3A_865 = tpu.memref_slice %arg5[%dma_wait3A_861, %dma_wait3A_862, %dma_wait3A_863, %dma_wait3A_864] : memref<3x4x4x1024xf32, #tpu.memory_space<vmem>> -> memref<1x4x4x1024xf32, #tpu.memory_space<vmem>>
    %dma_wait3A_866 = tpu.memref_squeeze %dma_wait3A_865 : memref<1x4x4x1024xf32, #tpu.memory_space<vmem>> -> memref<4x4x1024xf32, #tpu.memory_space<vmem>>
    %dma_wait3A_867 = arith.constant 0 : i32
    %dma_wait3A_868 = arith.constant 0 : i32
    %dma_wait3A_869 = tpu.memref_slice %arg2[%add3A_860, %dma_wait3A_867, %dma_wait3A_868] : memref<2048x4x1024xf32, #tpu.memory_space<hbm>> -> memref<4x4x1024xf32, #tpu.memory_space<hbm>>
    %dma_wait3A_870 = arith.constant 0 : i32
    %dma_wait3A_871 = arith.constant 0 : i32
    %dma_wait3A_872 = arith.constant 0 : i32
    %dma_wait3A_873 = tpu.memref_slice %arg5[%dma_wait3A_861, %dma_wait3A_870, %dma_wait3A_871, %dma_wait3A_872] : memref<3x4x4x1024xf32, #tpu.memory_space<vmem>> -> memref<1x4x4x1024xf32, #tpu.memory_space<vmem>>
    %dma_wait3A_874 = tpu.memref_squeeze %dma_wait3A_873 : memref<1x4x4x1024xf32, #tpu.memory_space<vmem>> -> memref<4x4x1024xf32, #tpu.memory_space<vmem>>
    %dma_wait3A_875 = arith.constant 0 : i32
    %dma_wait3A_876 = arith.constant 0 : i32
    %dma_wait3A_877 = tpu.memref_slice %arg2[%add3A_860, %dma_wait3A_875, %dma_wait3A_876] : memref<2048x4x1024xf32, #tpu.memory_space<hbm>> -> memref<4x4x1024xf32, #tpu.memory_space<hbm>>
    tpu.wait_dma2 semaphore(%arg10 : memref<!tpu.dma_semaphore, #tpu.memory_space<semaphore_mem>>) src(%dma_wait3A_877 : memref<4x4x1024xf32, #tpu.memory_space<hbm>>) dst(%dma_wait3A_874 : memref<4x4x1024xf32, #tpu.memory_space<vmem>>)
    %dma_wait3A_878 = arith.constant 2 : i32
    %dma_wait3A_879 = arith.constant 0 : i32
    %dma_wait3A_880 = arith.constant 0 : i32
    %dma_wait3A_881 = tpu.memref_slice %arg6[%dma_wait3A_878, %dma_wait3A_879, %dma_wait3A_880] : memref<3x4x1024xf32, #tpu.memory_space<vmem>> -> memref<1x4x1024xf32, #tpu.memory_space<vmem>>
    %dma_wait3A_882 = tpu.memref_squeeze %dma_wait3A_881 : memref<1x4x1024xf32, #tpu.memory_space<vmem>> -> memref<4x1024xf32, #tpu.memory_space<vmem>>
    %dma_wait3A_883 = arith.constant 0 : i32
    %dma_wait3A_884 = tpu.memref_slice %arg3[%add3A_860, %dma_wait3A_883] : memref<2048x1024xf32, #tpu.memory_space<hbm>> -> memref<4x1024xf32, #tpu.memory_space<hbm>>
    %dma_wait3A_885 = arith.constant 0 : i32
    %dma_wait3A_886 = arith.constant 0 : i32
    %dma_wait3A_887 = tpu.memref_slice %arg6[%dma_wait3A_878, %dma_wait3A_885, %dma_wait3A_886] : memref<3x4x1024xf32, #tpu.memory_space<vmem>> -> memref<1x4x1024xf32, #tpu.memory_space<vmem>>
    %dma_wait3A_888 = tpu.memref_squeeze %dma_wait3A_887 : memref<1x4x1024xf32, #tpu.memory_space<vmem>> -> memref<4x1024xf32, #tpu.memory_space<vmem>>
    %dma_wait3A_889 = arith.constant 0 : i32
    %dma_wait3A_890 = tpu.memref_slice %arg3[%add3A_860, %dma_wait3A_889] : memref<2048x1024xf32, #tpu.memory_space<hbm>> -> memref<4x1024xf32, #tpu.memory_space<hbm>>
    tpu.wait_dma2 semaphore(%arg13 : memref<!tpu.dma_semaphore, #tpu.memory_space<semaphore_mem>>) src(%dma_wait3A_890 : memref<4x1024xf32, #tpu.memory_space<hbm>>) dst(%dma_wait3A_888 : memref<4x1024xf32, #tpu.memory_space<vmem>>)
    %add3A_891 = arith.constant 24 : i32
    %add3A_892 = arith.addi %mul3A_2, %add3A_891 : i32
    %dma_wait3A_893 = arith.constant 0 : i32
    %dma_wait3A_894 = arith.constant 0 : i32
    %dma_wait3A_895 = arith.constant 0 : i32
    %dma_wait3A_896 = arith.constant 0 : i32
    %dma_wait3A_897 = tpu.memref_slice %arg7[%dma_wait3A_893, %dma_wait3A_894, %dma_wait3A_895, %dma_wait3A_896] : memref<2x4x4x1024xf32, #tpu.memory_space<vmem>> -> memref<1x4x4x1024xf32, #tpu.memory_space<vmem>>
    %dma_wait3A_898 = tpu.memref_squeeze %dma_wait3A_897 : memref<1x4x4x1024xf32, #tpu.memory_space<vmem>> -> memref<4x4x1024xf32, #tpu.memory_space<vmem>>
    %dma_wait3A_899 = arith.constant 0 : i32
    %dma_wait3A_900 = arith.constant 0 : i32
    %dma_wait3A_901 = tpu.memref_slice %arg4[%add3A_892, %dma_wait3A_899, %dma_wait3A_900] : memref<2048x4x1024xf32, #tpu.memory_space<hbm>> -> memref<4x4x1024xf32, #tpu.memory_space<hbm>>
    %dma_wait3A_902 = arith.constant 0 : i32
    %dma_wait3A_903 = arith.constant 0 : i32
    %dma_wait3A_904 = tpu.memref_slice %arg4[%add3A_892, %dma_wait3A_902, %dma_wait3A_903] : memref<2048x4x1024xf32, #tpu.memory_space<hbm>> -> memref<4x4x1024xf32, #tpu.memory_space<hbm>>
    %dma_wait3A_905 = arith.constant 0 : i32
    %dma_wait3A_906 = arith.constant 0 : i32
    %dma_wait3A_907 = arith.constant 0 : i32
    %dma_wait3A_908 = tpu.memref_slice %arg7[%dma_wait3A_893, %dma_wait3A_905, %dma_wait3A_906, %dma_wait3A_907] : memref<2x4x4x1024xf32, #tpu.memory_space<vmem>> -> memref<1x4x4x1024xf32, #tpu.memory_space<vmem>>
    %dma_wait3A_909 = tpu.memref_squeeze %dma_wait3A_908 : memref<1x4x4x1024xf32, #tpu.memory_space<vmem>> -> memref<4x4x1024xf32, #tpu.memory_space<vmem>>
    tpu.wait_dma2 semaphore(%arg14 : memref<!tpu.dma_semaphore, #tpu.memory_space<semaphore_mem>>) src(%dma_wait3A_909 : memref<4x4x1024xf32, #tpu.memory_space<vmem>>) dst(%dma_wait3A_904 : memref<4x4x1024xf32, #tpu.memory_space<hbm>>)
    %dma_start3A_910 = arith.constant 2 : i32
    %dma_start3A_911 = arith.constant 0 : i32
    %dma_start3A_912 = arith.constant 0 : i32
    %dma_start3A_913 = arith.constant 0 : i32
    %dma_start3A_914 = tpu.memref_slice %arg5[%dma_start3A_910, %dma_start3A_911, %dma_start3A_912, %dma_start3A_913] : memref<3x4x4x1024xf32, #tpu.memory_space<vmem>> -> memref<1x4x4x1024xf32, #tpu.memory_space<vmem>>
    %dma_start3A_915 = tpu.memref_squeeze %dma_start3A_914 : memref<1x4x4x1024xf32, #tpu.memory_space<vmem>> -> memref<4x4x1024xf32, #tpu.memory_space<vmem>>
    %dma_start3A_916 = arith.constant 0 : i32
    %dma_start3A_917 = arith.constant 0 : i32
    %dma_start3A_918 = tpu.memref_slice %arg4[%add3A_860, %dma_start3A_916, %dma_start3A_917] : memref<2048x4x1024xf32, #tpu.memory_space<hbm>> -> memref<4x4x1024xf32, #tpu.memory_space<hbm>>
    %dma_start3A_919 = arith.constant 0 : i32
    %dma_start3A_920 = arith.constant 0 : i32
    %dma_start3A_921 = tpu.memref_slice %arg4[%add3A_860, %dma_start3A_919, %dma_start3A_920] : memref<2048x4x1024xf32, #tpu.memory_space<hbm>> -> memref<4x4x1024xf32, #tpu.memory_space<hbm>>
    %dma_start3A_922 = arith.constant 0 : i32
    %dma_start3A_923 = arith.constant 0 : i32
    %dma_start3A_924 = arith.constant 0 : i32
    %dma_start3A_925 = tpu.memref_slice %arg5[%dma_start3A_910, %dma_start3A_922, %dma_start3A_923, %dma_start3A_924] : memref<3x4x4x1024xf32, #tpu.memory_space<vmem>> -> memref<1x4x4x1024xf32, #tpu.memory_space<vmem>>
    %dma_start3A_926 = tpu.memref_squeeze %dma_start3A_925 : memref<1x4x4x1024xf32, #tpu.memory_space<vmem>> -> memref<4x4x1024xf32, #tpu.memory_space<vmem>>
    tpu.enqueue_dma source(%dma_start3A_926 : memref<4x4x1024xf32, #tpu.memory_space<vmem>>) target(%dma_start3A_921 : memref<4x4x1024xf32, #tpu.memory_space<hbm>>) target_semaphore(%arg14 : memref<!tpu.dma_semaphore, #tpu.memory_space<semaphore_mem>>)
    %add3A_927 = arith.constant 44 : i32
    %add3A_928 = arith.addi %mul3A_2, %add3A_927 : i32
    %dma_start3A_929 = arith.constant 2 : i32
    %dma_start3A_930 = arith.constant 0 : i32
    %dma_start3A_931 = arith.constant 0 : i32
    %dma_start3A_932 = arith.constant 0 : i32
    %dma_start3A_933 = tpu.memref_slice %arg5[%dma_start3A_929, %dma_start3A_930, %dma_start3A_931, %dma_start3A_932] : memref<3x4x4x1024xf32, #tpu.memory_space<vmem>> -> memref<1x4x4x1024xf32, #tpu.memory_space<vmem>>
    %dma_start3A_934 = tpu.memref_squeeze %dma_start3A_933 : memref<1x4x4x1024xf32, #tpu.memory_space<vmem>> -> memref<4x4x1024xf32, #tpu.memory_space<vmem>>
    %dma_start3A_935 = arith.constant 0 : i32
    %dma_start3A_936 = arith.constant 0 : i32
    %dma_start3A_937 = tpu.memref_slice %arg2[%add3A_928, %dma_start3A_935, %dma_start3A_936] : memref<2048x4x1024xf32, #tpu.memory_space<hbm>> -> memref<4x4x1024xf32, #tpu.memory_space<hbm>>
    %dma_start3A_938 = arith.constant 0 : i32
    %dma_start3A_939 = arith.constant 0 : i32
    %dma_start3A_940 = arith.constant 0 : i32
    %dma_start3A_941 = tpu.memref_slice %arg5[%dma_start3A_929, %dma_start3A_938, %dma_start3A_939, %dma_start3A_940] : memref<3x4x4x1024xf32, #tpu.memory_space<vmem>> -> memref<1x4x4x1024xf32, #tpu.memory_space<vmem>>
    %dma_start3A_942 = tpu.memref_squeeze %dma_start3A_941 : memref<1x4x4x1024xf32, #tpu.memory_space<vmem>> -> memref<4x4x1024xf32, #tpu.memory_space<vmem>>
    %dma_start3A_943 = arith.constant 0 : i32
    %dma_start3A_944 = arith.constant 0 : i32
    %dma_start3A_945 = tpu.memref_slice %arg2[%add3A_928, %dma_start3A_943, %dma_start3A_944] : memref<2048x4x1024xf32, #tpu.memory_space<hbm>> -> memref<4x4x1024xf32, #tpu.memory_space<hbm>>
    tpu.enqueue_dma source(%dma_start3A_945 : memref<4x4x1024xf32, #tpu.memory_space<hbm>>) target(%dma_start3A_942 : memref<4x4x1024xf32, #tpu.memory_space<vmem>>) target_semaphore(%arg10 : memref<!tpu.dma_semaphore, #tpu.memory_space<semaphore_mem>>)
    %dma_start3A_946 = arith.constant 2 : i32
    %dma_start3A_947 = arith.constant 0 : i32
    %dma_start3A_948 = arith.constant 0 : i32
    %dma_start3A_949 = tpu.memref_slice %arg6[%dma_start3A_946, %dma_start3A_947, %dma_start3A_948] : memref<3x4x1024xf32, #tpu.memory_space<vmem>> -> memref<1x4x1024xf32, #tpu.memory_space<vmem>>
    %dma_start3A_950 = tpu.memref_squeeze %dma_start3A_949 : memref<1x4x1024xf32, #tpu.memory_space<vmem>> -> memref<4x1024xf32, #tpu.memory_space<vmem>>
    %dma_start3A_951 = arith.constant 0 : i32
    %dma_start3A_952 = tpu.memref_slice %arg3[%add3A_928, %dma_start3A_951] : memref<2048x1024xf32, #tpu.memory_space<hbm>> -> memref<4x1024xf32, #tpu.memory_space<hbm>>
    %dma_start3A_953 = arith.constant 0 : i32
    %dma_start3A_954 = arith.constant 0 : i32
    %dma_start3A_955 = tpu.memref_slice %arg6[%dma_start3A_946, %dma_start3A_953, %dma_start3A_954] : memref<3x4x1024xf32, #tpu.memory_space<vmem>> -> memref<1x4x1024xf32, #tpu.memory_space<vmem>>
    %dma_start3A_956 = tpu.memref_squeeze %dma_start3A_955 : memref<1x4x1024xf32, #tpu.memory_space<vmem>> -> memref<4x1024xf32, #tpu.memory_space<vmem>>
    %dma_start3A_957 = arith.constant 0 : i32
    %dma_start3A_958 = tpu.memref_slice %arg3[%add3A_928, %dma_start3A_957] : memref<2048x1024xf32, #tpu.memory_space<hbm>> -> memref<4x1024xf32, #tpu.memory_space<hbm>>
    tpu.enqueue_dma source(%dma_start3A_958 : memref<4x1024xf32, #tpu.memory_space<hbm>>) target(%dma_start3A_956 : memref<4x1024xf32, #tpu.memory_space<vmem>>) target_semaphore(%arg13 : memref<!tpu.dma_semaphore, #tpu.memory_space<semaphore_mem>>)
    %add3A_959 = arith.constant 36 : i32
    %add3A_960 = arith.addi %mul3A_2, %add3A_959 : i32
    %dma_wait3A_961 = arith.constant 0 : i32
    %dma_wait3A_962 = arith.constant 0 : i32
    %dma_wait3A_963 = arith.constant 0 : i32
    %dma_wait3A_964 = arith.constant 0 : i32
    %dma_wait3A_965 = tpu.memref_slice %arg5[%dma_wait3A_961, %dma_wait3A_962, %dma_wait3A_963, %dma_wait3A_964] : memref<3x4x4x1024xf32, #tpu.memory_space<vmem>> -> memref<1x4x4x1024xf32, #tpu.memory_space<vmem>>
    %dma_wait3A_966 = tpu.memref_squeeze %dma_wait3A_965 : memref<1x4x4x1024xf32, #tpu.memory_space<vmem>> -> memref<4x4x1024xf32, #tpu.memory_space<vmem>>
    %dma_wait3A_967 = arith.constant 0 : i32
    %dma_wait3A_968 = arith.constant 0 : i32
    %dma_wait3A_969 = tpu.memref_slice %arg2[%add3A_960, %dma_wait3A_967, %dma_wait3A_968] : memref<2048x4x1024xf32, #tpu.memory_space<hbm>> -> memref<4x4x1024xf32, #tpu.memory_space<hbm>>
    %dma_wait3A_970 = arith.constant 0 : i32
    %dma_wait3A_971 = arith.constant 0 : i32
    %dma_wait3A_972 = arith.constant 0 : i32
    %dma_wait3A_973 = tpu.memref_slice %arg5[%dma_wait3A_961, %dma_wait3A_970, %dma_wait3A_971, %dma_wait3A_972] : memref<3x4x4x1024xf32, #tpu.memory_space<vmem>> -> memref<1x4x4x1024xf32, #tpu.memory_space<vmem>>
    %dma_wait3A_974 = tpu.memref_squeeze %dma_wait3A_973 : memref<1x4x4x1024xf32, #tpu.memory_space<vmem>> -> memref<4x4x1024xf32, #tpu.memory_space<vmem>>
    %dma_wait3A_975 = arith.constant 0 : i32
    %dma_wait3A_976 = arith.constant 0 : i32
    %dma_wait3A_977 = tpu.memref_slice %arg2[%add3A_960, %dma_wait3A_975, %dma_wait3A_976] : memref<2048x4x1024xf32, #tpu.memory_space<hbm>> -> memref<4x4x1024xf32, #tpu.memory_space<hbm>>
    tpu.wait_dma2 semaphore(%arg8 : memref<!tpu.dma_semaphore, #tpu.memory_space<semaphore_mem>>) src(%dma_wait3A_977 : memref<4x4x1024xf32, #tpu.memory_space<hbm>>) dst(%dma_wait3A_974 : memref<4x4x1024xf32, #tpu.memory_space<vmem>>)
    %dma_wait3A_978 = arith.constant 0 : i32
    %dma_wait3A_979 = arith.constant 0 : i32
    %dma_wait3A_980 = arith.constant 0 : i32
    %dma_wait3A_981 = tpu.memref_slice %arg6[%dma_wait3A_978, %dma_wait3A_979, %dma_wait3A_980] : memref<3x4x1024xf32, #tpu.memory_space<vmem>> -> memref<1x4x1024xf32, #tpu.memory_space<vmem>>
    %dma_wait3A_982 = tpu.memref_squeeze %dma_wait3A_981 : memref<1x4x1024xf32, #tpu.memory_space<vmem>> -> memref<4x1024xf32, #tpu.memory_space<vmem>>
    %dma_wait3A_983 = arith.constant 0 : i32
    %dma_wait3A_984 = tpu.memref_slice %arg3[%add3A_960, %dma_wait3A_983] : memref<2048x1024xf32, #tpu.memory_space<hbm>> -> memref<4x1024xf32, #tpu.memory_space<hbm>>
    %dma_wait3A_985 = arith.constant 0 : i32
    %dma_wait3A_986 = arith.constant 0 : i32
    %dma_wait3A_987 = tpu.memref_slice %arg6[%dma_wait3A_978, %dma_wait3A_985, %dma_wait3A_986] : memref<3x4x1024xf32, #tpu.memory_space<vmem>> -> memref<1x4x1024xf32, #tpu.memory_space<vmem>>
    %dma_wait3A_988 = tpu.memref_squeeze %dma_wait3A_987 : memref<1x4x1024xf32, #tpu.memory_space<vmem>> -> memref<4x1024xf32, #tpu.memory_space<vmem>>
    %dma_wait3A_989 = arith.constant 0 : i32
    %dma_wait3A_990 = tpu.memref_slice %arg3[%add3A_960, %dma_wait3A_989] : memref<2048x1024xf32, #tpu.memory_space<hbm>> -> memref<4x1024xf32, #tpu.memory_space<hbm>>
    tpu.wait_dma2 semaphore(%arg11 : memref<!tpu.dma_semaphore, #tpu.memory_space<semaphore_mem>>) src(%dma_wait3A_990 : memref<4x1024xf32, #tpu.memory_space<hbm>>) dst(%dma_wait3A_988 : memref<4x1024xf32, #tpu.memory_space<vmem>>)
    %add3A_991 = arith.constant 28 : i32
    %add3A_992 = arith.addi %mul3A_2, %add3A_991 : i32
    %dma_wait3A_993 = arith.constant 1 : i32
    %dma_wait3A_994 = arith.constant 0 : i32
    %dma_wait3A_995 = arith.constant 0 : i32
    %dma_wait3A_996 = arith.constant 0 : i32
    %dma_wait3A_997 = tpu.memref_slice %arg7[%dma_wait3A_993, %dma_wait3A_994, %dma_wait3A_995, %dma_wait3A_996] : memref<2x4x4x1024xf32, #tpu.memory_space<vmem>> -> memref<1x4x4x1024xf32, #tpu.memory_space<vmem>>
    %dma_wait3A_998 = tpu.memref_squeeze %dma_wait3A_997 : memref<1x4x4x1024xf32, #tpu.memory_space<vmem>> -> memref<4x4x1024xf32, #tpu.memory_space<vmem>>
    %dma_wait3A_999 = arith.constant 0 : i32
    %dma_wait3A_1000 = arith.constant 0 : i32
    %dma_wait3A_1001 = tpu.memref_slice %arg4[%add3A_992, %dma_wait3A_999, %dma_wait3A_1000] : memref<2048x4x1024xf32, #tpu.memory_space<hbm>> -> memref<4x4x1024xf32, #tpu.memory_space<hbm>>
    %dma_wait3A_1002 = arith.constant 0 : i32
    %dma_wait3A_1003 = arith.constant 0 : i32
    %dma_wait3A_1004 = tpu.memref_slice %arg4[%add3A_992, %dma_wait3A_1002, %dma_wait3A_1003] : memref<2048x4x1024xf32, #tpu.memory_space<hbm>> -> memref<4x4x1024xf32, #tpu.memory_space<hbm>>
    %dma_wait3A_1005 = arith.constant 0 : i32
    %dma_wait3A_1006 = arith.constant 0 : i32
    %dma_wait3A_1007 = arith.constant 0 : i32
    %dma_wait3A_1008 = tpu.memref_slice %arg7[%dma_wait3A_993, %dma_wait3A_1005, %dma_wait3A_1006, %dma_wait3A_1007] : memref<2x4x4x1024xf32, #tpu.memory_space<vmem>> -> memref<1x4x4x1024xf32, #tpu.memory_space<vmem>>
    %dma_wait3A_1009 = tpu.memref_squeeze %dma_wait3A_1008 : memref<1x4x4x1024xf32, #tpu.memory_space<vmem>> -> memref<4x4x1024xf32, #tpu.memory_space<vmem>>
    tpu.wait_dma2 semaphore(%arg15 : memref<!tpu.dma_semaphore, #tpu.memory_space<semaphore_mem>>) src(%dma_wait3A_1009 : memref<4x4x1024xf32, #tpu.memory_space<vmem>>) dst(%dma_wait3A_1004 : memref<4x4x1024xf32, #tpu.memory_space<hbm>>)
    %dma_start3A_1010 = arith.constant 0 : i32
    %dma_start3A_1011 = arith.constant 0 : i32
    %dma_start3A_1012 = arith.constant 0 : i32
    %dma_start3A_1013 = arith.constant 0 : i32
    %dma_start3A_1014 = tpu.memref_slice %arg5[%dma_start3A_1010, %dma_start3A_1011, %dma_start3A_1012, %dma_start3A_1013] : memref<3x4x4x1024xf32, #tpu.memory_space<vmem>> -> memref<1x4x4x1024xf32, #tpu.memory_space<vmem>>
    %dma_start3A_1015 = tpu.memref_squeeze %dma_start3A_1014 : memref<1x4x4x1024xf32, #tpu.memory_space<vmem>> -> memref<4x4x1024xf32, #tpu.memory_space<vmem>>
    %dma_start3A_1016 = arith.constant 0 : i32
    %dma_start3A_1017 = arith.constant 0 : i32
    %dma_start3A_1018 = tpu.memref_slice %arg4[%add3A_960, %dma_start3A_1016, %dma_start3A_1017] : memref<2048x4x1024xf32, #tpu.memory_space<hbm>> -> memref<4x4x1024xf32, #tpu.memory_space<hbm>>
    %dma_start3A_1019 = arith.constant 0 : i32
    %dma_start3A_1020 = arith.constant 0 : i32
    %dma_start3A_1021 = tpu.memref_slice %arg4[%add3A_960, %dma_start3A_1019, %dma_start3A_1020] : memref<2048x4x1024xf32, #tpu.memory_space<hbm>> -> memref<4x4x1024xf32, #tpu.memory_space<hbm>>
    %dma_start3A_1022 = arith.constant 0 : i32
    %dma_start3A_1023 = arith.constant 0 : i32
    %dma_start3A_1024 = arith.constant 0 : i32
    %dma_start3A_1025 = tpu.memref_slice %arg5[%dma_start3A_1010, %dma_start3A_1022, %dma_start3A_1023, %dma_start3A_1024] : memref<3x4x4x1024xf32, #tpu.memory_space<vmem>> -> memref<1x4x4x1024xf32, #tpu.memory_space<vmem>>
    %dma_start3A_1026 = tpu.memref_squeeze %dma_start3A_1025 : memref<1x4x4x1024xf32, #tpu.memory_space<vmem>> -> memref<4x4x1024xf32, #tpu.memory_space<vmem>>
    tpu.enqueue_dma source(%dma_start3A_1026 : memref<4x4x1024xf32, #tpu.memory_space<vmem>>) target(%dma_start3A_1021 : memref<4x4x1024xf32, #tpu.memory_space<hbm>>) target_semaphore(%arg15 : memref<!tpu.dma_semaphore, #tpu.memory_space<semaphore_mem>>)
    %add3A_1027 = arith.constant 48 : i32
    %add3A_1028 = arith.addi %mul3A_2, %add3A_1027 : i32
    %dma_start3A_1029 = arith.constant 0 : i32
    %dma_start3A_1030 = arith.constant 0 : i32
    %dma_start3A_1031 = arith.constant 0 : i32
    %dma_start3A_1032 = arith.constant 0 : i32
    %dma_start3A_1033 = tpu.memref_slice %arg5[%dma_start3A_1029, %dma_start3A_1030, %dma_start3A_1031, %dma_start3A_1032] : memref<3x4x4x1024xf32, #tpu.memory_space<vmem>> -> memref<1x4x4x1024xf32, #tpu.memory_space<vmem>>
    %dma_start3A_1034 = tpu.memref_squeeze %dma_start3A_1033 : memref<1x4x4x1024xf32, #tpu.memory_space<vmem>> -> memref<4x4x1024xf32, #tpu.memory_space<vmem>>
    %dma_start3A_1035 = arith.constant 0 : i32
    %dma_start3A_1036 = arith.constant 0 : i32
    %dma_start3A_1037 = tpu.memref_slice %arg2[%add3A_1028, %dma_start3A_1035, %dma_start3A_1036] : memref<2048x4x1024xf32, #tpu.memory_space<hbm>> -> memref<4x4x1024xf32, #tpu.memory_space<hbm>>
    %dma_start3A_1038 = arith.constant 0 : i32
    %dma_start3A_1039 = arith.constant 0 : i32
    %dma_start3A_1040 = arith.constant 0 : i32
    %dma_start3A_1041 = tpu.memref_slice %arg5[%dma_start3A_1029, %dma_start3A_1038, %dma_start3A_1039, %dma_start3A_1040] : memref<3x4x4x1024xf32, #tpu.memory_space<vmem>> -> memref<1x4x4x1024xf32, #tpu.memory_space<vmem>>
    %dma_start3A_1042 = tpu.memref_squeeze %dma_start3A_1041 : memref<1x4x4x1024xf32, #tpu.memory_space<vmem>> -> memref<4x4x1024xf32, #tpu.memory_space<vmem>>
    %dma_start3A_1043 = arith.constant 0 : i32
    %dma_start3A_1044 = arith.constant 0 : i32
    %dma_start3A_1045 = tpu.memref_slice %arg2[%add3A_1028, %dma_start3A_1043, %dma_start3A_1044] : memref<2048x4x1024xf32, #tpu.memory_space<hbm>> -> memref<4x4x1024xf32, #tpu.memory_space<hbm>>
    tpu.enqueue_dma source(%dma_start3A_1045 : memref<4x4x1024xf32, #tpu.memory_space<hbm>>) target(%dma_start3A_1042 : memref<4x4x1024xf32, #tpu.memory_space<vmem>>) target_semaphore(%arg8 : memref<!tpu.dma_semaphore, #tpu.memory_space<semaphore_mem>>)
    %dma_start3A_1046 = arith.constant 0 : i32
    %dma_start3A_1047 = arith.constant 0 : i32
    %dma_start3A_1048 = arith.constant 0 : i32
    %dma_start3A_1049 = tpu.memref_slice %arg6[%dma_start3A_1046, %dma_start3A_1047, %dma_start3A_1048] : memref<3x4x1024xf32, #tpu.memory_space<vmem>> -> memref<1x4x1024xf32, #tpu.memory_space<vmem>>
    %dma_start3A_1050 = tpu.memref_squeeze %dma_start3A_1049 : memref<1x4x1024xf32, #tpu.memory_space<vmem>> -> memref<4x1024xf32, #tpu.memory_space<vmem>>
    %dma_start3A_1051 = arith.constant 0 : i32
    %dma_start3A_1052 = tpu.memref_slice %arg3[%add3A_1028, %dma_start3A_1051] : memref<2048x1024xf32, #tpu.memory_space<hbm>> -> memref<4x1024xf32, #tpu.memory_space<hbm>>
    %dma_start3A_1053 = arith.constant 0 : i32
    %dma_start3A_1054 = arith.constant 0 : i32
    %dma_start3A_1055 = tpu.memref_slice %arg6[%dma_start3A_1046, %dma_start3A_1053, %dma_start3A_1054] : memref<3x4x1024xf32, #tpu.memory_space<vmem>> -> memref<1x4x1024xf32, #tpu.memory_space<vmem>>
    %dma_start3A_1056 = tpu.memref_squeeze %dma_start3A_1055 : memref<1x4x1024xf32, #tpu.memory_space<vmem>> -> memref<4x1024xf32, #tpu.memory_space<vmem>>
    %dma_start3A_1057 = arith.constant 0 : i32
    %dma_start3A_1058 = tpu.memref_slice %arg3[%add3A_1028, %dma_start3A_1057] : memref<2048x1024xf32, #tpu.memory_space<hbm>> -> memref<4x1024xf32, #tpu.memory_space<hbm>>
    tpu.enqueue_dma source(%dma_start3A_1058 : memref<4x1024xf32, #tpu.memory_space<hbm>>) target(%dma_start3A_1056 : memref<4x1024xf32, #tpu.memory_space<vmem>>) target_semaphore(%arg11 : memref<!tpu.dma_semaphore, #tpu.memory_space<semaphore_mem>>)
    %add3A_1059 = arith.constant 40 : i32
    %add3A_1060 = arith.addi %mul3A_2, %add3A_1059 : i32
    %dma_wait3A_1061 = arith.constant 1 : i32
    %dma_wait3A_1062 = arith.constant 0 : i32
    %dma_wait3A_1063 = arith.constant 0 : i32
    %dma_wait3A_1064 = arith.constant 0 : i32
    %dma_wait3A_1065 = tpu.memref_slice %arg5[%dma_wait3A_1061, %dma_wait3A_1062, %dma_wait3A_1063, %dma_wait3A_1064] : memref<3x4x4x1024xf32, #tpu.memory_space<vmem>> -> memref<1x4x4x1024xf32, #tpu.memory_space<vmem>>
    %dma_wait3A_1066 = tpu.memref_squeeze %dma_wait3A_1065 : memref<1x4x4x1024xf32, #tpu.memory_space<vmem>> -> memref<4x4x1024xf32, #tpu.memory_space<vmem>>
    %dma_wait3A_1067 = arith.constant 0 : i32
    %dma_wait3A_1068 = arith.constant 0 : i32
    %dma_wait3A_1069 = tpu.memref_slice %arg2[%add3A_1060, %dma_wait3A_1067, %dma_wait3A_1068] : memref<2048x4x1024xf32, #tpu.memory_space<hbm>> -> memref<4x4x1024xf32, #tpu.memory_space<hbm>>
    %dma_wait3A_1070 = arith.constant 0 : i32
    %dma_wait3A_1071 = arith.constant 0 : i32
    %dma_wait3A_1072 = arith.constant 0 : i32
    %dma_wait3A_1073 = tpu.memref_slice %arg5[%dma_wait3A_1061, %dma_wait3A_1070, %dma_wait3A_1071, %dma_wait3A_1072] : memref<3x4x4x1024xf32, #tpu.memory_space<vmem>> -> memref<1x4x4x1024xf32, #tpu.memory_space<vmem>>
    %dma_wait3A_1074 = tpu.memref_squeeze %dma_wait3A_1073 : memref<1x4x4x1024xf32, #tpu.memory_space<vmem>> -> memref<4x4x1024xf32, #tpu.memory_space<vmem>>
    %dma_wait3A_1075 = arith.constant 0 : i32
    %dma_wait3A_1076 = arith.constant 0 : i32
    %dma_wait3A_1077 = tpu.memref_slice %arg2[%add3A_1060, %dma_wait3A_1075, %dma_wait3A_1076] : memref<2048x4x1024xf32, #tpu.memory_space<hbm>> -> memref<4x4x1024xf32, #tpu.memory_space<hbm>>
    tpu.wait_dma2 semaphore(%arg9 : memref<!tpu.dma_semaphore, #tpu.memory_space<semaphore_mem>>) src(%dma_wait3A_1077 : memref<4x4x1024xf32, #tpu.memory_space<hbm>>) dst(%dma_wait3A_1074 : memref<4x4x1024xf32, #tpu.memory_space<vmem>>)
    %dma_wait3A_1078 = arith.constant 1 : i32
    %dma_wait3A_1079 = arith.constant 0 : i32
    %dma_wait3A_1080 = arith.constant 0 : i32
    %dma_wait3A_1081 = tpu.memref_slice %arg6[%dma_wait3A_1078, %dma_wait3A_1079, %dma_wait3A_1080] : memref<3x4x1024xf32, #tpu.memory_space<vmem>> -> memref<1x4x1024xf32, #tpu.memory_space<vmem>>
    %dma_wait3A_1082 = tpu.memref_squeeze %dma_wait3A_1081 : memref<1x4x1024xf32, #tpu.memory_space<vmem>> -> memref<4x1024xf32, #tpu.memory_space<vmem>>
    %dma_wait3A_1083 = arith.constant 0 : i32
    %dma_wait3A_1084 = tpu.memref_slice %arg3[%add3A_1060, %dma_wait3A_1083] : memref<2048x1024xf32, #tpu.memory_space<hbm>> -> memref<4x1024xf32, #tpu.memory_space<hbm>>
    %dma_wait3A_1085 = arith.constant 0 : i32
    %dma_wait3A_1086 = arith.constant 0 : i32
    %dma_wait3A_1087 = tpu.memref_slice %arg6[%dma_wait3A_1078, %dma_wait3A_1085, %dma_wait3A_1086] : memref<3x4x1024xf32, #tpu.memory_space<vmem>> -> memref<1x4x1024xf32, #tpu.memory_space<vmem>>
    %dma_wait3A_1088 = tpu.memref_squeeze %dma_wait3A_1087 : memref<1x4x1024xf32, #tpu.memory_space<vmem>> -> memref<4x1024xf32, #tpu.memory_space<vmem>>
    %dma_wait3A_1089 = arith.constant 0 : i32
    %dma_wait3A_1090 = tpu.memref_slice %arg3[%add3A_1060, %dma_wait3A_1089] : memref<2048x1024xf32, #tpu.memory_space<hbm>> -> memref<4x1024xf32, #tpu.memory_space<hbm>>
    tpu.wait_dma2 semaphore(%arg12 : memref<!tpu.dma_semaphore, #tpu.memory_space<semaphore_mem>>) src(%dma_wait3A_1090 : memref<4x1024xf32, #tpu.memory_space<hbm>>) dst(%dma_wait3A_1088 : memref<4x1024xf32, #tpu.memory_space<vmem>>)
    %add3A_1091 = arith.constant 32 : i32
    %add3A_1092 = arith.addi %mul3A_2, %add3A_1091 : i32
    %dma_wait3A_1093 = arith.constant 0 : i32
    %dma_wait3A_1094 = arith.constant 0 : i32
    %dma_wait3A_1095 = arith.constant 0 : i32
    %dma_wait3A_1096 = arith.constant 0 : i32
    %dma_wait3A_1097 = tpu.memref_slice %arg7[%dma_wait3A_1093, %dma_wait3A_1094, %dma_wait3A_1095, %dma_wait3A_1096] : memref<2x4x4x1024xf32, #tpu.memory_space<vmem>> -> memref<1x4x4x1024xf32, #tpu.memory_space<vmem>>
    %dma_wait3A_1098 = tpu.memref_squeeze %dma_wait3A_1097 : memref<1x4x4x1024xf32, #tpu.memory_space<vmem>> -> memref<4x4x1024xf32, #tpu.memory_space<vmem>>
    %dma_wait3A_1099 = arith.constant 0 : i32
    %dma_wait3A_1100 = arith.constant 0 : i32
    %dma_wait3A_1101 = tpu.memref_slice %arg4[%add3A_1092, %dma_wait3A_1099, %dma_wait3A_1100] : memref<2048x4x1024xf32, #tpu.memory_space<hbm>> -> memref<4x4x1024xf32, #tpu.memory_space<hbm>>
    %dma_wait3A_1102 = arith.constant 0 : i32
    %dma_wait3A_1103 = arith.constant 0 : i32
    %dma_wait3A_1104 = tpu.memref_slice %arg4[%add3A_1092, %dma_wait3A_1102, %dma_wait3A_1103] : memref<2048x4x1024xf32, #tpu.memory_space<hbm>> -> memref<4x4x1024xf32, #tpu.memory_space<hbm>>
    %dma_wait3A_1105 = arith.constant 0 : i32
    %dma_wait3A_1106 = arith.constant 0 : i32
    %dma_wait3A_1107 = arith.constant 0 : i32
    %dma_wait3A_1108 = tpu.memref_slice %arg7[%dma_wait3A_1093, %dma_wait3A_1105, %dma_wait3A_1106, %dma_wait3A_1107] : memref<2x4x4x1024xf32, #tpu.memory_space<vmem>> -> memref<1x4x4x1024xf32, #tpu.memory_space<vmem>>
    %dma_wait3A_1109 = tpu.memref_squeeze %dma_wait3A_1108 : memref<1x4x4x1024xf32, #tpu.memory_space<vmem>> -> memref<4x4x1024xf32, #tpu.memory_space<vmem>>
    tpu.wait_dma2 semaphore(%arg14 : memref<!tpu.dma_semaphore, #tpu.memory_space<semaphore_mem>>) src(%dma_wait3A_1109 : memref<4x4x1024xf32, #tpu.memory_space<vmem>>) dst(%dma_wait3A_1104 : memref<4x4x1024xf32, #tpu.memory_space<hbm>>)
    %dma_start3A_1110 = arith.constant 1 : i32
    %dma_start3A_1111 = arith.constant 0 : i32
    %dma_start3A_1112 = arith.constant 0 : i32
    %dma_start3A_1113 = arith.constant 0 : i32
    %dma_start3A_1114 = tpu.memref_slice %arg5[%dma_start3A_1110, %dma_start3A_1111, %dma_start3A_1112, %dma_start3A_1113] : memref<3x4x4x1024xf32, #tpu.memory_space<vmem>> -> memref<1x4x4x1024xf32, #tpu.memory_space<vmem>>
    %dma_start3A_1115 = tpu.memref_squeeze %dma_start3A_1114 : memref<1x4x4x1024xf32, #tpu.memory_space<vmem>> -> memref<4x4x1024xf32, #tpu.memory_space<vmem>>
    %dma_start3A_1116 = arith.constant 0 : i32
    %dma_start3A_1117 = arith.constant 0 : i32
    %dma_start3A_1118 = tpu.memref_slice %arg4[%add3A_1060, %dma_start3A_1116, %dma_start3A_1117] : memref<2048x4x1024xf32, #tpu.memory_space<hbm>> -> memref<4x4x1024xf32, #tpu.memory_space<hbm>>
    %dma_start3A_1119 = arith.constant 0 : i32
    %dma_start3A_1120 = arith.constant 0 : i32
    %dma_start3A_1121 = tpu.memref_slice %arg4[%add3A_1060, %dma_start3A_1119, %dma_start3A_1120] : memref<2048x4x1024xf32, #tpu.memory_space<hbm>> -> memref<4x4x1024xf32, #tpu.memory_space<hbm>>
    %dma_start3A_1122 = arith.constant 0 : i32
    %dma_start3A_1123 = arith.constant 0 : i32
    %dma_start3A_1124 = arith.constant 0 : i32
    %dma_start3A_1125 = tpu.memref_slice %arg5[%dma_start3A_1110, %dma_start3A_1122, %dma_start3A_1123, %dma_start3A_1124] : memref<3x4x4x1024xf32, #tpu.memory_space<vmem>> -> memref<1x4x4x1024xf32, #tpu.memory_space<vmem>>
    %dma_start3A_1126 = tpu.memref_squeeze %dma_start3A_1125 : memref<1x4x4x1024xf32, #tpu.memory_space<vmem>> -> memref<4x4x1024xf32, #tpu.memory_space<vmem>>
    tpu.enqueue_dma source(%dma_start3A_1126 : memref<4x4x1024xf32, #tpu.memory_space<vmem>>) target(%dma_start3A_1121 : memref<4x4x1024xf32, #tpu.memory_space<hbm>>) target_semaphore(%arg14 : memref<!tpu.dma_semaphore, #tpu.memory_space<semaphore_mem>>)
    %add3A_1127 = arith.constant 52 : i32
    %add3A_1128 = arith.addi %mul3A_2, %add3A_1127 : i32
    %dma_start3A_1129 = arith.constant 1 : i32
    %dma_start3A_1130 = arith.constant 0 : i32
    %dma_start3A_1131 = arith.constant 0 : i32
    %dma_start3A_1132 = arith.constant 0 : i32
    %dma_start3A_1133 = tpu.memref_slice %arg5[%dma_start3A_1129, %dma_start3A_1130, %dma_start3A_1131, %dma_start3A_1132] : memref<3x4x4x1024xf32, #tpu.memory_space<vmem>> -> memref<1x4x4x1024xf32, #tpu.memory_space<vmem>>
    %dma_start3A_1134 = tpu.memref_squeeze %dma_start3A_1133 : memref<1x4x4x1024xf32, #tpu.memory_space<vmem>> -> memref<4x4x1024xf32, #tpu.memory_space<vmem>>
    %dma_start3A_1135 = arith.constant 0 : i32
    %dma_start3A_1136 = arith.constant 0 : i32
    %dma_start3A_1137 = tpu.memref_slice %arg2[%add3A_1128, %dma_start3A_1135, %dma_start3A_1136] : memref<2048x4x1024xf32, #tpu.memory_space<hbm>> -> memref<4x4x1024xf32, #tpu.memory_space<hbm>>
    %dma_start3A_1138 = arith.constant 0 : i32
    %dma_start3A_1139 = arith.constant 0 : i32
    %dma_start3A_1140 = arith.constant 0 : i32
    %dma_start3A_1141 = tpu.memref_slice %arg5[%dma_start3A_1129, %dma_start3A_1138, %dma_start3A_1139, %dma_start3A_1140] : memref<3x4x4x1024xf32, #tpu.memory_space<vmem>> -> memref<1x4x4x1024xf32, #tpu.memory_space<vmem>>
    %dma_start3A_1142 = tpu.memref_squeeze %dma_start3A_1141 : memref<1x4x4x1024xf32, #tpu.memory_space<vmem>> -> memref<4x4x1024xf32, #tpu.memory_space<vmem>>
    %dma_start3A_1143 = arith.constant 0 : i32
    %dma_start3A_1144 = arith.constant 0 : i32
    %dma_start3A_1145 = tpu.memref_slice %arg2[%add3A_1128, %dma_start3A_1143, %dma_start3A_1144] : memref<2048x4x1024xf32, #tpu.memory_space<hbm>> -> memref<4x4x1024xf32, #tpu.memory_space<hbm>>
    tpu.enqueue_dma source(%dma_start3A_1145 : memref<4x4x1024xf32, #tpu.memory_space<hbm>>) target(%dma_start3A_1142 : memref<4x4x1024xf32, #tpu.memory_space<vmem>>) target_semaphore(%arg9 : memref<!tpu.dma_semaphore, #tpu.memory_space<semaphore_mem>>)
    %dma_start3A_1146 = arith.constant 1 : i32
    %dma_start3A_1147 = arith.constant 0 : i32
    %dma_start3A_1148 = arith.constant 0 : i32
    %dma_start3A_1149 = tpu.memref_slice %arg6[%dma_start3A_1146, %dma_start3A_1147, %dma_start3A_1148] : memref<3x4x1024xf32, #tpu.memory_space<vmem>> -> memref<1x4x1024xf32, #tpu.memory_space<vmem>>
    %dma_start3A_1150 = tpu.memref_squeeze %dma_start3A_1149 : memref<1x4x1024xf32, #tpu.memory_space<vmem>> -> memref<4x1024xf32, #tpu.memory_space<vmem>>
    %dma_start3A_1151 = arith.constant 0 : i32
    %dma_start3A_1152 = tpu.memref_slice %arg3[%add3A_1128, %dma_start3A_1151] : memref<2048x1024xf32, #tpu.memory_space<hbm>> -> memref<4x1024xf32, #tpu.memory_space<hbm>>
    %dma_start3A_1153 = arith.constant 0 : i32
    %dma_start3A_1154 = arith.constant 0 : i32
    %dma_start3A_1155 = tpu.memref_slice %arg6[%dma_start3A_1146, %dma_start3A_1153, %dma_start3A_1154] : memref<3x4x1024xf32, #tpu.memory_space<vmem>> -> memref<1x4x1024xf32, #tpu.memory_space<vmem>>
    %dma_start3A_1156 = tpu.memref_squeeze %dma_start3A_1155 : memref<1x4x1024xf32, #tpu.memory_space<vmem>> -> memref<4x1024xf32, #tpu.memory_space<vmem>>
    %dma_start3A_1157 = arith.constant 0 : i32
    %dma_start3A_1158 = tpu.memref_slice %arg3[%add3A_1128, %dma_start3A_1157] : memref<2048x1024xf32, #tpu.memory_space<hbm>> -> memref<4x1024xf32, #tpu.memory_space<hbm>>
    tpu.enqueue_dma source(%dma_start3A_1158 : memref<4x1024xf32, #tpu.memory_space<hbm>>) target(%dma_start3A_1156 : memref<4x1024xf32, #tpu.memory_space<vmem>>) target_semaphore(%arg12 : memref<!tpu.dma_semaphore, #tpu.memory_space<semaphore_mem>>)
    %add3A_1159 = arith.constant 44 : i32
    %add3A_1160 = arith.addi %mul3A_2, %add3A_1159 : i32
    %dma_wait3A_1161 = arith.constant 2 : i32
    %dma_wait3A_1162 = arith.constant 0 : i32
    %dma_wait3A_1163 = arith.constant 0 : i32
    %dma_wait3A_1164 = arith.constant 0 : i32
    %dma_wait3A_1165 = tpu.memref_slice %arg5[%dma_wait3A_1161, %dma_wait3A_1162, %dma_wait3A_1163, %dma_wait3A_1164] : memref<3x4x4x1024xf32, #tpu.memory_space<vmem>> -> memref<1x4x4x1024xf32, #tpu.memory_space<vmem>>
    %dma_wait3A_1166 = tpu.memref_squeeze %dma_wait3A_1165 : memref<1x4x4x1024xf32, #tpu.memory_space<vmem>> -> memref<4x4x1024xf32, #tpu.memory_space<vmem>>
    %dma_wait3A_1167 = arith.constant 0 : i32
    %dma_wait3A_1168 = arith.constant 0 : i32
    %dma_wait3A_1169 = tpu.memref_slice %arg2[%add3A_1160, %dma_wait3A_1167, %dma_wait3A_1168] : memref<2048x4x1024xf32, #tpu.memory_space<hbm>> -> memref<4x4x1024xf32, #tpu.memory_space<hbm>>
    %dma_wait3A_1170 = arith.constant 0 : i32
    %dma_wait3A_1171 = arith.constant 0 : i32
    %dma_wait3A_1172 = arith.constant 0 : i32
    %dma_wait3A_1173 = tpu.memref_slice %arg5[%dma_wait3A_1161, %dma_wait3A_1170, %dma_wait3A_1171, %dma_wait3A_1172] : memref<3x4x4x1024xf32, #tpu.memory_space<vmem>> -> memref<1x4x4x1024xf32, #tpu.memory_space<vmem>>
    %dma_wait3A_1174 = tpu.memref_squeeze %dma_wait3A_1173 : memref<1x4x4x1024xf32, #tpu.memory_space<vmem>> -> memref<4x4x1024xf32, #tpu.memory_space<vmem>>
    %dma_wait3A_1175 = arith.constant 0 : i32
    %dma_wait3A_1176 = arith.constant 0 : i32
    %dma_wait3A_1177 = tpu.memref_slice %arg2[%add3A_1160, %dma_wait3A_1175, %dma_wait3A_1176] : memref<2048x4x1024xf32, #tpu.memory_space<hbm>> -> memref<4x4x1024xf32, #tpu.memory_space<hbm>>
    tpu.wait_dma2 semaphore(%arg10 : memref<!tpu.dma_semaphore, #tpu.memory_space<semaphore_mem>>) src(%dma_wait3A_1177 : memref<4x4x1024xf32, #tpu.memory_space<hbm>>) dst(%dma_wait3A_1174 : memref<4x4x1024xf32, #tpu.memory_space<vmem>>)
    %dma_wait3A_1178 = arith.constant 2 : i32
    %dma_wait3A_1179 = arith.constant 0 : i32
    %dma_wait3A_1180 = arith.constant 0 : i32
    %dma_wait3A_1181 = tpu.memref_slice %arg6[%dma_wait3A_1178, %dma_wait3A_1179, %dma_wait3A_1180] : memref<3x4x1024xf32, #tpu.memory_space<vmem>> -> memref<1x4x1024xf32, #tpu.memory_space<vmem>>
    %dma_wait3A_1182 = tpu.memref_squeeze %dma_wait3A_1181 : memref<1x4x1024xf32, #tpu.memory_space<vmem>> -> memref<4x1024xf32, #tpu.memory_space<vmem>>
    %dma_wait3A_1183 = arith.constant 0 : i32
    %dma_wait3A_1184 = tpu.memref_slice %arg3[%add3A_1160, %dma_wait3A_1183] : memref<2048x1024xf32, #tpu.memory_space<hbm>> -> memref<4x1024xf32, #tpu.memory_space<hbm>>
    %dma_wait3A_1185 = arith.constant 0 : i32
    %dma_wait3A_1186 = arith.constant 0 : i32
    %dma_wait3A_1187 = tpu.memref_slice %arg6[%dma_wait3A_1178, %dma_wait3A_1185, %dma_wait3A_1186] : memref<3x4x1024xf32, #tpu.memory_space<vmem>> -> memref<1x4x1024xf32, #tpu.memory_space<vmem>>
    %dma_wait3A_1188 = tpu.memref_squeeze %dma_wait3A_1187 : memref<1x4x1024xf32, #tpu.memory_space<vmem>> -> memref<4x1024xf32, #tpu.memory_space<vmem>>
    %dma_wait3A_1189 = arith.constant 0 : i32
    %dma_wait3A_1190 = tpu.memref_slice %arg3[%add3A_1160, %dma_wait3A_1189] : memref<2048x1024xf32, #tpu.memory_space<hbm>> -> memref<4x1024xf32, #tpu.memory_space<hbm>>
    tpu.wait_dma2 semaphore(%arg13 : memref<!tpu.dma_semaphore, #tpu.memory_space<semaphore_mem>>) src(%dma_wait3A_1190 : memref<4x1024xf32, #tpu.memory_space<hbm>>) dst(%dma_wait3A_1188 : memref<4x1024xf32, #tpu.memory_space<vmem>>)
    %add3A_1191 = arith.constant 36 : i32
    %add3A_1192 = arith.addi %mul3A_2, %add3A_1191 : i32
    %dma_wait3A_1193 = arith.constant 1 : i32
    %dma_wait3A_1194 = arith.constant 0 : i32
    %dma_wait3A_1195 = arith.constant 0 : i32
    %dma_wait3A_1196 = arith.constant 0 : i32
    %dma_wait3A_1197 = tpu.memref_slice %arg7[%dma_wait3A_1193, %dma_wait3A_1194, %dma_wait3A_1195, %dma_wait3A_1196] : memref<2x4x4x1024xf32, #tpu.memory_space<vmem>> -> memref<1x4x4x1024xf32, #tpu.memory_space<vmem>>
    %dma_wait3A_1198 = tpu.memref_squeeze %dma_wait3A_1197 : memref<1x4x4x1024xf32, #tpu.memory_space<vmem>> -> memref<4x4x1024xf32, #tpu.memory_space<vmem>>
    %dma_wait3A_1199 = arith.constant 0 : i32
    %dma_wait3A_1200 = arith.constant 0 : i32
    %dma_wait3A_1201 = tpu.memref_slice %arg4[%add3A_1192, %dma_wait3A_1199, %dma_wait3A_1200] : memref<2048x4x1024xf32, #tpu.memory_space<hbm>> -> memref<4x4x1024xf32, #tpu.memory_space<hbm>>
    %dma_wait3A_1202 = arith.constant 0 : i32
    %dma_wait3A_1203 = arith.constant 0 : i32
    %dma_wait3A_1204 = tpu.memref_slice %arg4[%add3A_1192, %dma_wait3A_1202, %dma_wait3A_1203] : memref<2048x4x1024xf32, #tpu.memory_space<hbm>> -> memref<4x4x1024xf32, #tpu.memory_space<hbm>>
    %dma_wait3A_1205 = arith.constant 0 : i32
    %dma_wait3A_1206 = arith.constant 0 : i32
    %dma_wait3A_1207 = arith.constant 0 : i32
    %dma_wait3A_1208 = tpu.memref_slice %arg7[%dma_wait3A_1193, %dma_wait3A_1205, %dma_wait3A_1206, %dma_wait3A_1207] : memref<2x4x4x1024xf32, #tpu.memory_space<vmem>> -> memref<1x4x4x1024xf32, #tpu.memory_space<vmem>>
    %dma_wait3A_1209 = tpu.memref_squeeze %dma_wait3A_1208 : memref<1x4x4x1024xf32, #tpu.memory_space<vmem>> -> memref<4x4x1024xf32, #tpu.memory_space<vmem>>
    tpu.wait_dma2 semaphore(%arg15 : memref<!tpu.dma_semaphore, #tpu.memory_space<semaphore_mem>>) src(%dma_wait3A_1209 : memref<4x4x1024xf32, #tpu.memory_space<vmem>>) dst(%dma_wait3A_1204 : memref<4x4x1024xf32, #tpu.memory_space<hbm>>)
    %dma_start3A_1210 = arith.constant 2 : i32
    %dma_start3A_1211 = arith.constant 0 : i32
    %dma_start3A_1212 = arith.constant 0 : i32
    %dma_start3A_1213 = arith.constant 0 : i32
    %dma_start3A_1214 = tpu.memref_slice %arg5[%dma_start3A_1210, %dma_start3A_1211, %dma_start3A_1212, %dma_start3A_1213] : memref<3x4x4x1024xf32, #tpu.memory_space<vmem>> -> memref<1x4x4x1024xf32, #tpu.memory_space<vmem>>
    %dma_start3A_1215 = tpu.memref_squeeze %dma_start3A_1214 : memref<1x4x4x1024xf32, #tpu.memory_space<vmem>> -> memref<4x4x1024xf32, #tpu.memory_space<vmem>>
    %dma_start3A_1216 = arith.constant 0 : i32
    %dma_start3A_1217 = arith.constant 0 : i32
    %dma_start3A_1218 = tpu.memref_slice %arg4[%add3A_1160, %dma_start3A_1216, %dma_start3A_1217] : memref<2048x4x1024xf32, #tpu.memory_space<hbm>> -> memref<4x4x1024xf32, #tpu.memory_space<hbm>>
    %dma_start3A_1219 = arith.constant 0 : i32
    %dma_start3A_1220 = arith.constant 0 : i32
    %dma_start3A_1221 = tpu.memref_slice %arg4[%add3A_1160, %dma_start3A_1219, %dma_start3A_1220] : memref<2048x4x1024xf32, #tpu.memory_space<hbm>> -> memref<4x4x1024xf32, #tpu.memory_space<hbm>>
    %dma_start3A_1222 = arith.constant 0 : i32
    %dma_start3A_1223 = arith.constant 0 : i32
    %dma_start3A_1224 = arith.constant 0 : i32
    %dma_start3A_1225 = tpu.memref_slice %arg5[%dma_start3A_1210, %dma_start3A_1222, %dma_start3A_1223, %dma_start3A_1224] : memref<3x4x4x1024xf32, #tpu.memory_space<vmem>> -> memref<1x4x4x1024xf32, #tpu.memory_space<vmem>>
    %dma_start3A_1226 = tpu.memref_squeeze %dma_start3A_1225 : memref<1x4x4x1024xf32, #tpu.memory_space<vmem>> -> memref<4x4x1024xf32, #tpu.memory_space<vmem>>
    tpu.enqueue_dma source(%dma_start3A_1226 : memref<4x4x1024xf32, #tpu.memory_space<vmem>>) target(%dma_start3A_1221 : memref<4x4x1024xf32, #tpu.memory_space<hbm>>) target_semaphore(%arg15 : memref<!tpu.dma_semaphore, #tpu.memory_space<semaphore_mem>>)
    %add3A_1227 = arith.constant 56 : i32
    %add3A_1228 = arith.addi %mul3A_2, %add3A_1227 : i32
    %dma_start3A_1229 = arith.constant 2 : i32
    %dma_start3A_1230 = arith.constant 0 : i32
    %dma_start3A_1231 = arith.constant 0 : i32
    %dma_start3A_1232 = arith.constant 0 : i32
    %dma_start3A_1233 = tpu.memref_slice %arg5[%dma_start3A_1229, %dma_start3A_1230, %dma_start3A_1231, %dma_start3A_1232] : memref<3x4x4x1024xf32, #tpu.memory_space<vmem>> -> memref<1x4x4x1024xf32, #tpu.memory_space<vmem>>
    %dma_start3A_1234 = tpu.memref_squeeze %dma_start3A_1233 : memref<1x4x4x1024xf32, #tpu.memory_space<vmem>> -> memref<4x4x1024xf32, #tpu.memory_space<vmem>>
    %dma_start3A_1235 = arith.constant 0 : i32
    %dma_start3A_1236 = arith.constant 0 : i32
    %dma_start3A_1237 = tpu.memref_slice %arg2[%add3A_1228, %dma_start3A_1235, %dma_start3A_1236] : memref<2048x4x1024xf32, #tpu.memory_space<hbm>> -> memref<4x4x1024xf32, #tpu.memory_space<hbm>>
    %dma_start3A_1238 = arith.constant 0 : i32
    %dma_start3A_1239 = arith.constant 0 : i32
    %dma_start3A_1240 = arith.constant 0 : i32
    %dma_start3A_1241 = tpu.memref_slice %arg5[%dma_start3A_1229, %dma_start3A_1238, %dma_start3A_1239, %dma_start3A_1240] : memref<3x4x4x1024xf32, #tpu.memory_space<vmem>> -> memref<1x4x4x1024xf32, #tpu.memory_space<vmem>>
    %dma_start3A_1242 = tpu.memref_squeeze %dma_start3A_1241 : memref<1x4x4x1024xf32, #tpu.memory_space<vmem>> -> memref<4x4x1024xf32, #tpu.memory_space<vmem>>
    %dma_start3A_1243 = arith.constant 0 : i32
    %dma_start3A_1244 = arith.constant 0 : i32
    %dma_start3A_1245 = tpu.memref_slice %arg2[%add3A_1228, %dma_start3A_1243, %dma_start3A_1244] : memref<2048x4x1024xf32, #tpu.memory_space<hbm>> -> memref<4x4x1024xf32, #tpu.memory_space<hbm>>
    tpu.enqueue_dma source(%dma_start3A_1245 : memref<4x4x1024xf32, #tpu.memory_space<hbm>>) target(%dma_start3A_1242 : memref<4x4x1024xf32, #tpu.memory_space<vmem>>) target_semaphore(%arg10 : memref<!tpu.dma_semaphore, #tpu.memory_space<semaphore_mem>>)
    %dma_start3A_1246 = arith.constant 2 : i32
    %dma_start3A_1247 = arith.constant 0 : i32
    %dma_start3A_1248 = arith.constant 0 : i32
    %dma_start3A_1249 = tpu.memref_slice %arg6[%dma_start3A_1246, %dma_start3A_1247, %dma_start3A_1248] : memref<3x4x1024xf32, #tpu.memory_space<vmem>> -> memref<1x4x1024xf32, #tpu.memory_space<vmem>>
    %dma_start3A_1250 = tpu.memref_squeeze %dma_start3A_1249 : memref<1x4x1024xf32, #tpu.memory_space<vmem>> -> memref<4x1024xf32, #tpu.memory_space<vmem>>
    %dma_start3A_1251 = arith.constant 0 : i32
    %dma_start3A_1252 = tpu.memref_slice %arg3[%add3A_1228, %dma_start3A_1251] : memref<2048x1024xf32, #tpu.memory_space<hbm>> -> memref<4x1024xf32, #tpu.memory_space<hbm>>
    %dma_start3A_1253 = arith.constant 0 : i32
    %dma_start3A_1254 = arith.constant 0 : i32
    %dma_start3A_1255 = tpu.memref_slice %arg6[%dma_start3A_1246, %dma_start3A_1253, %dma_start3A_1254] : memref<3x4x1024xf32, #tpu.memory_space<vmem>> -> memref<1x4x1024xf32, #tpu.memory_space<vmem>>
    %dma_start3A_1256 = tpu.memref_squeeze %dma_start3A_1255 : memref<1x4x1024xf32, #tpu.memory_space<vmem>> -> memref<4x1024xf32, #tpu.memory_space<vmem>>
    %dma_start3A_1257 = arith.constant 0 : i32
    %dma_start3A_1258 = tpu.memref_slice %arg3[%add3A_1228, %dma_start3A_1257] : memref<2048x1024xf32, #tpu.memory_space<hbm>> -> memref<4x1024xf32, #tpu.memory_space<hbm>>
    tpu.enqueue_dma source(%dma_start3A_1258 : memref<4x1024xf32, #tpu.memory_space<hbm>>) target(%dma_start3A_1256 : memref<4x1024xf32, #tpu.memory_space<vmem>>) target_semaphore(%arg13 : memref<!tpu.dma_semaphore, #tpu.memory_space<semaphore_mem>>)
    %add3A_1259 = arith.constant 48 : i32
    %add3A_1260 = arith.addi %mul3A_2, %add3A_1259 : i32
    %dma_wait3A_1261 = arith.constant 0 : i32
    %dma_wait3A_1262 = arith.constant 0 : i32
    %dma_wait3A_1263 = arith.constant 0 : i32
    %dma_wait3A_1264 = arith.constant 0 : i32
    %dma_wait3A_1265 = tpu.memref_slice %arg5[%dma_wait3A_1261, %dma_wait3A_1262, %dma_wait3A_1263, %dma_wait3A_1264] : memref<3x4x4x1024xf32, #tpu.memory_space<vmem>> -> memref<1x4x4x1024xf32, #tpu.memory_space<vmem>>
    %dma_wait3A_1266 = tpu.memref_squeeze %dma_wait3A_1265 : memref<1x4x4x1024xf32, #tpu.memory_space<vmem>> -> memref<4x4x1024xf32, #tpu.memory_space<vmem>>
    %dma_wait3A_1267 = arith.constant 0 : i32
    %dma_wait3A_1268 = arith.constant 0 : i32
    %dma_wait3A_1269 = tpu.memref_slice %arg2[%add3A_1260, %dma_wait3A_1267, %dma_wait3A_1268] : memref<2048x4x1024xf32, #tpu.memory_space<hbm>> -> memref<4x4x1024xf32, #tpu.memory_space<hbm>>
    %dma_wait3A_1270 = arith.constant 0 : i32
    %dma_wait3A_1271 = arith.constant 0 : i32
    %dma_wait3A_1272 = arith.constant 0 : i32
    %dma_wait3A_1273 = tpu.memref_slice %arg5[%dma_wait3A_1261, %dma_wait3A_1270, %dma_wait3A_1271, %dma_wait3A_1272] : memref<3x4x4x1024xf32, #tpu.memory_space<vmem>> -> memref<1x4x4x1024xf32, #tpu.memory_space<vmem>>
    %dma_wait3A_1274 = tpu.memref_squeeze %dma_wait3A_1273 : memref<1x4x4x1024xf32, #tpu.memory_space<vmem>> -> memref<4x4x1024xf32, #tpu.memory_space<vmem>>
    %dma_wait3A_1275 = arith.constant 0 : i32
    %dma_wait3A_1276 = arith.constant 0 : i32
    %dma_wait3A_1277 = tpu.memref_slice %arg2[%add3A_1260, %dma_wait3A_1275, %dma_wait3A_1276] : memref<2048x4x1024xf32, #tpu.memory_space<hbm>> -> memref<4x4x1024xf32, #tpu.memory_space<hbm>>
    tpu.wait_dma2 semaphore(%arg8 : memref<!tpu.dma_semaphore, #tpu.memory_space<semaphore_mem>>) src(%dma_wait3A_1277 : memref<4x4x1024xf32, #tpu.memory_space<hbm>>) dst(%dma_wait3A_1274 : memref<4x4x1024xf32, #tpu.memory_space<vmem>>)
    %dma_wait3A_1278 = arith.constant 0 : i32
    %dma_wait3A_1279 = arith.constant 0 : i32
    %dma_wait3A_1280 = arith.constant 0 : i32
    %dma_wait3A_1281 = tpu.memref_slice %arg6[%dma_wait3A_1278, %dma_wait3A_1279, %dma_wait3A_1280] : memref<3x4x1024xf32, #tpu.memory_space<vmem>> -> memref<1x4x1024xf32, #tpu.memory_space<vmem>>
    %dma_wait3A_1282 = tpu.memref_squeeze %dma_wait3A_1281 : memref<1x4x1024xf32, #tpu.memory_space<vmem>> -> memref<4x1024xf32, #tpu.memory_space<vmem>>
    %dma_wait3A_1283 = arith.constant 0 : i32
    %dma_wait3A_1284 = tpu.memref_slice %arg3[%add3A_1260, %dma_wait3A_1283] : memref<2048x1024xf32, #tpu.memory_space<hbm>> -> memref<4x1024xf32, #tpu.memory_space<hbm>>
    %dma_wait3A_1285 = arith.constant 0 : i32
    %dma_wait3A_1286 = arith.constant 0 : i32
    %dma_wait3A_1287 = tpu.memref_slice %arg6[%dma_wait3A_1278, %dma_wait3A_1285, %dma_wait3A_1286] : memref<3x4x1024xf32, #tpu.memory_space<vmem>> -> memref<1x4x1024xf32, #tpu.memory_space<vmem>>
    %dma_wait3A_1288 = tpu.memref_squeeze %dma_wait3A_1287 : memref<1x4x1024xf32, #tpu.memory_space<vmem>> -> memref<4x1024xf32, #tpu.memory_space<vmem>>
    %dma_wait3A_1289 = arith.constant 0 : i32
    %dma_wait3A_1290 = tpu.memref_slice %arg3[%add3A_1260, %dma_wait3A_1289] : memref<2048x1024xf32, #tpu.memory_space<hbm>> -> memref<4x1024xf32, #tpu.memory_space<hbm>>
    tpu.wait_dma2 semaphore(%arg11 : memref<!tpu.dma_semaphore, #tpu.memory_space<semaphore_mem>>) src(%dma_wait3A_1290 : memref<4x1024xf32, #tpu.memory_space<hbm>>) dst(%dma_wait3A_1288 : memref<4x1024xf32, #tpu.memory_space<vmem>>)
    %add3A_1291 = arith.constant 40 : i32
    %add3A_1292 = arith.addi %mul3A_2, %add3A_1291 : i32
    %dma_wait3A_1293 = arith.constant 0 : i32
    %dma_wait3A_1294 = arith.constant 0 : i32
    %dma_wait3A_1295 = arith.constant 0 : i32
    %dma_wait3A_1296 = arith.constant 0 : i32
    %dma_wait3A_1297 = tpu.memref_slice %arg7[%dma_wait3A_1293, %dma_wait3A_1294, %dma_wait3A_1295, %dma_wait3A_1296] : memref<2x4x4x1024xf32, #tpu.memory_space<vmem>> -> memref<1x4x4x1024xf32, #tpu.memory_space<vmem>>
    %dma_wait3A_1298 = tpu.memref_squeeze %dma_wait3A_1297 : memref<1x4x4x1024xf32, #tpu.memory_space<vmem>> -> memref<4x4x1024xf32, #tpu.memory_space<vmem>>
    %dma_wait3A_1299 = arith.constant 0 : i32
    %dma_wait3A_1300 = arith.constant 0 : i32
    %dma_wait3A_1301 = tpu.memref_slice %arg4[%add3A_1292, %dma_wait3A_1299, %dma_wait3A_1300] : memref<2048x4x1024xf32, #tpu.memory_space<hbm>> -> memref<4x4x1024xf32, #tpu.memory_space<hbm>>
    %dma_wait3A_1302 = arith.constant 0 : i32
    %dma_wait3A_1303 = arith.constant 0 : i32
    %dma_wait3A_1304 = tpu.memref_slice %arg4[%add3A_1292, %dma_wait3A_1302, %dma_wait3A_1303] : memref<2048x4x1024xf32, #tpu.memory_space<hbm>> -> memref<4x4x1024xf32, #tpu.memory_space<hbm>>
    %dma_wait3A_1305 = arith.constant 0 : i32
    %dma_wait3A_1306 = arith.constant 0 : i32
    %dma_wait3A_1307 = arith.constant 0 : i32
    %dma_wait3A_1308 = tpu.memref_slice %arg7[%dma_wait3A_1293, %dma_wait3A_1305, %dma_wait3A_1306, %dma_wait3A_1307] : memref<2x4x4x1024xf32, #tpu.memory_space<vmem>> -> memref<1x4x4x1024xf32, #tpu.memory_space<vmem>>
    %dma_wait3A_1309 = tpu.memref_squeeze %dma_wait3A_1308 : memref<1x4x4x1024xf32, #tpu.memory_space<vmem>> -> memref<4x4x1024xf32, #tpu.memory_space<vmem>>
    tpu.wait_dma2 semaphore(%arg14 : memref<!tpu.dma_semaphore, #tpu.memory_space<semaphore_mem>>) src(%dma_wait3A_1309 : memref<4x4x1024xf32, #tpu.memory_space<vmem>>) dst(%dma_wait3A_1304 : memref<4x4x1024xf32, #tpu.memory_space<hbm>>)
    %dma_start3A_1310 = arith.constant 0 : i32
    %dma_start3A_1311 = arith.constant 0 : i32
    %dma_start3A_1312 = arith.constant 0 : i32
    %dma_start3A_1313 = arith.constant 0 : i32
    %dma_start3A_1314 = tpu.memref_slice %arg5[%dma_start3A_1310, %dma_start3A_1311, %dma_start3A_1312, %dma_start3A_1313] : memref<3x4x4x1024xf32, #tpu.memory_space<vmem>> -> memref<1x4x4x1024xf32, #tpu.memory_space<vmem>>
    %dma_start3A_1315 = tpu.memref_squeeze %dma_start3A_1314 : memref<1x4x4x1024xf32, #tpu.memory_space<vmem>> -> memref<4x4x1024xf32, #tpu.memory_space<vmem>>
    %dma_start3A_1316 = arith.constant 0 : i32
    %dma_start3A_1317 = arith.constant 0 : i32
    %dma_start3A_1318 = tpu.memref_slice %arg4[%add3A_1260, %dma_start3A_1316, %dma_start3A_1317] : memref<2048x4x1024xf32, #tpu.memory_space<hbm>> -> memref<4x4x1024xf32, #tpu.memory_space<hbm>>
    %dma_start3A_1319 = arith.constant 0 : i32
    %dma_start3A_1320 = arith.constant 0 : i32
    %dma_start3A_1321 = tpu.memref_slice %arg4[%add3A_1260, %dma_start3A_1319, %dma_start3A_1320] : memref<2048x4x1024xf32, #tpu.memory_space<hbm>> -> memref<4x4x1024xf32, #tpu.memory_space<hbm>>
    %dma_start3A_1322 = arith.constant 0 : i32
    %dma_start3A_1323 = arith.constant 0 : i32
    %dma_start3A_1324 = arith.constant 0 : i32
    %dma_start3A_1325 = tpu.memref_slice %arg5[%dma_start3A_1310, %dma_start3A_1322, %dma_start3A_1323, %dma_start3A_1324] : memref<3x4x4x1024xf32, #tpu.memory_space<vmem>> -> memref<1x4x4x1024xf32, #tpu.memory_space<vmem>>
    %dma_start3A_1326 = tpu.memref_squeeze %dma_start3A_1325 : memref<1x4x4x1024xf32, #tpu.memory_space<vmem>> -> memref<4x4x1024xf32, #tpu.memory_space<vmem>>
    tpu.enqueue_dma source(%dma_start3A_1326 : memref<4x4x1024xf32, #tpu.memory_space<vmem>>) target(%dma_start3A_1321 : memref<4x4x1024xf32, #tpu.memory_space<hbm>>) target_semaphore(%arg14 : memref<!tpu.dma_semaphore, #tpu.memory_space<semaphore_mem>>)
    %add3A_1327 = arith.constant 60 : i32
    %add3A_1328 = arith.addi %mul3A_2, %add3A_1327 : i32
    %dma_start3A_1329 = arith.constant 0 : i32
    %dma_start3A_1330 = arith.constant 0 : i32
    %dma_start3A_1331 = arith.constant 0 : i32
    %dma_start3A_1332 = arith.constant 0 : i32
    %dma_start3A_1333 = tpu.memref_slice %arg5[%dma_start3A_1329, %dma_start3A_1330, %dma_start3A_1331, %dma_start3A_1332] : memref<3x4x4x1024xf32, #tpu.memory_space<vmem>> -> memref<1x4x4x1024xf32, #tpu.memory_space<vmem>>
    %dma_start3A_1334 = tpu.memref_squeeze %dma_start3A_1333 : memref<1x4x4x1024xf32, #tpu.memory_space<vmem>> -> memref<4x4x1024xf32, #tpu.memory_space<vmem>>
    %dma_start3A_1335 = arith.constant 0 : i32
    %dma_start3A_1336 = arith.constant 0 : i32
    %dma_start3A_1337 = tpu.memref_slice %arg2[%add3A_1328, %dma_start3A_1335, %dma_start3A_1336] : memref<2048x4x1024xf32, #tpu.memory_space<hbm>> -> memref<4x4x1024xf32, #tpu.memory_space<hbm>>
    %dma_start3A_1338 = arith.constant 0 : i32
    %dma_start3A_1339 = arith.constant 0 : i32
    %dma_start3A_1340 = arith.constant 0 : i32
    %dma_start3A_1341 = tpu.memref_slice %arg5[%dma_start3A_1329, %dma_start3A_1338, %dma_start3A_1339, %dma_start3A_1340] : memref<3x4x4x1024xf32, #tpu.memory_space<vmem>> -> memref<1x4x4x1024xf32, #tpu.memory_space<vmem>>
    %dma_start3A_1342 = tpu.memref_squeeze %dma_start3A_1341 : memref<1x4x4x1024xf32, #tpu.memory_space<vmem>> -> memref<4x4x1024xf32, #tpu.memory_space<vmem>>
    %dma_start3A_1343 = arith.constant 0 : i32
    %dma_start3A_1344 = arith.constant 0 : i32
    %dma_start3A_1345 = tpu.memref_slice %arg2[%add3A_1328, %dma_start3A_1343, %dma_start3A_1344] : memref<2048x4x1024xf32, #tpu.memory_space<hbm>> -> memref<4x4x1024xf32, #tpu.memory_space<hbm>>
    tpu.enqueue_dma source(%dma_start3A_1345 : memref<4x4x1024xf32, #tpu.memory_space<hbm>>) target(%dma_start3A_1342 : memref<4x4x1024xf32, #tpu.memory_space<vmem>>) target_semaphore(%arg8 : memref<!tpu.dma_semaphore, #tpu.memory_space<semaphore_mem>>)
    %dma_start3A_1346 = arith.constant 0 : i32
    %dma_start3A_1347 = arith.constant 0 : i32
    %dma_start3A_1348 = arith.constant 0 : i32
    %dma_start3A_1349 = tpu.memref_slice %arg6[%dma_start3A_1346, %dma_start3A_1347, %dma_start3A_1348] : memref<3x4x1024xf32, #tpu.memory_space<vmem>> -> memref<1x4x1024xf32, #tpu.memory_space<vmem>>
    %dma_start3A_1350 = tpu.memref_squeeze %dma_start3A_1349 : memref<1x4x1024xf32, #tpu.memory_space<vmem>> -> memref<4x1024xf32, #tpu.memory_space<vmem>>
    %dma_start3A_1351 = arith.constant 0 : i32
    %dma_start3A_1352 = tpu.memref_slice %arg3[%add3A_1328, %dma_start3A_1351] : memref<2048x1024xf32, #tpu.memory_space<hbm>> -> memref<4x1024xf32, #tpu.memory_space<hbm>>
    %dma_start3A_1353 = arith.constant 0 : i32
    %dma_start3A_1354 = arith.constant 0 : i32
    %dma_start3A_1355 = tpu.memref_slice %arg6[%dma_start3A_1346, %dma_start3A_1353, %dma_start3A_1354] : memref<3x4x1024xf32, #tpu.memory_space<vmem>> -> memref<1x4x1024xf32, #tpu.memory_space<vmem>>
    %dma_start3A_1356 = tpu.memref_squeeze %dma_start3A_1355 : memref<1x4x1024xf32, #tpu.memory_space<vmem>> -> memref<4x1024xf32, #tpu.memory_space<vmem>>
    %dma_start3A_1357 = arith.constant 0 : i32
    %dma_start3A_1358 = tpu.memref_slice %arg3[%add3A_1328, %dma_start3A_1357] : memref<2048x1024xf32, #tpu.memory_space<hbm>> -> memref<4x1024xf32, #tpu.memory_space<hbm>>
    tpu.enqueue_dma source(%dma_start3A_1358 : memref<4x1024xf32, #tpu.memory_space<hbm>>) target(%dma_start3A_1356 : memref<4x1024xf32, #tpu.memory_space<vmem>>) target_semaphore(%arg11 : memref<!tpu.dma_semaphore, #tpu.memory_space<semaphore_mem>>)
    %add3A_1359 = arith.constant 52 : i32
    %add3A_1360 = arith.addi %mul3A_2, %add3A_1359 : i32
    %dma_wait3A_1361 = arith.constant 1 : i32
    %dma_wait3A_1362 = arith.constant 0 : i32
    %dma_wait3A_1363 = arith.constant 0 : i32
    %dma_wait3A_1364 = arith.constant 0 : i32
    %dma_wait3A_1365 = tpu.memref_slice %arg5[%dma_wait3A_1361, %dma_wait3A_1362, %dma_wait3A_1363, %dma_wait3A_1364] : memref<3x4x4x1024xf32, #tpu.memory_space<vmem>> -> memref<1x4x4x1024xf32, #tpu.memory_space<vmem>>
    %dma_wait3A_1366 = tpu.memref_squeeze %dma_wait3A_1365 : memref<1x4x4x1024xf32, #tpu.memory_space<vmem>> -> memref<4x4x1024xf32, #tpu.memory_space<vmem>>
    %dma_wait3A_1367 = arith.constant 0 : i32
    %dma_wait3A_1368 = arith.constant 0 : i32
    %dma_wait3A_1369 = tpu.memref_slice %arg2[%add3A_1360, %dma_wait3A_1367, %dma_wait3A_1368] : memref<2048x4x1024xf32, #tpu.memory_space<hbm>> -> memref<4x4x1024xf32, #tpu.memory_space<hbm>>
    %dma_wait3A_1370 = arith.constant 0 : i32
    %dma_wait3A_1371 = arith.constant 0 : i32
    %dma_wait3A_1372 = arith.constant 0 : i32
    %dma_wait3A_1373 = tpu.memref_slice %arg5[%dma_wait3A_1361, %dma_wait3A_1370, %dma_wait3A_1371, %dma_wait3A_1372] : memref<3x4x4x1024xf32, #tpu.memory_space<vmem>> -> memref<1x4x4x1024xf32, #tpu.memory_space<vmem>>
    %dma_wait3A_1374 = tpu.memref_squeeze %dma_wait3A_1373 : memref<1x4x4x1024xf32, #tpu.memory_space<vmem>> -> memref<4x4x1024xf32, #tpu.memory_space<vmem>>
    %dma_wait3A_1375 = arith.constant 0 : i32
    %dma_wait3A_1376 = arith.constant 0 : i32
    %dma_wait3A_1377 = tpu.memref_slice %arg2[%add3A_1360, %dma_wait3A_1375, %dma_wait3A_1376] : memref<2048x4x1024xf32, #tpu.memory_space<hbm>> -> memref<4x4x1024xf32, #tpu.memory_space<hbm>>
    tpu.wait_dma2 semaphore(%arg9 : memref<!tpu.dma_semaphore, #tpu.memory_space<semaphore_mem>>) src(%dma_wait3A_1377 : memref<4x4x1024xf32, #tpu.memory_space<hbm>>) dst(%dma_wait3A_1374 : memref<4x4x1024xf32, #tpu.memory_space<vmem>>)
    %dma_wait3A_1378 = arith.constant 1 : i32
    %dma_wait3A_1379 = arith.constant 0 : i32
    %dma_wait3A_1380 = arith.constant 0 : i32
    %dma_wait3A_1381 = tpu.memref_slice %arg6[%dma_wait3A_1378, %dma_wait3A_1379, %dma_wait3A_1380] : memref<3x4x1024xf32, #tpu.memory_space<vmem>> -> memref<1x4x1024xf32, #tpu.memory_space<vmem>>
    %dma_wait3A_1382 = tpu.memref_squeeze %dma_wait3A_1381 : memref<1x4x1024xf32, #tpu.memory_space<vmem>> -> memref<4x1024xf32, #tpu.memory_space<vmem>>
    %dma_wait3A_1383 = arith.constant 0 : i32
    %dma_wait3A_1384 = tpu.memref_slice %arg3[%add3A_1360, %dma_wait3A_1383] : memref<2048x1024xf32, #tpu.memory_space<hbm>> -> memref<4x1024xf32, #tpu.memory_space<hbm>>
    %dma_wait3A_1385 = arith.constant 0 : i32
    %dma_wait3A_1386 = arith.constant 0 : i32
    %dma_wait3A_1387 = tpu.memref_slice %arg6[%dma_wait3A_1378, %dma_wait3A_1385, %dma_wait3A_1386] : memref<3x4x1024xf32, #tpu.memory_space<vmem>> -> memref<1x4x1024xf32, #tpu.memory_space<vmem>>
    %dma_wait3A_1388 = tpu.memref_squeeze %dma_wait3A_1387 : memref<1x4x1024xf32, #tpu.memory_space<vmem>> -> memref<4x1024xf32, #tpu.memory_space<vmem>>
    %dma_wait3A_1389 = arith.constant 0 : i32
    %dma_wait3A_1390 = tpu.memref_slice %arg3[%add3A_1360, %dma_wait3A_1389] : memref<2048x1024xf32, #tpu.memory_space<hbm>> -> memref<4x1024xf32, #tpu.memory_space<hbm>>
    tpu.wait_dma2 semaphore(%arg12 : memref<!tpu.dma_semaphore, #tpu.memory_space<semaphore_mem>>) src(%dma_wait3A_1390 : memref<4x1024xf32, #tpu.memory_space<hbm>>) dst(%dma_wait3A_1388 : memref<4x1024xf32, #tpu.memory_space<vmem>>)
    %add3A_1391 = arith.constant 44 : i32
    %add3A_1392 = arith.addi %mul3A_2, %add3A_1391 : i32
    %dma_wait3A_1393 = arith.constant 1 : i32
    %dma_wait3A_1394 = arith.constant 0 : i32
    %dma_wait3A_1395 = arith.constant 0 : i32
    %dma_wait3A_1396 = arith.constant 0 : i32
    %dma_wait3A_1397 = tpu.memref_slice %arg7[%dma_wait3A_1393, %dma_wait3A_1394, %dma_wait3A_1395, %dma_wait3A_1396] : memref<2x4x4x1024xf32, #tpu.memory_space<vmem>> -> memref<1x4x4x1024xf32, #tpu.memory_space<vmem>>
    %dma_wait3A_1398 = tpu.memref_squeeze %dma_wait3A_1397 : memref<1x4x4x1024xf32, #tpu.memory_space<vmem>> -> memref<4x4x1024xf32, #tpu.memory_space<vmem>>
    %dma_wait3A_1399 = arith.constant 0 : i32
    %dma_wait3A_1400 = arith.constant 0 : i32
    %dma_wait3A_1401 = tpu.memref_slice %arg4[%add3A_1392, %dma_wait3A_1399, %dma_wait3A_1400] : memref<2048x4x1024xf32, #tpu.memory_space<hbm>> -> memref<4x4x1024xf32, #tpu.memory_space<hbm>>
    %dma_wait3A_1402 = arith.constant 0 : i32
    %dma_wait3A_1403 = arith.constant 0 : i32
    %dma_wait3A_1404 = tpu.memref_slice %arg4[%add3A_1392, %dma_wait3A_1402, %dma_wait3A_1403] : memref<2048x4x1024xf32, #tpu.memory_space<hbm>> -> memref<4x4x1024xf32, #tpu.memory_space<hbm>>
    %dma_wait3A_1405 = arith.constant 0 : i32
    %dma_wait3A_1406 = arith.constant 0 : i32
    %dma_wait3A_1407 = arith.constant 0 : i32
    %dma_wait3A_1408 = tpu.memref_slice %arg7[%dma_wait3A_1393, %dma_wait3A_1405, %dma_wait3A_1406, %dma_wait3A_1407] : memref<2x4x4x1024xf32, #tpu.memory_space<vmem>> -> memref<1x4x4x1024xf32, #tpu.memory_space<vmem>>
    %dma_wait3A_1409 = tpu.memref_squeeze %dma_wait3A_1408 : memref<1x4x4x1024xf32, #tpu.memory_space<vmem>> -> memref<4x4x1024xf32, #tpu.memory_space<vmem>>
    tpu.wait_dma2 semaphore(%arg15 : memref<!tpu.dma_semaphore, #tpu.memory_space<semaphore_mem>>) src(%dma_wait3A_1409 : memref<4x4x1024xf32, #tpu.memory_space<vmem>>) dst(%dma_wait3A_1404 : memref<4x4x1024xf32, #tpu.memory_space<hbm>>)
    %dma_start3A_1410 = arith.constant 1 : i32
    %dma_start3A_1411 = arith.constant 0 : i32
    %dma_start3A_1412 = arith.constant 0 : i32
    %dma_start3A_1413 = arith.constant 0 : i32
    %dma_start3A_1414 = tpu.memref_slice %arg5[%dma_start3A_1410, %dma_start3A_1411, %dma_start3A_1412, %dma_start3A_1413] : memref<3x4x4x1024xf32, #tpu.memory_space<vmem>> -> memref<1x4x4x1024xf32, #tpu.memory_space<vmem>>
    %dma_start3A_1415 = tpu.memref_squeeze %dma_start3A_1414 : memref<1x4x4x1024xf32, #tpu.memory_space<vmem>> -> memref<4x4x1024xf32, #tpu.memory_space<vmem>>
    %dma_start3A_1416 = arith.constant 0 : i32
    %dma_start3A_1417 = arith.constant 0 : i32
    %dma_start3A_1418 = tpu.memref_slice %arg4[%add3A_1360, %dma_start3A_1416, %dma_start3A_1417] : memref<2048x4x1024xf32, #tpu.memory_space<hbm>> -> memref<4x4x1024xf32, #tpu.memory_space<hbm>>
    %dma_start3A_1419 = arith.constant 0 : i32
    %dma_start3A_1420 = arith.constant 0 : i32
    %dma_start3A_1421 = tpu.memref_slice %arg4[%add3A_1360, %dma_start3A_1419, %dma_start3A_1420] : memref<2048x4x1024xf32, #tpu.memory_space<hbm>> -> memref<4x4x1024xf32, #tpu.memory_space<hbm>>
    %dma_start3A_1422 = arith.constant 0 : i32
    %dma_start3A_1423 = arith.constant 0 : i32
    %dma_start3A_1424 = arith.constant 0 : i32
    %dma_start3A_1425 = tpu.memref_slice %arg5[%dma_start3A_1410, %dma_start3A_1422, %dma_start3A_1423, %dma_start3A_1424] : memref<3x4x4x1024xf32, #tpu.memory_space<vmem>> -> memref<1x4x4x1024xf32, #tpu.memory_space<vmem>>
    %dma_start3A_1426 = tpu.memref_squeeze %dma_start3A_1425 : memref<1x4x4x1024xf32, #tpu.memory_space<vmem>> -> memref<4x4x1024xf32, #tpu.memory_space<vmem>>
    tpu.enqueue_dma source(%dma_start3A_1426 : memref<4x4x1024xf32, #tpu.memory_space<vmem>>) target(%dma_start3A_1421 : memref<4x4x1024xf32, #tpu.memory_space<hbm>>) target_semaphore(%arg15 : memref<!tpu.dma_semaphore, #tpu.memory_space<semaphore_mem>>)
    %add3A_1427 = arith.constant 56 : i32
    %add3A_1428 = arith.addi %mul3A_2, %add3A_1427 : i32
    %dma_wait3A_1429 = arith.constant 2 : i32
    %dma_wait3A_1430 = arith.constant 0 : i32
    %dma_wait3A_1431 = arith.constant 0 : i32
    %dma_wait3A_1432 = arith.constant 0 : i32
    %dma_wait3A_1433 = tpu.memref_slice %arg5[%dma_wait3A_1429, %dma_wait3A_1430, %dma_wait3A_1431, %dma_wait3A_1432] : memref<3x4x4x1024xf32, #tpu.memory_space<vmem>> -> memref<1x4x4x1024xf32, #tpu.memory_space<vmem>>
    %dma_wait3A_1434 = tpu.memref_squeeze %dma_wait3A_1433 : memref<1x4x4x1024xf32, #tpu.memory_space<vmem>> -> memref<4x4x1024xf32, #tpu.memory_space<vmem>>
    %dma_wait3A_1435 = arith.constant 0 : i32
    %dma_wait3A_1436 = arith.constant 0 : i32
    %dma_wait3A_1437 = tpu.memref_slice %arg2[%add3A_1428, %dma_wait3A_1435, %dma_wait3A_1436] : memref<2048x4x1024xf32, #tpu.memory_space<hbm>> -> memref<4x4x1024xf32, #tpu.memory_space<hbm>>
    %dma_wait3A_1438 = arith.constant 0 : i32
    %dma_wait3A_1439 = arith.constant 0 : i32
    %dma_wait3A_1440 = arith.constant 0 : i32
    %dma_wait3A_1441 = tpu.memref_slice %arg5[%dma_wait3A_1429, %dma_wait3A_1438, %dma_wait3A_1439, %dma_wait3A_1440] : memref<3x4x4x1024xf32, #tpu.memory_space<vmem>> -> memref<1x4x4x1024xf32, #tpu.memory_space<vmem>>
    %dma_wait3A_1442 = tpu.memref_squeeze %dma_wait3A_1441 : memref<1x4x4x1024xf32, #tpu.memory_space<vmem>> -> memref<4x4x1024xf32, #tpu.memory_space<vmem>>
    %dma_wait3A_1443 = arith.constant 0 : i32
    %dma_wait3A_1444 = arith.constant 0 : i32
    %dma_wait3A_1445 = tpu.memref_slice %arg2[%add3A_1428, %dma_wait3A_1443, %dma_wait3A_1444] : memref<2048x4x1024xf32, #tpu.memory_space<hbm>> -> memref<4x4x1024xf32, #tpu.memory_space<hbm>>
    tpu.wait_dma2 semaphore(%arg10 : memref<!tpu.dma_semaphore, #tpu.memory_space<semaphore_mem>>) src(%dma_wait3A_1445 : memref<4x4x1024xf32, #tpu.memory_space<hbm>>) dst(%dma_wait3A_1442 : memref<4x4x1024xf32, #tpu.memory_space<vmem>>)
    %dma_wait3A_1446 = arith.constant 2 : i32
    %dma_wait3A_1447 = arith.constant 0 : i32
    %dma_wait3A_1448 = arith.constant 0 : i32
    %dma_wait3A_1449 = tpu.memref_slice %arg6[%dma_wait3A_1446, %dma_wait3A_1447, %dma_wait3A_1448] : memref<3x4x1024xf32, #tpu.memory_space<vmem>> -> memref<1x4x1024xf32, #tpu.memory_space<vmem>>
    %dma_wait3A_1450 = tpu.memref_squeeze %dma_wait3A_1449 : memref<1x4x1024xf32, #tpu.memory_space<vmem>> -> memref<4x1024xf32, #tpu.memory_space<vmem>>
    %dma_wait3A_1451 = arith.constant 0 : i32
    %dma_wait3A_1452 = tpu.memref_slice %arg3[%add3A_1428, %dma_wait3A_1451] : memref<2048x1024xf32, #tpu.memory_space<hbm>> -> memref<4x1024xf32, #tpu.memory_space<hbm>>
    %dma_wait3A_1453 = arith.constant 0 : i32
    %dma_wait3A_1454 = arith.constant 0 : i32
    %dma_wait3A_1455 = tpu.memref_slice %arg6[%dma_wait3A_1446, %dma_wait3A_1453, %dma_wait3A_1454] : memref<3x4x1024xf32, #tpu.memory_space<vmem>> -> memref<1x4x1024xf32, #tpu.memory_space<vmem>>
    %dma_wait3A_1456 = tpu.memref_squeeze %dma_wait3A_1455 : memref<1x4x1024xf32, #tpu.memory_space<vmem>> -> memref<4x1024xf32, #tpu.memory_space<vmem>>
    %dma_wait3A_1457 = arith.constant 0 : i32
    %dma_wait3A_1458 = tpu.memref_slice %arg3[%add3A_1428, %dma_wait3A_1457] : memref<2048x1024xf32, #tpu.memory_space<hbm>> -> memref<4x1024xf32, #tpu.memory_space<hbm>>
    tpu.wait_dma2 semaphore(%arg13 : memref<!tpu.dma_semaphore, #tpu.memory_space<semaphore_mem>>) src(%dma_wait3A_1458 : memref<4x1024xf32, #tpu.memory_space<hbm>>) dst(%dma_wait3A_1456 : memref<4x1024xf32, #tpu.memory_space<vmem>>)
    %add3A_1459 = arith.constant 48 : i32
    %add3A_1460 = arith.addi %mul3A_2, %add3A_1459 : i32
    %dma_wait3A_1461 = arith.constant 0 : i32
    %dma_wait3A_1462 = arith.constant 0 : i32
    %dma_wait3A_1463 = arith.constant 0 : i32
    %dma_wait3A_1464 = arith.constant 0 : i32
    %dma_wait3A_1465 = tpu.memref_slice %arg7[%dma_wait3A_1461, %dma_wait3A_1462, %dma_wait3A_1463, %dma_wait3A_1464] : memref<2x4x4x1024xf32, #tpu.memory_space<vmem>> -> memref<1x4x4x1024xf32, #tpu.memory_space<vmem>>
    %dma_wait3A_1466 = tpu.memref_squeeze %dma_wait3A_1465 : memref<1x4x4x1024xf32, #tpu.memory_space<vmem>> -> memref<4x4x1024xf32, #tpu.memory_space<vmem>>
    %dma_wait3A_1467 = arith.constant 0 : i32
    %dma_wait3A_1468 = arith.constant 0 : i32
    %dma_wait3A_1469 = tpu.memref_slice %arg4[%add3A_1460, %dma_wait3A_1467, %dma_wait3A_1468] : memref<2048x4x1024xf32, #tpu.memory_space<hbm>> -> memref<4x4x1024xf32, #tpu.memory_space<hbm>>
    %dma_wait3A_1470 = arith.constant 0 : i32
    %dma_wait3A_1471 = arith.constant 0 : i32
    %dma_wait3A_1472 = tpu.memref_slice %arg4[%add3A_1460, %dma_wait3A_1470, %dma_wait3A_1471] : memref<2048x4x1024xf32, #tpu.memory_space<hbm>> -> memref<4x4x1024xf32, #tpu.memory_space<hbm>>
    %dma_wait3A_1473 = arith.constant 0 : i32
    %dma_wait3A_1474 = arith.constant 0 : i32
    %dma_wait3A_1475 = arith.constant 0 : i32
    %dma_wait3A_1476 = tpu.memref_slice %arg7[%dma_wait3A_1461, %dma_wait3A_1473, %dma_wait3A_1474, %dma_wait3A_1475] : memref<2x4x4x1024xf32, #tpu.memory_space<vmem>> -> memref<1x4x4x1024xf32, #tpu.memory_space<vmem>>
    %dma_wait3A_1477 = tpu.memref_squeeze %dma_wait3A_1476 : memref<1x4x4x1024xf32, #tpu.memory_space<vmem>> -> memref<4x4x1024xf32, #tpu.memory_space<vmem>>
    tpu.wait_dma2 semaphore(%arg14 : memref<!tpu.dma_semaphore, #tpu.memory_space<semaphore_mem>>) src(%dma_wait3A_1477 : memref<4x4x1024xf32, #tpu.memory_space<vmem>>) dst(%dma_wait3A_1472 : memref<4x4x1024xf32, #tpu.memory_space<hbm>>)
    %dma_start3A_1478 = arith.constant 2 : i32
    %dma_start3A_1479 = arith.constant 0 : i32
    %dma_start3A_1480 = arith.constant 0 : i32
    %dma_start3A_1481 = arith.constant 0 : i32
    %dma_start3A_1482 = tpu.memref_slice %arg5[%dma_start3A_1478, %dma_start3A_1479, %dma_start3A_1480, %dma_start3A_1481] : memref<3x4x4x1024xf32, #tpu.memory_space<vmem>> -> memref<1x4x4x1024xf32, #tpu.memory_space<vmem>>
    %dma_start3A_1483 = tpu.memref_squeeze %dma_start3A_1482 : memref<1x4x4x1024xf32, #tpu.memory_space<vmem>> -> memref<4x4x1024xf32, #tpu.memory_space<vmem>>
    %dma_start3A_1484 = arith.constant 0 : i32
    %dma_start3A_1485 = arith.constant 0 : i32
    %dma_start3A_1486 = tpu.memref_slice %arg4[%add3A_1428, %dma_start3A_1484, %dma_start3A_1485] : memref<2048x4x1024xf32, #tpu.memory_space<hbm>> -> memref<4x4x1024xf32, #tpu.memory_space<hbm>>
    %dma_start3A_1487 = arith.constant 0 : i32
    %dma_start3A_1488 = arith.constant 0 : i32
    %dma_start3A_1489 = tpu.memref_slice %arg4[%add3A_1428, %dma_start3A_1487, %dma_start3A_1488] : memref<2048x4x1024xf32, #tpu.memory_space<hbm>> -> memref<4x4x1024xf32, #tpu.memory_space<hbm>>
    %dma_start3A_1490 = arith.constant 0 : i32
    %dma_start3A_1491 = arith.constant 0 : i32
    %dma_start3A_1492 = arith.constant 0 : i32
    %dma_start3A_1493 = tpu.memref_slice %arg5[%dma_start3A_1478, %dma_start3A_1490, %dma_start3A_1491, %dma_start3A_1492] : memref<3x4x4x1024xf32, #tpu.memory_space<vmem>> -> memref<1x4x4x1024xf32, #tpu.memory_space<vmem>>
    %dma_start3A_1494 = tpu.memref_squeeze %dma_start3A_1493 : memref<1x4x4x1024xf32, #tpu.memory_space<vmem>> -> memref<4x4x1024xf32, #tpu.memory_space<vmem>>
    tpu.enqueue_dma source(%dma_start3A_1494 : memref<4x4x1024xf32, #tpu.memory_space<vmem>>) target(%dma_start3A_1489 : memref<4x4x1024xf32, #tpu.memory_space<hbm>>) target_semaphore(%arg14 : memref<!tpu.dma_semaphore, #tpu.memory_space<semaphore_mem>>)
    %add3A_1495 = arith.constant 60 : i32
    %add3A_1496 = arith.addi %mul3A_2, %add3A_1495 : i32
    %dma_wait3A_1497 = arith.constant 0 : i32
    %dma_wait3A_1498 = arith.constant 0 : i32
    %dma_wait3A_1499 = arith.constant 0 : i32
    %dma_wait3A_1500 = arith.constant 0 : i32
    %dma_wait3A_1501 = tpu.memref_slice %arg5[%dma_wait3A_1497, %dma_wait3A_1498, %dma_wait3A_1499, %dma_wait3A_1500] : memref<3x4x4x1024xf32, #tpu.memory_space<vmem>> -> memref<1x4x4x1024xf32, #tpu.memory_space<vmem>>
    %dma_wait3A_1502 = tpu.memref_squeeze %dma_wait3A_1501 : memref<1x4x4x1024xf32, #tpu.memory_space<vmem>> -> memref<4x4x1024xf32, #tpu.memory_space<vmem>>
    %dma_wait3A_1503 = arith.constant 0 : i32
    %dma_wait3A_1504 = arith.constant 0 : i32
    %dma_wait3A_1505 = tpu.memref_slice %arg2[%add3A_1496, %dma_wait3A_1503, %dma_wait3A_1504] : memref<2048x4x1024xf32, #tpu.memory_space<hbm>> -> memref<4x4x1024xf32, #tpu.memory_space<hbm>>
    %dma_wait3A_1506 = arith.constant 0 : i32
    %dma_wait3A_1507 = arith.constant 0 : i32
    %dma_wait3A_1508 = arith.constant 0 : i32
    %dma_wait3A_1509 = tpu.memref_slice %arg5[%dma_wait3A_1497, %dma_wait3A_1506, %dma_wait3A_1507, %dma_wait3A_1508] : memref<3x4x4x1024xf32, #tpu.memory_space<vmem>> -> memref<1x4x4x1024xf32, #tpu.memory_space<vmem>>
    %dma_wait3A_1510 = tpu.memref_squeeze %dma_wait3A_1509 : memref<1x4x4x1024xf32, #tpu.memory_space<vmem>> -> memref<4x4x1024xf32, #tpu.memory_space<vmem>>
    %dma_wait3A_1511 = arith.constant 0 : i32
    %dma_wait3A_1512 = arith.constant 0 : i32
    %dma_wait3A_1513 = tpu.memref_slice %arg2[%add3A_1496, %dma_wait3A_1511, %dma_wait3A_1512] : memref<2048x4x1024xf32, #tpu.memory_space<hbm>> -> memref<4x4x1024xf32, #tpu.memory_space<hbm>>
    tpu.wait_dma2 semaphore(%arg8 : memref<!tpu.dma_semaphore, #tpu.memory_space<semaphore_mem>>) src(%dma_wait3A_1513 : memref<4x4x1024xf32, #tpu.memory_space<hbm>>) dst(%dma_wait3A_1510 : memref<4x4x1024xf32, #tpu.memory_space<vmem>>)
    %dma_wait3A_1514 = arith.constant 0 : i32
    %dma_wait3A_1515 = arith.constant 0 : i32
    %dma_wait3A_1516 = arith.constant 0 : i32
    %dma_wait3A_1517 = tpu.memref_slice %arg6[%dma_wait3A_1514, %dma_wait3A_1515, %dma_wait3A_1516] : memref<3x4x1024xf32, #tpu.memory_space<vmem>> -> memref<1x4x1024xf32, #tpu.memory_space<vmem>>
    %dma_wait3A_1518 = tpu.memref_squeeze %dma_wait3A_1517 : memref<1x4x1024xf32, #tpu.memory_space<vmem>> -> memref<4x1024xf32, #tpu.memory_space<vmem>>
    %dma_wait3A_1519 = arith.constant 0 : i32
    %dma_wait3A_1520 = tpu.memref_slice %arg3[%add3A_1496, %dma_wait3A_1519] : memref<2048x1024xf32, #tpu.memory_space<hbm>> -> memref<4x1024xf32, #tpu.memory_space<hbm>>
    %dma_wait3A_1521 = arith.constant 0 : i32
    %dma_wait3A_1522 = arith.constant 0 : i32
    %dma_wait3A_1523 = tpu.memref_slice %arg6[%dma_wait3A_1514, %dma_wait3A_1521, %dma_wait3A_1522] : memref<3x4x1024xf32, #tpu.memory_space<vmem>> -> memref<1x4x1024xf32, #tpu.memory_space<vmem>>
    %dma_wait3A_1524 = tpu.memref_squeeze %dma_wait3A_1523 : memref<1x4x1024xf32, #tpu.memory_space<vmem>> -> memref<4x1024xf32, #tpu.memory_space<vmem>>
    %dma_wait3A_1525 = arith.constant 0 : i32
    %dma_wait3A_1526 = tpu.memref_slice %arg3[%add3A_1496, %dma_wait3A_1525] : memref<2048x1024xf32, #tpu.memory_space<hbm>> -> memref<4x1024xf32, #tpu.memory_space<hbm>>
    tpu.wait_dma2 semaphore(%arg11 : memref<!tpu.dma_semaphore, #tpu.memory_space<semaphore_mem>>) src(%dma_wait3A_1526 : memref<4x1024xf32, #tpu.memory_space<hbm>>) dst(%dma_wait3A_1524 : memref<4x1024xf32, #tpu.memory_space<vmem>>)
    %add3A_1527 = arith.constant 52 : i32
    %add3A_1528 = arith.addi %mul3A_2, %add3A_1527 : i32
    %dma_wait3A_1529 = arith.constant 1 : i32
    %dma_wait3A_1530 = arith.constant 0 : i32
    %dma_wait3A_1531 = arith.constant 0 : i32
    %dma_wait3A_1532 = arith.constant 0 : i32
    %dma_wait3A_1533 = tpu.memref_slice %arg7[%dma_wait3A_1529, %dma_wait3A_1530, %dma_wait3A_1531, %dma_wait3A_1532] : memref<2x4x4x1024xf32, #tpu.memory_space<vmem>> -> memref<1x4x4x1024xf32, #tpu.memory_space<vmem>>
    %dma_wait3A_1534 = tpu.memref_squeeze %dma_wait3A_1533 : memref<1x4x4x1024xf32, #tpu.memory_space<vmem>> -> memref<4x4x1024xf32, #tpu.memory_space<vmem>>
    %dma_wait3A_1535 = arith.constant 0 : i32
    %dma_wait3A_1536 = arith.constant 0 : i32
    %dma_wait3A_1537 = tpu.memref_slice %arg4[%add3A_1528, %dma_wait3A_1535, %dma_wait3A_1536] : memref<2048x4x1024xf32, #tpu.memory_space<hbm>> -> memref<4x4x1024xf32, #tpu.memory_space<hbm>>
    %dma_wait3A_1538 = arith.constant 0 : i32
    %dma_wait3A_1539 = arith.constant 0 : i32
    %dma_wait3A_1540 = tpu.memref_slice %arg4[%add3A_1528, %dma_wait3A_1538, %dma_wait3A_1539] : memref<2048x4x1024xf32, #tpu.memory_space<hbm>> -> memref<4x4x1024xf32, #tpu.memory_space<hbm>>
    %dma_wait3A_1541 = arith.constant 0 : i32
    %dma_wait3A_1542 = arith.constant 0 : i32
    %dma_wait3A_1543 = arith.constant 0 : i32
    %dma_wait3A_1544 = tpu.memref_slice %arg7[%dma_wait3A_1529, %dma_wait3A_1541, %dma_wait3A_1542, %dma_wait3A_1543] : memref<2x4x4x1024xf32, #tpu.memory_space<vmem>> -> memref<1x4x4x1024xf32, #tpu.memory_space<vmem>>
    %dma_wait3A_1545 = tpu.memref_squeeze %dma_wait3A_1544 : memref<1x4x4x1024xf32, #tpu.memory_space<vmem>> -> memref<4x4x1024xf32, #tpu.memory_space<vmem>>
    tpu.wait_dma2 semaphore(%arg15 : memref<!tpu.dma_semaphore, #tpu.memory_space<semaphore_mem>>) src(%dma_wait3A_1545 : memref<4x4x1024xf32, #tpu.memory_space<vmem>>) dst(%dma_wait3A_1540 : memref<4x4x1024xf32, #tpu.memory_space<hbm>>)
    %dma_start3A_1546 = arith.constant 0 : i32
    %dma_start3A_1547 = arith.constant 0 : i32
    %dma_start3A_1548 = arith.constant 0 : i32
    %dma_start3A_1549 = arith.constant 0 : i32
    %dma_start3A_1550 = tpu.memref_slice %arg5[%dma_start3A_1546, %dma_start3A_1547, %dma_start3A_1548, %dma_start3A_1549] : memref<3x4x4x1024xf32, #tpu.memory_space<vmem>> -> memref<1x4x4x1024xf32, #tpu.memory_space<vmem>>
    %dma_start3A_1551 = tpu.memref_squeeze %dma_start3A_1550 : memref<1x4x4x1024xf32, #tpu.memory_space<vmem>> -> memref<4x4x1024xf32, #tpu.memory_space<vmem>>
    %dma_start3A_1552 = arith.constant 0 : i32
    %dma_start3A_1553 = arith.constant 0 : i32
    %dma_start3A_1554 = tpu.memref_slice %arg4[%add3A_1496, %dma_start3A_1552, %dma_start3A_1553] : memref<2048x4x1024xf32, #tpu.memory_space<hbm>> -> memref<4x4x1024xf32, #tpu.memory_space<hbm>>
    %dma_start3A_1555 = arith.constant 0 : i32
    %dma_start3A_1556 = arith.constant 0 : i32
    %dma_start3A_1557 = tpu.memref_slice %arg4[%add3A_1496, %dma_start3A_1555, %dma_start3A_1556] : memref<2048x4x1024xf32, #tpu.memory_space<hbm>> -> memref<4x4x1024xf32, #tpu.memory_space<hbm>>
    %dma_start3A_1558 = arith.constant 0 : i32
    %dma_start3A_1559 = arith.constant 0 : i32
    %dma_start3A_1560 = arith.constant 0 : i32
    %dma_start3A_1561 = tpu.memref_slice %arg5[%dma_start3A_1546, %dma_start3A_1558, %dma_start3A_1559, %dma_start3A_1560] : memref<3x4x4x1024xf32, #tpu.memory_space<vmem>> -> memref<1x4x4x1024xf32, #tpu.memory_space<vmem>>
    %dma_start3A_1562 = tpu.memref_squeeze %dma_start3A_1561 : memref<1x4x4x1024xf32, #tpu.memory_space<vmem>> -> memref<4x4x1024xf32, #tpu.memory_space<vmem>>
    tpu.enqueue_dma source(%dma_start3A_1562 : memref<4x4x1024xf32, #tpu.memory_space<vmem>>) target(%dma_start3A_1557 : memref<4x4x1024xf32, #tpu.memory_space<hbm>>) target_semaphore(%arg15 : memref<!tpu.dma_semaphore, #tpu.memory_space<semaphore_mem>>)
    %add3A_1563 = arith.constant 56 : i32
    %add3A_1564 = arith.addi %mul3A_2, %add3A_1563 : i32
    %dma_wait3A_1565 = arith.constant 2 : i32
    %dma_wait3A_1566 = arith.constant 0 : i32
    %dma_wait3A_1567 = arith.constant 0 : i32
    %dma_wait3A_1568 = arith.constant 0 : i32
    %dma_wait3A_1569 = tpu.memref_slice %arg5[%dma_wait3A_1565, %dma_wait3A_1566, %dma_wait3A_1567, %dma_wait3A_1568] : memref<3x4x4x1024xf32, #tpu.memory_space<vmem>> -> memref<1x4x4x1024xf32, #tpu.memory_space<vmem>>
    %dma_wait3A_1570 = tpu.memref_squeeze %dma_wait3A_1569 : memref<1x4x4x1024xf32, #tpu.memory_space<vmem>> -> memref<4x4x1024xf32, #tpu.memory_space<vmem>>
    %dma_wait3A_1571 = arith.constant 0 : i32
    %dma_wait3A_1572 = arith.constant 0 : i32
    %dma_wait3A_1573 = tpu.memref_slice %arg4[%add3A_1564, %dma_wait3A_1571, %dma_wait3A_1572] : memref<2048x4x1024xf32, #tpu.memory_space<hbm>> -> memref<4x4x1024xf32, #tpu.memory_space<hbm>>
    %dma_wait3A_1574 = arith.constant 0 : i32
    %dma_wait3A_1575 = arith.constant 0 : i32
    %dma_wait3A_1576 = tpu.memref_slice %arg4[%add3A_1564, %dma_wait3A_1574, %dma_wait3A_1575] : memref<2048x4x1024xf32, #tpu.memory_space<hbm>> -> memref<4x4x1024xf32, #tpu.memory_space<hbm>>
    %dma_wait3A_1577 = arith.constant 0 : i32
    %dma_wait3A_1578 = arith.constant 0 : i32
    %dma_wait3A_1579 = arith.constant 0 : i32
    %dma_wait3A_1580 = tpu.memref_slice %arg5[%dma_wait3A_1565, %dma_wait3A_1577, %dma_wait3A_1578, %dma_wait3A_1579] : memref<3x4x4x1024xf32, #tpu.memory_space<vmem>> -> memref<1x4x4x1024xf32, #tpu.memory_space<vmem>>
    %dma_wait3A_1581 = tpu.memref_squeeze %dma_wait3A_1580 : memref<1x4x4x1024xf32, #tpu.memory_space<vmem>> -> memref<4x4x1024xf32, #tpu.memory_space<vmem>>
    tpu.wait_dma2 semaphore(%arg14 : memref<!tpu.dma_semaphore, #tpu.memory_space<semaphore_mem>>) src(%dma_wait3A_1581 : memref<4x4x1024xf32, #tpu.memory_space<vmem>>) dst(%dma_wait3A_1576 : memref<4x4x1024xf32, #tpu.memory_space<hbm>>)
    %add3A_1582 = arith.constant 60 : i32
    %add3A_1583 = arith.addi %mul3A_2, %add3A_1582 : i32
    %dma_wait3A_1584 = arith.constant 0 : i32
    %dma_wait3A_1585 = arith.constant 0 : i32
    %dma_wait3A_1586 = arith.constant 0 : i32
    %dma_wait3A_1587 = arith.constant 0 : i32
    %dma_wait3A_1588 = tpu.memref_slice %arg5[%dma_wait3A_1584, %dma_wait3A_1585, %dma_wait3A_1586, %dma_wait3A_1587] : memref<3x4x4x1024xf32, #tpu.memory_space<vmem>> -> memref<1x4x4x1024xf32, #tpu.memory_space<vmem>>
    %dma_wait3A_1589 = tpu.memref_squeeze %dma_wait3A_1588 : memref<1x4x4x1024xf32, #tpu.memory_space<vmem>> -> memref<4x4x1024xf32, #tpu.memory_space<vmem>>
    %dma_wait3A_1590 = arith.constant 0 : i32
    %dma_wait3A_1591 = arith.constant 0 : i32
    %dma_wait3A_1592 = tpu.memref_slice %arg4[%add3A_1583, %dma_wait3A_1590, %dma_wait3A_1591] : memref<2048x4x1024xf32, #tpu.memory_space<hbm>> -> memref<4x4x1024xf32, #tpu.memory_space<hbm>>
    %dma_wait3A_1593 = arith.constant 0 : i32
    %dma_wait3A_1594 = arith.constant 0 : i32
    %dma_wait3A_1595 = tpu.memref_slice %arg4[%add3A_1583, %dma_wait3A_1593, %dma_wait3A_1594] : memref<2048x4x1024xf32, #tpu.memory_space<hbm>> -> memref<4x4x1024xf32, #tpu.memory_space<hbm>>
    %dma_wait3A_1596 = arith.constant 0 : i32
    %dma_wait3A_1597 = arith.constant 0 : i32
    %dma_wait3A_1598 = arith.constant 0 : i32
    %dma_wait3A_1599 = tpu.memref_slice %arg5[%dma_wait3A_1584, %dma_wait3A_1596, %dma_wait3A_1597, %dma_wait3A_1598] : memref<3x4x4x1024xf32, #tpu.memory_space<vmem>> -> memref<1x4x4x1024xf32, #tpu.memory_space<vmem>>
    %dma_wait3A_1600 = tpu.memref_squeeze %dma_wait3A_1599 : memref<1x4x4x1024xf32, #tpu.memory_space<vmem>> -> memref<4x4x1024xf32, #tpu.memory_space<vmem>>
    tpu.wait_dma2 semaphore(%arg15 : memref<!tpu.dma_semaphore, #tpu.memory_space<semaphore_mem>>) src(%dma_wait3A_1600 : memref<4x4x1024xf32, #tpu.memory_space<vmem>>) dst(%dma_wait3A_1595 : memref<4x4x1024xf32, #tpu.memory_space<hbm>>)
    return
  }
}

</mosaic_0001>

<sc_bundles>
// kernel: kernel.3.cloned.1.call-start
scs
__scs_entry_jumppad:
0x0: {  	(pc) =	sbr.rel $0x88, $3  }
0x1: {  	(tag) =	ssettag $0x0;
	lr =	simm.s32 $0x1  }
0x2: {  	[smem:$0x3F9F] =	sst lr;
	_ =	strace $0xD0000000  }
0x3: {  	_ = 	snop  }
0x4: {  	_ = 	snop  }
0x5: {  	_ = 	snop  }
0x6: {  	_ = 	snop  }
0x7: {  	_ = 	snop  }
__scs_overlays_trampoline_lowered:
0x8: {  	[smem:$0x3FAE] =	sst s0  }
0x9: {  	[smem:$0x3FAF] =	sst s1  }
0xa: {  	[smem:$0x3FB0] =	sst s2  }
0xb: {  	[smem:$0x3FB1] =	sst s3  }
0xc: {  	[smem:$0x3FB2] =	sst s4  }
0xd: {  	[smem:$0x3FB3] =	sst s5  }
0xe: {  	[smem:$0x3FB4] =	sst s6  }
0xf: {  	[smem:$0x3FB5] =	sst s7  }
0x10: {  	[smem:$0x3FB6] =	sst s8  }
0x11: {  	[smem:$0x3FB7] =	sst s9;
	s0 =	simm.s32 @!p0 $0x0  }
0x12: {  	s1 =	sld [smem:$0x3F9D];
	s0 =	simm.s32 @p0 $0x1  }
0x13: {  	[smem:$0x3FB8] =	sst s0;
	s0 =	simm.s32 @!p1 $0x0  }
0x14: {  	s2 =	sld [smem:$0x3F9C];
	s0 =	simm.s32 @p1 $0x1  }
0x15: {  	[smem:$0x3FB9] =	sst s0;
	s0 =	simm.s32 @!p2 $0x0  }
0x16: {  	s3 =	sld [smem:$0x3FDB];
	s0 =	simm.s32 @p2 $0x1  }
0x17: {  	s4 =	simm.s32 $0x1BF5;
	[smem:$0x3FBB] =	sst s0  }
0x18: {  	s0 =	sld [smem:$0x3F9E];
	_ =	swait.ge [sflag:s4], $0x0  }
0x19: {  	s7 =	sld [smem:$0x3F9F]  }
0x1a: {  	s8 =	sadd.s32 $0xFFFFE003, lr  }
0x1b: {  	s9 =	sadd.s32 $0xFFFFFEF7, lr;
	s5 =	simm.s32 $0xFFFFFFFF;
	p2 =	slt.u32 s8, $0xFFFFF086  }
0x1c: {  	p1 =	slt.u32 s9, $0xF7A;
	s5 =	simm.s32 @!p2 $0x0  }
0x1d: {  	s5 =	simm.s32 @p1 $0x1;
	p0 =	seq.s32 s7, s2  }
0x1e: {  	s7 =	smul.u32 @!p0 $0xF7A, s2;
	p2 =	seq.s32 @!p0 s5, $0x0  }
0x1f: {  	s9 =	smul.u32 $0xF7A, s1;
	s8 =	simm.s32 @!p0 $0x1BF5;
	p2 =	por !p2, p0  }
0x20: {  	[sflag:s8] =	ssyncset.s32 @!p0 $0xFFFFF086;
	s6 =	sadd.s32 @!p0 s3, s7;
	s7 =	simm.s32 @!p0 $0x108  }
0x21: {  	s3 =	sadd.s32 s3, s9;
	s6 =	sadd.s32 @!p0 $0x88, s6;
	s7 =	simm.s32 @p2 $0x1082  }
0x22: {  	[simem:s7], [sflag:s8] =	dma.local @!p0 [hbm:s6], $0xF7A  }
0x23: {  	s9 =	sor.u32 $0xD0000000, s2;
	s6 =	simm.s32 $0x108;
	_ =	swait.ge @!p0 [sflag:s8], $0x0  }
0x24: {  	s3 =	sadd.s32 $0x88, s3;
	s6 =	simm.s32 @!p1 $0x1082;
	[sflag:s4] =	ssyncset.s32 $0xFFFFF086  }
0x25: {  	[simem:s6], [sflag:s4] =	dma.local [hbm:s3], $0xF7A  }
0x26: {  	[smem:$0x3F9F] =	sst s1;
	(tag) =	ssettag s2;
	_ =	strace s9  }
0x27: {  	s1 =	sld [smem:$0x3FAF]  }
0x28: {  	s2 =	sld [smem:$0x3FB0]  }
0x29: {  	s4 =	sld [smem:$0x3FB2]  }
0x2a: {  	p0 =	seq.s32 s5, $0x0;
	s5 =	sld [smem:$0x3FB3]  }
0x2b: {  	s6 =	sld [smem:$0x3FB4]  }
0x2c: {  	s7 =	sld [smem:$0x3FB5]  }
0x2d: {  	s3 =	simm.s32 $0x108;
	s8 =	sld [smem:$0x3FB6]  }
0x2e: {  	s3 =	simm.s32 @!p0 $0x1082;
	s9 =	sld [smem:$0x3FB7]  }
0x2f: {  	lr =	sadd.s32 s0, s3;
	s0 =	sld [smem:$0x3FAE]  }
0x30: {  	s3 =	sld [smem:$0x3FB1]  }
0x31: {  	[smem:$0x3FBA] =	sst s10  }
0x32: {  	s10 =	sld [smem:$0x3FB8];
	_ =	sdelay $0x3  }
0x33: {  	p0 =	seq.s32 s10, $0x1;
	s10 =	sld [smem:$0x3FBA];
	_ =	sdelay $0x3  }
0x34: {  	[smem:$0x3FBA] =	sst s10  }
0x35: {  	s10 =	sld [smem:$0x3FB9];
	_ =	sdelay $0x3  }
0x36: {  	p1 =	seq.s32 s10, $0x1;
	s10 =	sld [smem:$0x3FBA];
	_ =	sdelay $0x3  }
0x37: {  	[smem:$0x3FBA] =	sst s10  }
0x38: {  	s10 =	sld [smem:$0x3FBB]  }
0x39: {  	_ = 	snop;
	(pc) =	sbr.ind lr, $3  }
0x3a: {  	_ = 	snop  }
0x3b: {  	_ = 	snop  }
0x3c: {  	p2 =	seq.s32 s10, $0x1;
	s10 =	sld [smem:$0x3FBA]  }
0x3d: {  	_ =	shalt  }
0x3e: {  	_ =	shalt  }
0x3f: {  	_ =	shalt  }
0x40: {  	_ =	shalt  }
0x41: {  	_ =	shalt  }
0x42: {  	_ =	shalt  }
0x43: {  	_ =	shalt  }
0x44: {  	_ =	shalt  }
0x45: {  	_ =	shalt  }
0x46: {  	_ =	shalt  }
0x47: {  	_ =	shalt  }
0x48: {  	_ =	shalt  }
0x49: {  	_ =	shalt  }
0x4a: {  	_ =	shalt  }
0x4b: {  	_ =	shalt  }
0x4c: {  	_ =	shalt  }
0x4d: {  	_ =	shalt  }
0x4e: {  	_ =	shalt  }
0x4f: {  	_ =	shalt  }
0x50: {  	_ =	shalt  }
0x51: {  	_ =	shalt  }
0x52: {  	_ =	shalt  }
0x53: {  	_ =	shalt  }
0x54: {  	_ =	shalt  }
0x55: {  	_ =	shalt  }
0x56: {  	_ =	shalt  }
0x57: {  	_ =	shalt  }
0x58: {  	_ =	shalt  }
0x59: {  	_ =	shalt  }
0x5a: {  	_ =	shalt  }
0x5b: {  	_ =	shalt  }
0x5c: {  	_ =	shalt  }
0x5d: {  	_ =	shalt  }
0x5e: {  	_ =	shalt  }
0x5f: {  	_ =	shalt  }
0x60: {  	_ =	shalt  }
0x61: {  	_ =	shalt  }
0x62: {  	_ =	shalt  }
0x63: {  	_ =	shalt  }
0x64: {  	_ =	shalt  }
0x65: {  	_ =	shalt  }
0x66: {  	_ =	shalt  }
0x67: {  	_ =	shalt  }
0x68: {  	_ =	shalt  }
0x69: {  	_ =	shalt  }
0x6a: {  	_ =	shalt  }
0x6b: {  	_ =	shalt  }
0x6c: {  	_ =	shalt  }
0x6d: {  	_ =	shalt  }
0x6e: {  	_ =	shalt  }
0x6f: {  	_ =	shalt  }
0x70: {  	_ =	shalt  }
0x71: {  	_ =	shalt  }
0x72: {  	_ =	shalt  }
0x73: {  	_ =	shalt  }
0x74: {  	_ =	shalt  }
0x75: {  	_ =	shalt  }
0x76: {  	_ =	shalt  }
0x77: {  	_ =	shalt  }
0x78: {  	_ =	shalt  }
0x79: {  	_ =	shalt  }
0x7a: {  	_ =	shalt  }
0x7b: {  	_ =	shalt  }
0x7c: {  	_ =	shalt  }
0x7d: {  	_ =	shalt  }
0x7e: {  	_ =	shalt  }
0x7f: {  	_ =	shalt  }
0x80: {  	_ =	shalt  }
0x81: {  	_ =	shalt  }
0x82: {  	_ =	shalt  }
0x83: {  	_ =	shalt  }
0x84: {  	_ =	shalt  }
0x85: {  	_ =	shalt  }
0x86: {  	_ =	shalt  }
0x87: {  	_ =	shalt  }
.Lfunc_end0:
.L_simem_size_0:
called_computation_lowered:
.L_overlay_start_0:
0x88: {  	s2 =	sld [smem:$0x3FD9]  }
0x89: {  	s3 =	sld [smem:$0x3FFE];
	_ =	sdelay $0x1  }
0x8a: {  	s1 =	srdreg.scid  }
0x8b: {  	s0 =	sand.u32 $0x1, s1  }
0x8c: {  	s18 =	sshll.u32 s0, $0xA;
	s2 =	sadd.s32 s3, s2  }
0x8d: {  	s2 =	sadd.s32 s2, s18  }
0x8e: {  	[smem:$0x3FC6] =	sst s2  }
0x8f: {  	_ = 	snop  }
0x90: {  	s2 =	sld [smem:$0x3FC9]  }
0x91: {  	s19 =	sld [smem:$0x3FC8]  }
0x92: {  	s4 =	sld [smem:$0x3FD0];
	(tm) =	ssettm $0x1  }
0x93: {  	s5 =	sld [smem:$0x3FFB];
	_ =	sdelay $0x3  }
0x94: {  	_ =	strace s5  }
0x95: {  	s5 =	sld [smem:$0x3FFC];
	_ =	sdelay $0x3  }
0x96: {  	_ =	strace s5  }
0x97: {  	s5 =	sld [smem:$0x3FFD];
	_ =	sdelay $0x3  }
0x98: {  	_ =	strace s5  }
0x99: {  	_ =	strace $0x8FFFFFFF  }
0x9a: {  	s20 =	sld [smem:$0x3FDB];
	_ =	sdelay $0x1  }
0x9b: {  	s6 =	simm.s32 $_scs_section_size  }
0x9c: {  	s7 =	simm.s32 $_size__tile_overlayer_lowered;
	s8 =	simm.s32 $_tile_overlayer_lowered  }
0x9d: {  	s23 =	simm.s32 $0x1BFF;
	s22 =	sshll.u32 s8, $0x1;
	s5 =	sadd.s32 s6, s20  }
0x9e: {  	s9 =	simm.s32 $0x0;
	s21 =	sshll.u32 s7, $0x1;
	s7 =	sadd.s32 s22, s5  }
0x9f: {  	[timem:s9], [sflag:s23] =	dma.local [hbm:s7], s21  }
0xa0: {  	_ =	swait.ge [sflag:s23], s21  }
0xa1: {  	s6 =	ssub.s32 $0x0, s21;
	[sflag:s23] =	ssyncset.done $0x0  }
0xa2: {  	[sflag:s23] =	ssyncadd.s32 s6;
	_ =	sdelay $0x1  }
0xa3: {  	s24 =	simm.s32 $0x1B8B  }
0xa4: {  	_ =	swait.ge [sflag:s24], $0x1  }
0xa5: {  	[sflag:s24] =	ssyncset.done $0x0  }
0xa6: {  	s25 =	simm.s32 $0x1B8E;
	[sflag:s24] =	ssyncadd.s32 $0xFFFFFFFF  }
0xa7: {  	s26 =	simm.s32 $execute0_lowered;
	[smem:$0x3FD2] =	sst s25  }
0xa8: {  	s6 =	sshll.u32 s26, $0x1;
	_ =	strace $0x80000046;
	[dreg:$0x1] =	wrdreg $0xFFFFFFFF  }
0xa9: {  	s28 =	simm.s32 $_size_execute0_lowered;
	s5 =	sadd.s32 s5, s6;
	[dreg:$0x0] =	wrdreg $0x0  }
0xaa: {  	s6 =	sshll.u32 s28, $0x1;
	[dreg:$0x2] =	wrdreg s5  }
0xab: {  	[dreg:$0x3] =	wrdreg s6  }
0xac: {  	[dreg:$0x4] =	wrdreg $0xC0  }
0xad: {  	_ =	task [dreg:s9], $0x5FFFF  }
0xae: {  	[dreg:$0x1] =	wrdreg $0xFFFFFFFF  }
0xaf: {  	[dreg:$0x0] =	wrdreg $0x60  }
0xb0: {  	[dreg:$0x2] =	wrdreg s2  }
0xb1: {  	[dreg:$0x3] =	wrdreg s19  }
0xb2: {  	[dreg:$0x4] =	wrdreg s4  }
0xb3: {  	[dreg:$0x5] =	wrdreg $0x9  }
0xb4: {  	_ =	task.clear_ibuf [dreg:s9], $0x6FFFF;
	_ =	strace $0x90000046  }
0xb5: {  	s29 =	simm.s32 $0x9;
	_ =	strace $0x80000048  }
0xb6: {  	_ =	swait.ge [sflag:s29], $0x1  }
0xb7: {  	[sflag:s29] =	ssyncadd.s32 $0xFFFFFFFF  }
0xb8: {  	_ =	strace $0x90000048  }
0xb9: {  	_ =	sfence  }
0xba: {  	s30 =	sld [smem:$0x0];
	_ =	sdelay $0x2  }
0xbb: {  	s31 =	sshll.u32 s1, $0xD;
	s1 =	sshrl.u32 s1, $0x2  }
0xbc: {  	s3 =	sand.u32 $0x4000, s31;
	s1 =	sadd.s32 s1, s30  }
0xbd: {  	s0 =	sor.u32 s3, s0;
	s1 =	sshll.u32 s1, $0x11  }
0xbe: {  	s0 =	sor.u32 s1, s0  }
0xbf: {  	s0 =	sadd.s32 $0x8F2B, s0  }
0xc0: {  	[sflag:s0] =	ssyncadd.remote.s32 $0x1  }
0xc1: {  	_ =	sfence.sel $0xFFFF  }
0xc2: {  	[dreg:$0x0] =	wrdreg $0xFFFFFFFF;
	(pc) =	sbr.abs _section_cstart, $3  }
0xc3: {  	[dreg:$0x1] =	wrdreg $0xFFFFFFFF  }
0xc4: {  	_ =	task.clear_ibuf [dreg:s9], $0x2FFFF;
	_ =	strace $0x9FFFFFFF  }
0xc5: {  	(tm) =	ssettm $0x7FFFFFFF  }
tec
execute0_lowered:
.L_overlay_start_1:
0x0: {  	(tag) =	ssettag $0x1  }
0x1: {  	s1 =	rddreg [dreg:$0x0];
	s0 =	srdreg.scid  }
0x2: {  	s4 =	rddreg [dreg:$0x1];
	s2 =	stileid.u32  }
0x3: {  	s3 =	rddreg [dreg:$0x2];
	s31 =	simm.s32 $0xD000;
	s29 =	simm.s32 $0xE000  }
0x4: {  	p0 =	por $0x0, $0x0;
	s28 =	simm.s32 $0x2;
	s7 =	sand.u32 $0x1, s0  }
0x5: {  	s20 =	sshll.u32 s2, $0x7;
	s2 =	simm.s32 $0x0;
	s5 =	sshll.u32 s7, $0x6  }
0x6: {  	s30 =	simm.s32 $0x6;
	[smem:$0x7FF] =	sst s2;
	s5 =	sor.u32 s5, s20  }
0x7: {  	s7 =	ssub.s32 $0x2, s7;
	_ =	strace $0x80000047;
	s0 =	sshll.u32 s5, $0x9  }
0x8: {  	s8 =	sshll.u32 s5, $0x7;
	s11 =	sor.u32 $0x8, s5;
	s25 =	sor.u32 $0xC, s5  }
0x9: {  	s14 =	sor.u32 $0x10, s5;
	s19 =	sor.u32 $0x14, s5;
	s6 =	sadd.s32 s1, s0  }
0xa: {  	s21 =	sadd.s32 s4, s8;
	s9 =	sor.u32 $0x800, s0;
	[dreg:$0x4] =	wrdreg s6  }
0xb: {  	s22 =	sshll.u32 s11, $0x9;
	s0 =	sadd.s32 s3, s0;
	[dreg:$0x5] =	wrdreg s21  }
0xc: {  	s11 =	sshll.u32 s11, $0x7;
	s10 =	sadd.s32 s1, s9;
	[dreg:$0xa] =	wrdreg s0  }
0xd: {  	s26 =	sshll.u32 s25, $0x9;
	s23 =	sadd.s32 s1, s22;
	[dreg:$0x6] =	wrdreg s10  }
0xe: {  	s16 =	sshll.u32 s14, $0x9;
	s24 =	sadd.s32 s4, s11;
	[dreg:$0x8] =	wrdreg s23  }
0xf: {  	s6 =	sadd.s32 $0x40, s4;
	s12 =	sadd.s32 s1, s26;
	[dreg:$0x9] =	wrdreg s24  }
0x10: {  	s15 =	sadd.s32 s3, s9;
	s17 =	sadd.s32 s1, s16;
	[dreg:$0xb] =	wrdreg s12  }
0x11: {  	s20 =	sadd.s32 s3, s22;
	s21 =	sshll.u32 s19, $0x9;
	[dreg:$0xd] =	wrdreg s15  }
0x12: {  	s0 =	sshll.u32 s19, $0x7;
	s11 =	simm.s32 $0x4000;
	[dreg:$0xe] =	wrdreg s17  }
0x13: {  	s8 =	sadd.s32 s8, s6;
	[dreg:$0x10] =	wrdreg s20;
	s22 =	sadd.s32 s1, s21  }
0x14: {  	s0 =	sand.u32 $0x3E800, s0;
	s23 =	sor.u32 $0x18, s5;
	s24 =	sadd.s32 s3, s26  }
0x15: {  	s17 =	sor.u32 $0x20, s5;
	[dreg:$0x7] =	wrdreg s8;
	s8 =	sshll.u32 s25, $0x7  }
0x16: {  	[dreg:$0x11] =	wrdreg s22;
	s0 =	sadd.s32 s0, s6;
	s25 =	sshll.u32 s23, $0x9  }
0x17: {  	[dreg:$0x13] =	wrdreg s24;
	s19 =	sshll.u32 s17, $0x9;
	s22 =	sor.u32 $0x24, s5  }
0x18: {  	s8 =	sand.u32 $0x3E400, s8;
	[dreg:$0x12] =	wrdreg s0;
	s26 =	sadd.s32 s1, s25  }
0x19: {  	s20 =	sadd.s32 s1, s19;
	s24 =	sshll.u32 s22, $0x9;
	s13 =	sadd.s32 s8, s6  }
0x1a: {  	s8 =	sshll.u32 s14, $0x7;
	[dreg:$0x14] =	wrdreg s26;
	s14 =	sadd.s32 s3, s16  }
0x1b: {  	[dreg:$0x1a] =	wrdreg s20;
	s26 =	sor.u32 $0x28, s5;
	s20 =	sor.u32 $0x30, s5  }
0x1c: {  	[dreg:$0xc] =	wrdreg s13;
	s18 =	sadd.s32 s4, s8;
	s8 =	sshll.u32 s23, $0x7  }
0x1d: {  	s13 =	sor.u32 $0x1C, s5;
	[dreg:$0x16] =	wrdreg s14;
	s23 =	sadd.s32 s3, s25  }
0x1e: {  	s25 =	sadd.s32 s1, s24;
	[dreg:$0xf] =	wrdreg s18;
	s12 =	sadd.s32 s4, s8  }
0x1f: {  	s15 =	sshll.u32 s13, $0x9;
	s0 =	sshll.u32 s13, $0x7;
	[dreg:$0x1c] =	wrdreg s23  }
0x20: {  	s18 =	sadd.s32 s3, s21;
	s8 =	sshll.u32 s17, $0x7;
	[dreg:$0x1d] =	wrdreg s25  }
0x21: {  	s13 =	sshll.u32 s26, $0x9;
	s17 =	sadd.s32 s3, s19;
	[dreg:$0x15] =	wrdreg s12  }
0x22: {  	s25 =	sor.u32 $0x34, s5;
	s16 =	sadd.s32 s1, s15;
	[dreg:$0x19] =	wrdreg s18  }
0x23: {  	s0 =	sand.u32 $0x3EC00, s0;
	s21 =	sadd.s32 s4, s8;
	[smem:$0x7F9] =	sst s17  }
0x24: {  	s12 =	sadd.s32 s3, s15;
	s14 =	sadd.s32 s1, s13;
	[dreg:$0x17] =	wrdreg s16  }
0x25: {  	s8 =	sshll.u32 s26, $0x7;
	s23 =	sadd.s32 s3, s13;
	[dreg:$0x1b] =	wrdreg s21  }
0x26: {  	s26 =	sshll.u32 s25, $0x9;
	s0 =	sadd.s32 s0, s6;
	[dreg:$0x1f] =	wrdreg s12  }
0x27: {  	s12 =	sshrl.u32 s7, $0x1;
	[smem:$0x7F7] =	sst s14;
	s15 =	sadd.s32 s4, s8  }
0x28: {  	s16 =	sor.u32 $0x2C, s5;
	s21 =	sadd.s32 s3, s24;
	s8 =	sshll.u32 s20, $0x7  }
0x29: {  	s14 =	sor.u32 $0x38, s5;
	s5 =	sor.u32 $0x3C, s5;
	s10 =	sadd.s32 s3, s26  }
0x2a: {  	[dreg:$0x18] =	wrdreg s0;
	s0 =	sshll.u32 s22, $0x7;
	s7 =	ssub.s32 s7, s12  }
0x2b: {  	[smem:$0x7F8] =	sst s15;
	s18 =	sshll.u32 s16, $0x9;
	s22 =	sshll.u32 s20, $0x9  }
0x2c: {  	[smem:$0x7FC] =	sst s21;
	s17 =	sadd.s32 s4, s8;
	s9 =	sshll.u32 s14, $0x7  }
0x2d: {  	s20 =	sshll.u32 s5, $0x9;
	s21 =	sshll.u32 s5, $0x7;
	s8 =	simm.s32 $0x1  }
0x2e: {  	s5 =	simm.s32 $0x8;
	s0 =	sand.u32 $0x3F000, s0;
	s19 =	sadd.s32 s1, s18  }
0x2f: {  	s24 =	sadd.s32 s1, s22;
	s15 =	sadd.s32 s3, s18;
	s18 =	sshll.u32 s14, $0x9  }
0x30: {  	s12 =	sadd.s32 s3, s22;
	s13 =	sadd.s32 s1, s20;
	s22 =	sand.u32 $0x3FC00, s21  }
0x31: {  	s21 =	simm.s32 $0x3;
	s0 =	sadd.s32 s0, s6;
	[smem:$0x7FA] =	sst s19  }
0x32: {  	[smem:$0x7FD] =	sst s24;
	s24 =	sadd.s32 s1, s26;
	s19 =	sadd.s32 s4, s9  }
0x33: {  	s14 =	sadd.s32 s22, s6;
	s4 =	sadd.s32 s3, s18;
	s3 =	sadd.s32 s3, s20  }
0x34: {  	s26 =	smax.u32 s7, $0x1;
	s20 =	simm.s32 $0x400;
	s22 =	simm.s32 $0xC000  }
0x35: {  	[dreg:$0x1e] =	wrdreg s0;
	s0 =	sshll.u32 s16, $0x7;
	p1 =	sne.s32 s26, $0x1  }
.Ltmp0:
0x36: {  	s9 =	simm.s32 $0x8000;
	s0 =	sand.u32 $0x3F400, s0;
	(pc) =	sbr.rel @!p1 .LBB2_3-.Ltmp0, $4  }
0x37: {  	s7 =	simm.s32 $0x7;
	s16 =	sadd.s32 s1, s18;
	s0 =	sadd.s32 s0, s6  }
0x38: {  	s18 =	simm.s32 $0x200;
	[smem:$0x7FB] =	sst s0;
	s0 =	sshll.u32 s25, $0x7  }
0x39: {  	s1 =	sadd.s32 $0xFFFFFFFF, s26;
	s26 =	simm.s32 $0x5;
	s0 =	sand.u32 $0x3F800, s0  }
0x3a: {  	s25 =	sadd.s32 s0, s6;
	s6 =	simm.s32 $0x4;
	s0 =	rddreg [dreg:$0x4]  }
0x3b: {  	[smem:$0x7F5] =	sst s1  }
0x3c: {  	[tilespmem:s2], [sflag:$0x1] =	stream.linear.gather [hbm4b:s0+s2], $0x4000, $0x38;
	[tilespmem:$0xF000] =	vst v63  }
0x3d: {  	s1 =	rddreg [dreg:$0x5]  }
0x3e: {  	[tilespmem:s22], [sflag:$0x4] =	stream.strided.gather [hbm4b:s1+s18], $0x1000, s20, s18, $0x38;
	[tilespmem:$0xF000] =	vst v63  }
0x3f: {  	s0 =	rddreg [dreg:$0x6]  }
0x40: {  	[tilespmem:s11], [sflag:$0x2] =	stream.linear.gather [hbm4b:s0+s2], $0x4000, $0x38;
	[tilespmem:$0xF000] =	vst v63  }
0x41: {  	s1 =	rddreg [dreg:$0x7]  }
0x42: {  	[tilespmem:s31], [sflag:$0x5] =	stream.strided.gather [hbm4b:s1+s18], $0x1000, s20, s18, $0x38;
	[tilespmem:$0xF000] =	vst v63  }
0x43: {  	s0 =	rddreg [dreg:$0x8]  }
0x44: {  	[tilespmem:s9], [sflag:$0x3] =	stream.linear.gather [hbm4b:s0+s2], $0x4000, $0x38;
	[tilespmem:$0xF000] =	vst v63  }
0x45: {  	s1 =	rddreg [dreg:$0x9]  }
0x46: {  	[tilespmem:s29], [sflag:$0x6] =	stream.strided.gather [hbm4b:s1+s18], $0x1000, s20, s18, $0x38;
	[tilespmem:$0xF000] =	vst v63  }
0x47: {  	_ =	swait.ge [sflag:s8], $0x4000  }
0x48: {  	[sflag:s8] =	ssyncset.done $0x0  }
0x49: {  	[sflag:s8] =	ssyncadd.s32 $0xFFFFC000  }
0x4a: {  	_ =	swait.ge [sflag:s6], $0x1000  }
0x4b: {  	[sflag:s6] =	ssyncset.done $0x0  }
0x4c: {  	s0 =	rddreg [dreg:$0xa];
	[sflag:s6] =	ssyncadd.s32 $0xFFFFF000  }
0x4d: {  	[hbm4b:s0+s2] =	stream.linear.scatter [tilespmem:s2], [sflag:$0x7], $0x4000, $0x38;
	[tilespmem:$0xF000] =	vst v63  }
0x4e: {  	s1 =	rddreg [dreg:$0xb]  }
0x4f: {  	[tilespmem:s2], [sflag:$0x1] =	stream.linear.gather [hbm4b:s1+s2], $0x4000, $0x38;
	[tilespmem:$0xF000] =	vst v63  }
0x50: {  	s0 =	rddreg [dreg:$0xc]  }
0x51: {  	[tilespmem:s22], [sflag:$0x4] =	stream.strided.gather [hbm4b:s0+s18], $0x1000, s20, s18, $0x38;
	[tilespmem:$0xF000] =	vst v63  }
0x52: {  	_ =	swait.ge [sflag:s28], $0x4000  }
0x53: {  	[sflag:s28] =	ssyncset.done $0x0  }
0x54: {  	[sflag:s28] =	ssyncadd.s32 $0xFFFFC000  }
0x55: {  	_ =	swait.ge [sflag:s26], $0x1000  }
0x56: {  	[sflag:s26] =	ssyncset.done $0x0  }
0x57: {  	s0 =	rddreg [dreg:$0xd];
	[sflag:s26] =	ssyncadd.s32 $0xFFFFF000  }
0x58: {  	[hbm4b:s0+s2] =	stream.linear.scatter [tilespmem:s11], [sflag:$0x8], $0x4000, $0x38;
	[tilespmem:$0xF000] =	vst v63  }
0x59: {  	s1 =	rddreg [dreg:$0xe]  }
0x5a: {  	[tilespmem:s11], [sflag:$0x2] =	stream.linear.gather [hbm4b:s1+s2], $0x4000, $0x38;
	[tilespmem:$0xF000] =	vst v63  }
0x5b: {  	s0 =	rddreg [dreg:$0xf]  }
0x5c: {  	[tilespmem:s31], [sflag:$0x5] =	stream.strided.gather [hbm4b:s0+s18], $0x1000, s20, s18, $0x38;
	[tilespmem:$0xF000] =	vst v63  }
0x5d: {  	_ =	swait.ge [sflag:s21], $0x4000  }
0x5e: {  	[sflag:s21] =	ssyncset.done $0x0  }
0x5f: {  	[sflag:s21] =	ssyncadd.s32 $0xFFFFC000  }
0x60: {  	_ =	swait.ge [sflag:s30], $0x1000  }
0x61: {  	[sflag:s30] =	ssyncset.done $0x0  }
0x62: {  	[sflag:s30] =	ssyncadd.s32 $0xFFFFF000  }
0x63: {  	_ =	swait.ge [sflag:s7], $0x4000  }
0x64: {  	[sflag:s7] =	ssyncset.done $0x0  }
0x65: {  	s0 =	rddreg [dreg:$0x10];
	[sflag:s7] =	ssyncadd.s32 $0xFFFFC000  }
0x66: {  	[hbm4b:s0+s2] =	stream.linear.scatter [tilespmem:s9], [sflag:$0x7], $0x4000, $0x38;
	[tilespmem:$0xF000] =	vst v63  }
0x67: {  	s1 =	rddreg [dreg:$0x11]  }
0x68: {  	[tilespmem:s9], [sflag:$0x3] =	stream.linear.gather [hbm4b:s1+s2], $0x4000, $0x38;
	[tilespmem:$0xF000] =	vst v63  }
0x69: {  	s0 =	rddreg [dreg:$0x12]  }
0x6a: {  	[tilespmem:s29], [sflag:$0x6] =	stream.strided.gather [hbm4b:s0+s18], $0x1000, s20, s18, $0x38;
	[tilespmem:$0xF000] =	vst v63  }
0x6b: {  	_ =	swait.ge [sflag:s8], $0x4000  }
0x6c: {  	[sflag:s8] =	ssyncset.done $0x0  }
0x6d: {  	[sflag:s8] =	ssyncadd.s32 $0xFFFFC000  }
0x6e: {  	_ =	swait.ge [sflag:s6], $0x1000  }
0x6f: {  	[sflag:s6] =	ssyncset.done $0x0  }
0x70: {  	[sflag:s6] =	ssyncadd.s32 $0xFFFFF000  }
0x71: {  	_ =	swait.ge [sflag:s5], $0x4000  }
0x72: {  	[sflag:s5] =	ssyncset.done $0x0  }
0x73: {  	s0 =	rddreg [dreg:$0x13];
	[sflag:s5] =	ssyncadd.s32 $0xFFFFC000  }
0x74: {  	[hbm4b:s0+s2] =	stream.linear.scatter [tilespmem:s2], [sflag:$0x8], $0x4000, $0x38;
	[tilespmem:$0xF000] =	vst v63  }
0x75: {  	s1 =	rddreg [dreg:$0x14]  }
0x76: {  	[tilespmem:s2], [sflag:$0x1] =	stream.linear.gather [hbm4b:s1+s2], $0x4000, $0x38;
	[tilespmem:$0xF000] =	vst v63  }
0x77: {  	s0 =	rddreg [dreg:$0x15]  }
0x78: {  	[tilespmem:s22], [sflag:$0x4] =	stream.strided.gather [hbm4b:s0+s18], $0x1000, s20, s18, $0x38;
	[tilespmem:$0xF000] =	vst v63  }
0x79: {  	_ =	swait.ge [sflag:s28], $0x4000  }
0x7a: {  	[sflag:s28] =	ssyncset.done $0x0  }
0x7b: {  	[sflag:s28] =	ssyncadd.s32 $0xFFFFC000  }
0x7c: {  	_ =	swait.ge [sflag:s26], $0x1000  }
0x7d: {  	[sflag:s26] =	ssyncset.done $0x0  }
0x7e: {  	[sflag:s26] =	ssyncadd.s32 $0xFFFFF000  }
0x7f: {  	_ =	swait.ge [sflag:s7], $0x4000  }
0x80: {  	[sflag:s7] =	ssyncset.done $0x0  }
0x81: {  	s0 =	rddreg [dreg:$0x16];
	[sflag:s7] =	ssyncadd.s32 $0xFFFFC000  }
0x82: {  	[hbm4b:s0+s2] =	stream.linear.scatter [tilespmem:s11], [sflag:$0x7], $0x4000, $0x38;
	[tilespmem:$0xF000] =	vst v63  }
0x83: {  	s1 =	rddreg [dreg:$0x17]  }
0x84: {  	[tilespmem:s11], [sflag:$0x2] =	stream.linear.gather [hbm4b:s1+s2], $0x4000, $0x38;
	[tilespmem:$0xF000] =	vst v63  }
0x85: {  	s0 =	rddreg [dreg:$0x18]  }
0x86: {  	[tilespmem:s31], [sflag:$0x5] =	stream.strided.gather [hbm4b:s0+s18], $0x1000, s20, s18, $0x38;
	[tilespmem:$0xF000] =	vst v63  }
0x87: {  	_ =	swait.ge [sflag:s21], $0x4000  }
0x88: {  	[sflag:s21] =	ssyncset.done $0x0  }
0x89: {  	[sflag:s21] =	ssyncadd.s32 $0xFFFFC000  }
0x8a: {  	_ =	swait.ge [sflag:s30], $0x1000  }
0x8b: {  	[sflag:s30] =	ssyncset.done $0x0  }
0x8c: {  	[sflag:s30] =	ssyncadd.s32 $0xFFFFF000  }
0x8d: {  	_ =	swait.ge [sflag:s5], $0x4000  }
0x8e: {  	[sflag:s5] =	ssyncset.done $0x0  }
0x8f: {  	s0 =	rddreg [dreg:$0x19];
	[sflag:s5] =	ssyncadd.s32 $0xFFFFC000  }
0x90: {  	[hbm4b:s0+s2] =	stream.linear.scatter [tilespmem:s9], [sflag:$0x8], $0x4000, $0x38;
	[tilespmem:$0xF000] =	vst v63  }
0x91: {  	s1 =	rddreg [dreg:$0x1a]  }
0x92: {  	[tilespmem:s9], [sflag:$0x3] =	stream.linear.gather [hbm4b:s1+s2], $0x4000, $0x38;
	[tilespmem:$0xF000] =	vst v63  }
0x93: {  	s0 =	rddreg [dreg:$0x1b]  }
0x94: {  	[tilespmem:s29], [sflag:$0x6] =	stream.strided.gather [hbm4b:s0+s18], $0x1000, s20, s18, $0x38;
	[tilespmem:$0xF000] =	vst v63  }
0x95: {  	_ =	swait.ge [sflag:s8], $0x4000  }
0x96: {  	[sflag:s8] =	ssyncset.done $0x0  }
0x97: {  	[sflag:s8] =	ssyncadd.s32 $0xFFFFC000  }
0x98: {  	_ =	swait.ge [sflag:s6], $0x1000  }
0x99: {  	[sflag:s6] =	ssyncset.done $0x0  }
0x9a: {  	[sflag:s6] =	ssyncadd.s32 $0xFFFFF000  }
0x9b: {  	_ =	swait.ge [sflag:s7], $0x4000  }
0x9c: {  	[sflag:s7] =	ssyncset.done $0x0  }
0x9d: {  	s0 =	rddreg [dreg:$0x1c];
	[sflag:s7] =	ssyncadd.s32 $0xFFFFC000  }
0x9e: {  	[hbm4b:s0+s2] =	stream.linear.scatter [tilespmem:s2], [sflag:$0x7], $0x4000, $0x38;
	[tilespmem:$0xF000] =	vst v63  }
0x9f: {  	s1 =	rddreg [dreg:$0x1d]  }
0xa0: {  	[tilespmem:s2], [sflag:$0x1] =	stream.linear.gather [hbm4b:s1+s2], $0x4000, $0x38;
	[tilespmem:$0xF000] =	vst v63  }
0xa1: {  	s0 =	rddreg [dreg:$0x1e]  }
0xa2: {  	[tilespmem:s22], [sflag:$0x4] =	stream.strided.gather [hbm4b:s0+s18], $0x1000, s20, s18, $0x38;
	[tilespmem:$0xF000] =	vst v63  }
0xa3: {  	_ =	swait.ge [sflag:s28], $0x4000  }
0xa4: {  	[sflag:s28] =	ssyncset.done $0x0  }
0xa5: {  	[sflag:s28] =	ssyncadd.s32 $0xFFFFC000  }
0xa6: {  	_ =	swait.ge [sflag:s26], $0x1000  }
0xa7: {  	[sflag:s26] =	ssyncset.done $0x0  }
0xa8: {  	[sflag:s26] =	ssyncadd.s32 $0xFFFFF000  }
0xa9: {  	_ =	swait.ge [sflag:s5], $0x4000  }
0xaa: {  	s0 =	rddreg [dreg:$0x1f];
	[sflag:s5] =	ssyncset.done $0x0  }
0xab: {  	s1 =	sld [smem:$0x7F7];
	[sflag:s5] =	ssyncadd.s32 $0xFFFFC000  }
0xac: {  	[hbm4b:s0+s2] =	stream.linear.scatter [tilespmem:s11], [sflag:$0x8], $0x4000, $0x38;
	[tilespmem:$0xF000] =	vst v63  }
0xad: {  	s0 =	sld [smem:$0x7F8]  }
0xae: {  	[tilespmem:s11], [sflag:$0x2] =	stream.linear.gather [hbm4b:s1+s2], $0x4000, $0x38;
	[tilespmem:$0xF000] =	vst v63  }
0xaf: {  	_ = 	snop  }
0xb0: {  	[tilespmem:s31], [sflag:$0x5] =	stream.strided.gather [hbm4b:s0+s18], $0x1000, s20, s18, $0x38;
	[tilespmem:$0xF000] =	vst v63  }
0xb1: {  	_ =	swait.ge [sflag:s21], $0x4000  }
0xb2: {  	[sflag:s21] =	ssyncset.done $0x0  }
0xb3: {  	[sflag:s21] =	ssyncadd.s32 $0xFFFFC000  }
0xb4: {  	_ =	swait.ge [sflag:s30], $0x1000  }
0xb5: {  	[sflag:s30] =	ssyncset.done $0x0  }
0xb6: {  	[sflag:s30] =	ssyncadd.s32 $0xFFFFF000  }
0xb7: {  	_ =	swait.ge [sflag:s7], $0x4000  }
0xb8: {  	s0 =	sld [smem:$0x7F9]  }
0xb9: {  	[sflag:s7] =	ssyncset.done $0x0  }
0xba: {  	s1 =	sld [smem:$0x7FA];
	[sflag:s7] =	ssyncadd.s32 $0xFFFFC000  }
0xbb: {  	[hbm4b:s0+s2] =	stream.linear.scatter [tilespmem:s9], [sflag:$0x7], $0x4000, $0x38;
	[tilespmem:$0xF000] =	vst v63  }
0xbc: {  	s0 =	sld [smem:$0x7FB]  }
0xbd: {  	[tilespmem:s9], [sflag:$0x3] =	stream.linear.gather [hbm4b:s1+s2], $0x4000, $0x38;
	[tilespmem:$0xF000] =	vst v63  }
0xbe: {  	_ = 	snop  }
0xbf: {  	[tilespmem:s29], [sflag:$0x6] =	stream.strided.gather [hbm4b:s0+s18], $0x1000, s20, s18, $0x38;
	[tilespmem:$0xF000] =	vst v63  }
0xc0: {  	_ =	swait.ge [sflag:s8], $0x4000  }
0xc1: {  	[sflag:s8] =	ssyncset.done $0x0  }
0xc2: {  	[sflag:s8] =	ssyncadd.s32 $0xFFFFC000  }
0xc3: {  	_ =	swait.ge [sflag:s6], $0x1000  }
0xc4: {  	[sflag:s6] =	ssyncset.done $0x0  }
0xc5: {  	[sflag:s6] =	ssyncadd.s32 $0xFFFFF000  }
0xc6: {  	_ =	swait.ge [sflag:s5], $0x4000  }
0xc7: {  	s0 =	sld [smem:$0x7FC]  }
0xc8: {  	[sflag:s5] =	ssyncset.done $0x0  }
0xc9: {  	s1 =	sld [smem:$0x7FD];
	[sflag:s5] =	ssyncadd.s32 $0xFFFFC000  }
0xca: {  	[hbm4b:s0+s2] =	stream.linear.scatter [tilespmem:s2], [sflag:$0x8], $0x4000, $0x38;
	[tilespmem:$0xF000] =	vst v63  }
0xcb: {  	_ = 	snop  }
0xcc: {  	[tilespmem:s2], [sflag:$0x1] =	stream.linear.gather [hbm4b:s1+s2], $0x4000, $0x38;
	[tilespmem:$0xF000] =	vst v63  }
0xcd: {  	_ = 	snop  }
0xce: {  	[tilespmem:s22], [sflag:$0x4] =	stream.strided.gather [hbm4b:s17+s18], $0x1000, s20, s18, $0x38;
	[tilespmem:$0xF000] =	vst v63  }
0xcf: {  	_ =	swait.ge [sflag:s28], $0x4000  }
0xd0: {  	[sflag:s28] =	ssyncset.done $0x0  }
0xd1: {  	[sflag:s28] =	ssyncadd.s32 $0xFFFFC000  }
0xd2: {  	_ =	swait.ge [sflag:s26], $0x1000  }
0xd3: {  	[sflag:s26] =	ssyncset.done $0x0  }
0xd4: {  	[sflag:s26] =	ssyncadd.s32 $0xFFFFF000  }
0xd5: {  	_ =	swait.ge [sflag:s7], $0x4000  }
0xd6: {  	[sflag:s7] =	ssyncset.done $0x0  }
0xd7: {  	[sflag:s7] =	ssyncadd.s32 $0xFFFFC000  }
0xd8: {  	[hbm4b:s23+s2] =	stream.linear.scatter [tilespmem:s11], [sflag:$0x7], $0x4000, $0x38;
	[tilespmem:$0xF000] =	vst v63  }
0xd9: {  	_ = 	snop  }
0xda: {  	[tilespmem:s11], [sflag:$0x2] =	stream.linear.gather [hbm4b:s24+s2], $0x4000, $0x38;
	[tilespmem:$0xF000] =	vst v63  }
0xdb: {  	_ = 	snop  }
0xdc: {  	[tilespmem:s31], [sflag:$0x5] =	stream.strided.gather [hbm4b:s25+s18], $0x1000, s20, s18, $0x38;
	[tilespmem:$0xF000] =	vst v63  }
0xdd: {  	_ =	swait.ge [sflag:s21], $0x4000  }
0xde: {  	[sflag:s21] =	ssyncset.done $0x0  }
0xdf: {  	[sflag:s21] =	ssyncadd.s32 $0xFFFFC000  }
0xe0: {  	_ =	swait.ge [sflag:s30], $0x1000  }
0xe1: {  	[sflag:s30] =	ssyncset.done $0x0  }
0xe2: {  	[sflag:s30] =	ssyncadd.s32 $0xFFFFF000  }
0xe3: {  	_ =	swait.ge [sflag:s5], $0x4000  }
0xe4: {  	[sflag:s5] =	ssyncset.done $0x0  }
0xe5: {  	[sflag:s5] =	ssyncadd.s32 $0xFFFFC000  }
0xe6: {  	[hbm4b:s15+s2] =	stream.linear.scatter [tilespmem:s9], [sflag:$0x8], $0x4000, $0x38;
	[tilespmem:$0xF000] =	vst v63  }
0xe7: {  	_ = 	snop  }
0xe8: {  	[tilespmem:s9], [sflag:$0x3] =	stream.linear.gather [hbm4b:s16+s2], $0x4000, $0x38;
	[tilespmem:$0xF000] =	vst v63  }
0xe9: {  	_ = 	snop  }
0xea: {  	[tilespmem:s29], [sflag:$0x6] =	stream.strided.gather [hbm4b:s19+s18], $0x1000, s20, s18, $0x38;
	[tilespmem:$0xF000] =	vst v63  }
0xeb: {  	_ =	swait.ge [sflag:s8], $0x4000  }
0xec: {  	[sflag:s8] =	ssyncset.done $0x0  }
0xed: {  	[sflag:s8] =	ssyncadd.s32 $0xFFFFC000  }
0xee: {  	_ =	swait.ge [sflag:s6], $0x1000  }
0xef: {  	[sflag:s6] =	ssyncset.done $0x0  }
0xf0: {  	[sflag:s6] =	ssyncadd.s32 $0xFFFFF000  }
0xf1: {  	_ =	swait.ge [sflag:s7], $0x4000  }
0xf2: {  	[sflag:s7] =	ssyncset.done $0x0  }
0xf3: {  	[sflag:s7] =	ssyncadd.s32 $0xFFFFC000  }
0xf4: {  	[hbm4b:s12+s2] =	stream.linear.scatter [tilespmem:s2], [sflag:$0x7], $0x4000, $0x38;
	[tilespmem:$0xF000] =	vst v63  }
0xf5: {  	_ = 	snop  }
0xf6: {  	[tilespmem:s2], [sflag:$0x1] =	stream.linear.gather [hbm4b:s13+s2], $0x4000, $0x38;
	[tilespmem:$0xF000] =	vst v63  }
0xf7: {  	_ = 	snop  }
0xf8: {  	[tilespmem:s22], [sflag:$0x4] =	stream.strided.gather [hbm4b:s14+s18], $0x1000, s20, s18, $0x38;
	[tilespmem:$0xF000] =	vst v63  }
0xf9: {  	_ =	swait.ge [sflag:s28], $0x4000  }
0xfa: {  	[sflag:s28] =	ssyncset.done $0x0  }
0xfb: {  	[sflag:s28] =	ssyncadd.s32 $0xFFFFC000  }
0xfc: {  	_ =	swait.ge [sflag:s26], $0x1000  }
0xfd: {  	[sflag:s26] =	ssyncset.done $0x0  }
0xfe: {  	[sflag:s26] =	ssyncadd.s32 $0xFFFFF000  }
0xff: {  	_ =	swait.ge [sflag:s5], $0x4000  }
0x100: {  	[sflag:s5] =	ssyncset.done $0x0  }
0x101: {  	[sflag:s5] =	ssyncadd.s32 $0xFFFFC000  }
0x102: {  	[hbm4b:s10+s2] =	stream.linear.scatter [tilespmem:s11], [sflag:$0x8], $0x4000, $0x38;
	[tilespmem:$0xF000] =	vst v63  }
0x103: {  	_ =	swait.ge [sflag:s21], $0x4000  }
0x104: {  	[sflag:s21] =	ssyncset.done $0x0  }
0x105: {  	[sflag:s21] =	ssyncadd.s32 $0xFFFFC000  }
0x106: {  	_ =	swait.ge [sflag:s30], $0x1000  }
0x107: {  	[sflag:s30] =	ssyncset.done $0x0  }
0x108: {  	[sflag:s30] =	ssyncadd.s32 $0xFFFFF000  }
0x109: {  	_ =	swait.ge [sflag:s7], $0x4000  }
0x10a: {  	[sflag:s7] =	ssyncset.done $0x0  }
0x10b: {  	[sflag:s7] =	ssyncadd.s32 $0xFFFFC000  }
0x10c: {  	[hbm4b:s4+s2] =	stream.linear.scatter [tilespmem:s9], [sflag:$0x7], $0x4000, $0x38;
	[tilespmem:$0xF000] =	vst v63  }
0x10d: {  	_ =	swait.ge [sflag:s8], $0x4000  }
0x10e: {  	[sflag:s8] =	ssyncset.done $0x0  }
0x10f: {  	[sflag:s8] =	ssyncadd.s32 $0xFFFFC000  }
0x110: {  	_ =	swait.ge [sflag:s6], $0x1000  }
0x111: {  	[sflag:s6] =	ssyncset.done $0x0  }
0x112: {  	[sflag:s6] =	ssyncadd.s32 $0xFFFFF000  }
0x113: {  	_ =	swait.ge [sflag:s5], $0x4000  }
0x114: {  	[sflag:s5] =	ssyncset.done $0x0  }
0x115: {  	[sflag:s5] =	ssyncadd.s32 $0xFFFFC000  }
0x116: {  	[hbm4b:s3+s2] =	stream.linear.scatter [tilespmem:s2], [sflag:$0x8], $0x4000, $0x38;
	[tilespmem:$0xF000] =	vst v63  }
0x117: {  	_ =	swait.ge [sflag:s7], $0x4000  }
0x118: {  	s1 =	sld [smem:$0x7F5];
	_ =	sdelay $0x2  }
0x119: {  	p1 =	sne.s32 s1, $0x1  }
.Ltmp1:
0x11a: {  	[sflag:s7] =	ssyncset.done $0x0;
	(pc) =	sbr.rel @!p1 .LBB2_3-.Ltmp1, $4  }
0x11b: {  	[sflag:s7] =	ssyncadd.s32 $0xFFFFC000  }
0x11c: {  	_ =	swait.ge [sflag:s5], $0x4000  }
0x11d: {  	p0 =	por $0x1, $0x1;
	s0 =	rddreg [dreg:$0x4]  }
0x11e: {  	s1 =	sadd.s32 $0xFFFFFFFF, s1;
	[sflag:s5] =	ssyncset.done $0x0;
	[smem:$0x7F6] =	sst s17  }
.LBB2_2:
0x11f: {  	[sflag:s5] =	ssyncadd.s32 $0xFFFFC000;
	s9 =	simm.s32 $0xC000;
	s29 =	smov.u32 s25  }
0x120: {  	s25 =	smov.u32 s24;
	s24 =	smov.u32 s23;
	s23 =	smov.u32 s19  }
0x121: {  	s19 =	smov.u32 s16;
	s16 =	smov.u32 s15;
	s15 =	smov.u32 s14  }
0x122: {  	s14 =	smov.u32 s13;
	s13 =	smov.u32 s12;
	s12 =	smov.u32 s10  }
0x123: {  	[tilespmem:s2], [sflag:$0x1] =	stream.linear.gather [hbm4b:s0+s2], $0x4000, $0x38;
	[tilespmem:$0xF000] =	vst v63  }
0x124: {  	s10 =	smov.u32 s4;
	s4 =	smov.u32 s3;
	s3 =	rddreg [dreg:$0x5]  }
0x125: {  	[tilespmem:s9], [sflag:$0x4] =	stream.strided.gather [hbm4b:s3+s18], $0x1000, s20, s18, $0x38;
	[tilespmem:$0xF000] =	vst v63  }
0x126: {  	s17 =	simm.s32 $0x4000;
	s0 =	rddreg [dreg:$0x6]  }
0x127: {  	[tilespmem:s17], [sflag:$0x2] =	stream.linear.gather [hbm4b:s0+s2], $0x4000, $0x38;
	[tilespmem:$0xF000] =	vst v63  }
0x128: {  	s22 =	simm.s32 $0xD000;
	s3 =	rddreg [dreg:$0x7]  }
0x129: {  	[tilespmem:s22], [sflag:$0x5] =	stream.strided.gather [hbm4b:s3+s18], $0x1000, s20, s18, $0x38;
	[tilespmem:$0xF000] =	vst v63  }
0x12a: {  	s11 =	simm.s32 $0x8000;
	s0 =	rddreg [dreg:$0x8]  }
0x12b: {  	[tilespmem:s11], [sflag:$0x3] =	stream.linear.gather [hbm4b:s0+s2], $0x4000, $0x38;
	[tilespmem:$0xF000] =	vst v63  }
0x12c: {  	s31 =	simm.s32 $0xE000;
	s3 =	rddreg [dreg:$0x9]  }
0x12d: {  	[tilespmem:s31], [sflag:$0x6] =	stream.strided.gather [hbm4b:s3+s18], $0x1000, s20, s18, $0x38;
	[tilespmem:$0xF000] =	vst v63  }
0x12e: {  	_ =	swait.ge [sflag:s8], $0x4000  }
0x12f: {  	[sflag:s8] =	ssyncset.done $0x0  }
0x130: {  	[sflag:s8] =	ssyncadd.s32 $0xFFFFC000  }
0x131: {  	_ =	swait.ge [sflag:s6], $0x1000  }
0x132: {  	[sflag:s6] =	ssyncset.done $0x0  }
0x133: {  	s0 =	rddreg [dreg:$0xa];
	[sflag:s6] =	ssyncadd.s32 $0xFFFFF000  }
0x134: {  	[hbm4b:s0+s2] =	stream.linear.scatter [tilespmem:s2], [sflag:$0x7], $0x4000, $0x38;
	[tilespmem:$0xF000] =	vst v63  }
0x135: {  	s3 =	rddreg [dreg:$0xb]  }
0x136: {  	[tilespmem:s2], [sflag:$0x1] =	stream.linear.gather [hbm4b:s3+s2], $0x4000, $0x38;
	[tilespmem:$0xF000] =	vst v63  }
0x137: {  	s0 =	rddreg [dreg:$0xc]  }
0x138: {  	[tilespmem:s9], [sflag:$0x4] =	stream.strided.gather [hbm4b:s0+s18], $0x1000, s20, s18, $0x38;
	[tilespmem:$0xF000] =	vst v63  }
0x139: {  	_ =	swait.ge [sflag:s28], $0x4000  }
0x13a: {  	[sflag:s28] =	ssyncset.done $0x0  }
0x13b: {  	[sflag:s28] =	ssyncadd.s32 $0xFFFFC000  }
0x13c: {  	_ =	swait.ge [sflag:s26], $0x1000  }
0x13d: {  	[sflag:s26] =	ssyncset.done $0x0  }
0x13e: {  	s0 =	rddreg [dreg:$0xd];
	[sflag:s26] =	ssyncadd.s32 $0xFFFFF000  }
0x13f: {  	[hbm4b:s0+s2] =	stream.linear.scatter [tilespmem:s17], [sflag:$0x8], $0x4000, $0x38;
	[tilespmem:$0xF000] =	vst v63  }
0x140: {  	s3 =	rddreg [dreg:$0xe]  }
0x141: {  	[tilespmem:s17], [sflag:$0x2] =	stream.linear.gather [hbm4b:s3+s2], $0x4000, $0x38;
	[tilespmem:$0xF000] =	vst v63  }
0x142: {  	s0 =	rddreg [dreg:$0xf]  }
0x143: {  	[tilespmem:s22], [sflag:$0x5] =	stream.strided.gather [hbm4b:s0+s18], $0x1000, s20, s18, $0x38;
	[tilespmem:$0xF000] =	vst v63  }
0x144: {  	_ =	swait.ge [sflag:s21], $0x4000  }
0x145: {  	[sflag:s21] =	ssyncset.done $0x0  }
0x146: {  	[sflag:s21] =	ssyncadd.s32 $0xFFFFC000  }
0x147: {  	_ =	swait.ge [sflag:s30], $0x1000  }
0x148: {  	[sflag:s30] =	ssyncset.done $0x0  }
0x149: {  	[sflag:s30] =	ssyncadd.s32 $0xFFFFF000  }
0x14a: {  	_ =	swait.ge [sflag:s7], $0x4000  }
0x14b: {  	[sflag:s7] =	ssyncset.done $0x0  }
0x14c: {  	s0 =	rddreg [dreg:$0x10];
	[sflag:s7] =	ssyncadd.s32 $0xFFFFC000  }
0x14d: {  	[hbm4b:s0+s2] =	stream.linear.scatter [tilespmem:s11], [sflag:$0x7], $0x4000, $0x38;
	[tilespmem:$0xF000] =	vst v63  }
0x14e: {  	s3 =	rddreg [dreg:$0x11]  }
0x14f: {  	[tilespmem:s11], [sflag:$0x3] =	stream.linear.gather [hbm4b:s3+s2], $0x4000, $0x38;
	[tilespmem:$0xF000] =	vst v63  }
0x150: {  	s0 =	rddreg [dreg:$0x12]  }
0x151: {  	[tilespmem:s31], [sflag:$0x6] =	stream.strided.gather [hbm4b:s0+s18], $0x1000, s20, s18, $0x38;
	[tilespmem:$0xF000] =	vst v63  }
0x152: {  	_ =	swait.ge [sflag:s8], $0x4000  }
0x153: {  	[sflag:s8] =	ssyncset.done $0x0  }
0x154: {  	[sflag:s8] =	ssyncadd.s32 $0xFFFFC000  }
0x155: {  	_ =	swait.ge [sflag:s6], $0x1000  }
0x156: {  	[sflag:s6] =	ssyncset.done $0x0  }
0x157: {  	[sflag:s6] =	ssyncadd.s32 $0xFFFFF000  }
0x158: {  	_ =	swait.ge [sflag:s5], $0x4000  }
0x159: {  	[sflag:s5] =	ssyncset.done $0x0  }
0x15a: {  	s0 =	rddreg [dreg:$0x13];
	[sflag:s5] =	ssyncadd.s32 $0xFFFFC000  }
0x15b: {  	[hbm4b:s0+s2] =	stream.linear.scatter [tilespmem:s2], [sflag:$0x8], $0x4000, $0x38;
	[tilespmem:$0xF000] =	vst v63  }
0x15c: {  	s3 =	rddreg [dreg:$0x14]  }
0x15d: {  	[tilespmem:s2], [sflag:$0x1] =	stream.linear.gather [hbm4b:s3+s2], $0x4000, $0x38;
	[tilespmem:$0xF000] =	vst v63  }
0x15e: {  	s0 =	rddreg [dreg:$0x15]  }
0x15f: {  	[tilespmem:s9], [sflag:$0x4] =	stream.strided.gather [hbm4b:s0+s18], $0x1000, s20, s18, $0x38;
	[tilespmem:$0xF000] =	vst v63  }
0x160: {  	_ =	swait.ge [sflag:s28], $0x4000  }
0x161: {  	[sflag:s28] =	ssyncset.done $0x0  }
0x162: {  	[sflag:s28] =	ssyncadd.s32 $0xFFFFC000  }
0x163: {  	_ =	swait.ge [sflag:s26], $0x1000  }
0x164: {  	[sflag:s26] =	ssyncset.done $0x0  }
0x165: {  	[sflag:s26] =	ssyncadd.s32 $0xFFFFF000  }
0x166: {  	_ =	swait.ge [sflag:s7], $0x4000  }
0x167: {  	[sflag:s7] =	ssyncset.done $0x0  }
0x168: {  	s0 =	rddreg [dreg:$0x16];
	[sflag:s7] =	ssyncadd.s32 $0xFFFFC000  }
0x169: {  	[hbm4b:s0+s2] =	stream.linear.scatter [tilespmem:s17], [sflag:$0x7], $0x4000, $0x38;
	[tilespmem:$0xF000] =	vst v63  }
0x16a: {  	s3 =	rddreg [dreg:$0x17]  }
0x16b: {  	[tilespmem:s17], [sflag:$0x2] =	stream.linear.gather [hbm4b:s3+s2], $0x4000, $0x38;
	[tilespmem:$0xF000] =	vst v63  }
0x16c: {  	s0 =	rddreg [dreg:$0x18]  }
0x16d: {  	[tilespmem:s22], [sflag:$0x5] =	stream.strided.gather [hbm4b:s0+s18], $0x1000, s20, s18, $0x38;
	[tilespmem:$0xF000] =	vst v63  }
0x16e: {  	_ =	swait.ge [sflag:s21], $0x4000  }
0x16f: {  	[sflag:s21] =	ssyncset.done $0x0  }
0x170: {  	[sflag:s21] =	ssyncadd.s32 $0xFFFFC000  }
0x171: {  	_ =	swait.ge [sflag:s30], $0x1000  }
0x172: {  	[sflag:s30] =	ssyncset.done $0x0  }
0x173: {  	[sflag:s30] =	ssyncadd.s32 $0xFFFFF000  }
0x174: {  	_ =	swait.ge [sflag:s5], $0x4000  }
0x175: {  	[sflag:s5] =	ssyncset.done $0x0  }
0x176: {  	s17 =	rddreg [dreg:$0x19];
	[sflag:s5] =	ssyncadd.s32 $0xFFFFC000  }
0x177: {  	[hbm4b:s17+s2] =	stream.linear.scatter [tilespmem:s11], [sflag:$0x8], $0x4000, $0x38;
	[tilespmem:$0xF000] =	vst v63  }
0x178: {  	s3 =	rddreg [dreg:$0x1a]  }
0x179: {  	[tilespmem:s11], [sflag:$0x3] =	stream.linear.gather [hbm4b:s3+s2], $0x4000, $0x38;
	[tilespmem:$0xF000] =	vst v63  }
0x17a: {  	s17 =	rddreg [dreg:$0x1b]  }
0x17b: {  	[tilespmem:s31], [sflag:$0x6] =	stream.strided.gather [hbm4b:s17+s18], $0x1000, s20, s18, $0x38;
	[tilespmem:$0xF000] =	vst v63  }
0x17c: {  	_ =	swait.ge [sflag:s8], $0x4000  }
0x17d: {  	[sflag:s8] =	ssyncset.done $0x0  }
0x17e: {  	[sflag:s8] =	ssyncadd.s32 $0xFFFFC000  }
0x17f: {  	_ =	swait.ge [sflag:s6], $0x1000  }
0x180: {  	[sflag:s6] =	ssyncset.done $0x0  }
0x181: {  	[sflag:s6] =	ssyncadd.s32 $0xFFFFF000  }
0x182: {  	_ =	swait.ge [sflag:s7], $0x4000  }
0x183: {  	[sflag:s7] =	ssyncset.done $0x0  }
0x184: {  	s17 =	rddreg [dreg:$0x1c];
	[sflag:s7] =	ssyncadd.s32 $0xFFFFC000  }
0x185: {  	[hbm4b:s17+s2] =	stream.linear.scatter [tilespmem:s2], [sflag:$0x7], $0x4000, $0x38;
	[tilespmem:$0xF000] =	vst v63  }
0x186: {  	s3 =	rddreg [dreg:$0x1d]  }
0x187: {  	[tilespmem:s2], [sflag:$0x1] =	stream.linear.gather [hbm4b:s3+s2], $0x4000, $0x38;
	[tilespmem:$0xF000] =	vst v63  }
0x188: {  	s17 =	rddreg [dreg:$0x1e]  }
0x189: {  	[tilespmem:s9], [sflag:$0x4] =	stream.strided.gather [hbm4b:s17+s18], $0x1000, s20, s18, $0x38;
	[tilespmem:$0xF000] =	vst v63  }
0x18a: {  	_ =	swait.ge [sflag:s28], $0x4000  }
0x18b: {  	[sflag:s28] =	ssyncset.done $0x0  }
0x18c: {  	[sflag:s28] =	ssyncadd.s32 $0xFFFFC000  }
0x18d: {  	_ =	swait.ge [sflag:s26], $0x1000  }
0x18e: {  	[sflag:s26] =	ssyncset.done $0x0  }
0x18f: {  	[sflag:s26] =	ssyncadd.s32 $0xFFFFF000  }
0x190: {  	_ =	swait.ge [sflag:s5], $0x4000  }
0x191: {  	s17 =	rddreg [dreg:$0x1f];
	[sflag:s5] =	ssyncset.done $0x0  }
0x192: {  	s11 =	simm.s32 $0x4000;
	s3 =	sld [smem:$0x7F7];
	[sflag:s5] =	ssyncadd.s32 $0xFFFFC000  }
0x193: {  	[hbm4b:s17+s2] =	stream.linear.scatter [tilespmem:s11], [sflag:$0x8], $0x4000, $0x38;
	[tilespmem:$0xF000] =	vst v63  }
0x194: {  	s17 =	sld [smem:$0x7F8]  }
0x195: {  	[tilespmem:s11], [sflag:$0x2] =	stream.linear.gather [hbm4b:s3+s2], $0x4000, $0x38;
	[tilespmem:$0xF000] =	vst v63  }
0x196: {  	_ = 	snop  }
0x197: {  	[tilespmem:s22], [sflag:$0x5] =	stream.strided.gather [hbm4b:s17+s18], $0x1000, s20, s18, $0x38;
	[tilespmem:$0xF000] =	vst v63  }
0x198: {  	_ =	swait.ge [sflag:s21], $0x4000  }
0x199: {  	[sflag:s21] =	ssyncset.done $0x0  }
0x19a: {  	[sflag:s21] =	ssyncadd.s32 $0xFFFFC000  }
0x19b: {  	_ =	swait.ge [sflag:s30], $0x1000  }
0x19c: {  	[sflag:s30] =	ssyncset.done $0x0  }
0x19d: {  	[sflag:s30] =	ssyncadd.s32 $0xFFFFF000  }
0x19e: {  	_ =	swait.ge [sflag:s7], $0x4000  }
0x19f: {  	s17 =	sld [smem:$0x7F9]  }
0x1a0: {  	[sflag:s7] =	ssyncset.done $0x0  }
0x1a1: {  	s9 =	simm.s32 $0x8000;
	s3 =	sld [smem:$0x7FA];
	[sflag:s7] =	ssyncadd.s32 $0xFFFFC000  }
0x1a2: {  	[hbm4b:s17+s2] =	stream.linear.scatter [tilespmem:s9], [sflag:$0x7], $0x4000, $0x38;
	[tilespmem:$0xF000] =	vst v63  }
0x1a3: {  	s17 =	sld [smem:$0x7FB]  }
0x1a4: {  	[tilespmem:s9], [sflag:$0x3] =	stream.linear.gather [hbm4b:s3+s2], $0x4000, $0x38;
	[tilespmem:$0xF000] =	vst v63  }
0x1a5: {  	_ = 	snop  }
0x1a6: {  	[tilespmem:s31], [sflag:$0x6] =	stream.strided.gather [hbm4b:s17+s18], $0x1000, s20, s18, $0x38;
	[tilespmem:$0xF000] =	vst v63  }
0x1a7: {  	_ =	swait.ge [sflag:s8], $0x4000  }
0x1a8: {  	[sflag:s8] =	ssyncset.done $0x0  }
0x1a9: {  	[sflag:s8] =	ssyncadd.s32 $0xFFFFC000  }
0x1aa: {  	_ =	swait.ge [sflag:s6], $0x1000  }
0x1ab: {  	[sflag:s6] =	ssyncset.done $0x0  }
0x1ac: {  	[sflag:s6] =	ssyncadd.s32 $0xFFFFF000  }
0x1ad: {  	_ =	swait.ge [sflag:s5], $0x4000  }
0x1ae: {  	s3 =	sld [smem:$0x7FC]  }
0x1af: {  	[sflag:s5] =	ssyncset.done $0x0  }
0x1b0: {  	s17 =	sld [smem:$0x7FD];
	[sflag:s5] =	ssyncadd.s32 $0xFFFFC000  }
0x1b1: {  	[hbm4b:s3+s2] =	stream.linear.scatter [tilespmem:s2], [sflag:$0x8], $0x4000, $0x38;
	[tilespmem:$0xF000] =	vst v63  }
0x1b2: {  	_ = 	snop  }
0x1b3: {  	[tilespmem:s2], [sflag:$0x1] =	stream.linear.gather [hbm4b:s17+s2], $0x4000, $0x38;
	[tilespmem:$0xF000] =	vst v63  }
0x1b4: {  	s17 =	sld [smem:$0x7F6];
	_ =	sdelay $0x1  }
0x1b5: {  	s22 =	simm.s32 $0xC000  }
0x1b6: {  	[tilespmem:s22], [sflag:$0x4] =	stream.strided.gather [hbm4b:s17+s18], $0x1000, s20, s18, $0x38;
	[tilespmem:$0xF000] =	vst v63  }
0x1b7: {  	_ =	swait.ge [sflag:s28], $0x4000  }
0x1b8: {  	[sflag:s28] =	ssyncset.done $0x0  }
0x1b9: {  	[sflag:s28] =	ssyncadd.s32 $0xFFFFC000  }
0x1ba: {  	_ =	swait.ge [sflag:s26], $0x1000  }
0x1bb: {  	s3 =	smov.u32 s4;
	s4 =	smov.u32 s10;
	[sflag:s26] =	ssyncset.done $0x0  }
0x1bc: {  	s10 =	smov.u32 s12;
	s12 =	smov.u32 s13;
	[sflag:s26] =	ssyncadd.s32 $0xFFFFF000  }
0x1bd: {  	s13 =	smov.u32 s14;
	s14 =	smov.u32 s15;
	_ =	swait.ge [sflag:s7], $0x4000  }
0x1be: {  	s15 =	smov.u32 s16;
	s16 =	smov.u32 s19;
	[sflag:s7] =	ssyncset.done $0x0  }
0x1bf: {  	s19 =	smov.u32 s23;
	s23 =	smov.u32 s24;
	[sflag:s7] =	ssyncadd.s32 $0xFFFFC000  }
0x1c0: {  	[hbm4b:s23+s2] =	stream.linear.scatter [tilespmem:s11], [sflag:$0x7], $0x4000, $0x38;
	[tilespmem:$0xF000] =	vst v63  }
0x1c1: {  	s24 =	smov.u32 s25  }
0x1c2: {  	[tilespmem:s11], [sflag:$0x2] =	stream.linear.gather [hbm4b:s24+s2], $0x4000, $0x38;
	[tilespmem:$0xF000] =	vst v63  }
0x1c3: {  	s31 =	simm.s32 $0xD000;
	s25 =	smov.u32 s29  }
0x1c4: {  	[tilespmem:s31], [sflag:$0x5] =	stream.strided.gather [hbm4b:s25+s18], $0x1000, s20, s18, $0x38;
	[tilespmem:$0xF000] =	vst v63  }
0x1c5: {  	_ =	swait.ge [sflag:s21], $0x4000  }
0x1c6: {  	[sflag:s21] =	ssyncset.done $0x0  }
0x1c7: {  	[sflag:s21] =	ssyncadd.s32 $0xFFFFC000  }
0x1c8: {  	_ =	swait.ge [sflag:s30], $0x1000  }
0x1c9: {  	[sflag:s30] =	ssyncset.done $0x0  }
0x1ca: {  	[sflag:s30] =	ssyncadd.s32 $0xFFFFF000  }
0x1cb: {  	_ =	swait.ge [sflag:s5], $0x4000  }
0x1cc: {  	[sflag:s5] =	ssyncset.done $0x0  }
0x1cd: {  	[sflag:s5] =	ssyncadd.s32 $0xFFFFC000  }
0x1ce: {  	[hbm4b:s15+s2] =	stream.linear.scatter [tilespmem:s9], [sflag:$0x8], $0x4000, $0x38;
	[tilespmem:$0xF000] =	vst v63  }
0x1cf: {  	_ = 	snop  }
0x1d0: {  	[tilespmem:s9], [sflag:$0x3] =	stream.linear.gather [hbm4b:s16+s2], $0x4000, $0x38;
	[tilespmem:$0xF000] =	vst v63  }
0x1d1: {  	s29 =	simm.s32 $0xE000  }
0x1d2: {  	[tilespmem:s29], [sflag:$0x6] =	stream.strided.gather [hbm4b:s19+s18], $0x1000, s20, s18, $0x38;
	[tilespmem:$0xF000] =	vst v63  }
0x1d3: {  	_ =	swait.ge [sflag:s8], $0x4000  }
0x1d4: {  	[sflag:s8] =	ssyncset.done $0x0  }
0x1d5: {  	[sflag:s8] =	ssyncadd.s32 $0xFFFFC000  }
0x1d6: {  	_ =	swait.ge [sflag:s6], $0x1000  }
0x1d7: {  	[sflag:s6] =	ssyncset.done $0x0  }
0x1d8: {  	[sflag:s6] =	ssyncadd.s32 $0xFFFFF000  }
0x1d9: {  	_ =	swait.ge [sflag:s7], $0x4000  }
0x1da: {  	[sflag:s7] =	ssyncset.done $0x0  }
0x1db: {  	[sflag:s7] =	ssyncadd.s32 $0xFFFFC000  }
0x1dc: {  	[hbm4b:s12+s2] =	stream.linear.scatter [tilespmem:s2], [sflag:$0x7], $0x4000, $0x38;
	[tilespmem:$0xF000] =	vst v63  }
0x1dd: {  	_ = 	snop  }
0x1de: {  	[tilespmem:s2], [sflag:$0x1] =	stream.linear.gather [hbm4b:s13+s2], $0x4000, $0x38;
	[tilespmem:$0xF000] =	vst v63  }
0x1df: {  	_ = 	snop  }
0x1e0: {  	[tilespmem:s22], [sflag:$0x4] =	stream.strided.gather [hbm4b:s14+s18], $0x1000, s20, s18, $0x38;
	[tilespmem:$0xF000] =	vst v63  }
0x1e1: {  	_ =	swait.ge [sflag:s28], $0x4000  }
0x1e2: {  	[sflag:s28] =	ssyncset.done $0x0  }
0x1e3: {  	[sflag:s28] =	ssyncadd.s32 $0xFFFFC000  }
0x1e4: {  	_ =	swait.ge [sflag:s26], $0x1000  }
0x1e5: {  	[sflag:s26] =	ssyncset.done $0x0  }
0x1e6: {  	[sflag:s26] =	ssyncadd.s32 $0xFFFFF000  }
0x1e7: {  	_ =	swait.ge [sflag:s5], $0x4000  }
0x1e8: {  	[sflag:s5] =	ssyncset.done $0x0  }
0x1e9: {  	[sflag:s5] =	ssyncadd.s32 $0xFFFFC000  }
0x1ea: {  	[hbm4b:s10+s2] =	stream.linear.scatter [tilespmem:s11], [sflag:$0x8], $0x4000, $0x38;
	[tilespmem:$0xF000] =	vst v63  }
0x1eb: {  	_ =	swait.ge [sflag:s21], $0x4000  }
0x1ec: {  	[sflag:s21] =	ssyncset.done $0x0  }
0x1ed: {  	[sflag:s21] =	ssyncadd.s32 $0xFFFFC000  }
0x1ee: {  	_ =	swait.ge [sflag:s30], $0x1000  }
0x1ef: {  	[sflag:s30] =	ssyncset.done $0x0  }
0x1f0: {  	[sflag:s30] =	ssyncadd.s32 $0xFFFFF000  }
0x1f1: {  	_ =	swait.ge [sflag:s7], $0x4000  }
0x1f2: {  	[sflag:s7] =	ssyncset.done $0x0  }
0x1f3: {  	[sflag:s7] =	ssyncadd.s32 $0xFFFFC000  }
0x1f4: {  	[hbm4b:s4+s2] =	stream.linear.scatter [tilespmem:s9], [sflag:$0x7], $0x4000, $0x38;
	[tilespmem:$0xF000] =	vst v63  }
0x1f5: {  	_ =	swait.ge [sflag:s8], $0x4000  }
0x1f6: {  	[sflag:s8] =	ssyncset.done $0x0  }
0x1f7: {  	[sflag:s8] =	ssyncadd.s32 $0xFFFFC000  }
0x1f8: {  	_ =	swait.ge [sflag:s6], $0x1000  }
0x1f9: {  	[sflag:s6] =	ssyncset.done $0x0  }
0x1fa: {  	[sflag:s6] =	ssyncadd.s32 $0xFFFFF000  }
0x1fb: {  	_ =	swait.ge [sflag:s5], $0x4000  }
0x1fc: {  	[sflag:s5] =	ssyncset.done $0x0  }
0x1fd: {  	p1 =	sne.s32 s1, $0x1;
	[sflag:s5] =	ssyncadd.s32 $0xFFFFC000  }
0x1fe: {  	[hbm4b:s3+s2] =	stream.linear.scatter [tilespmem:s2], [sflag:$0x8], $0x4000, $0x38;
	[tilespmem:$0xF000] =	vst v63  }
.Ltmp2:
0x1ff: {  	_ =	swait.ge [sflag:s7], $0x4000;
	(pc) =	sbr.rel @p1 .LBB2_2-.Ltmp2, $4  }
0x200: {  	[sflag:s7] =	ssyncset.done $0x0  }
0x201: {  	[sflag:s7] =	ssyncadd.s32 $0xFFFFC000  }
0x202: {  	_ =	swait.ge [sflag:s5], $0x4000  }
0x203: {  	s1 =	sadd.s32 $0xFFFFFFFF, s1;
	s0 =	rddreg [dreg:$0x4];
	[sflag:s5] =	ssyncset.done $0x0  }
.LBB2_3:
0x204: {  	[sflag:s5] =	ssyncadd.s32 @p0 $0xFFFFC000  }
0x205: {  	[tilespmem:s2], [sflag:$0x1] =	stream.linear.gather [hbm4b:s0+s2], $0x4000, $0x38;
	[tilespmem:$0xF000] =	vst v63  }
0x206: {  	s1 =	rddreg [dreg:$0x5]  }
0x207: {  	[tilespmem:s22], [sflag:$0x4] =	stream.strided.gather [hbm4b:s1+s18], $0x1000, s20, s18, $0x38;
	[tilespmem:$0xF000] =	vst v63  }
0x208: {  	s0 =	rddreg [dreg:$0x6]  }
0x209: {  	[tilespmem:s11], [sflag:$0x2] =	stream.linear.gather [hbm4b:s0+s2], $0x4000, $0x38;
	[tilespmem:$0xF000] =	vst v63  }
0x20a: {  	s1 =	rddreg [dreg:$0x7]  }
0x20b: {  	[tilespmem:s31], [sflag:$0x5] =	stream.strided.gather [hbm4b:s1+s18], $0x1000, s20, s18, $0x38;
	[tilespmem:$0xF000] =	vst v63  }
0x20c: {  	s0 =	rddreg [dreg:$0x8]  }
0x20d: {  	[tilespmem:s9], [sflag:$0x3] =	stream.linear.gather [hbm4b:s0+s2], $0x4000, $0x38;
	[tilespmem:$0xF000] =	vst v63  }
0x20e: {  	s1 =	rddreg [dreg:$0x9]  }
0x20f: {  	[tilespmem:s29], [sflag:$0x6] =	stream.strided.gather [hbm4b:s1+s18], $0x1000, s20, s18, $0x38;
	[tilespmem:$0xF000] =	vst v63  }
0x210: {  	_ =	swait.ge [sflag:s8], $0x4000  }
0x211: {  	[sflag:s8] =	ssyncset.done $0x0  }
0x212: {  	[sflag:s8] =	ssyncadd.s32 $0xFFFFC000  }
0x213: {  	_ =	swait.ge [sflag:s6], $0x1000  }
0x214: {  	[sflag:s6] =	ssyncset.done $0x0  }
0x215: {  	s0 =	rddreg [dreg:$0xa];
	[sflag:s6] =	ssyncadd.s32 $0xFFFFF000  }
0x216: {  	[hbm4b:s0+s2] =	stream.linear.scatter [tilespmem:s2], [sflag:$0x7], $0x4000, $0x38;
	[tilespmem:$0xF000] =	vst v63  }
0x217: {  	s1 =	rddreg [dreg:$0xb]  }
0x218: {  	[tilespmem:s2], [sflag:$0x1] =	stream.linear.gather [hbm4b:s1+s2], $0x4000, $0x38;
	[tilespmem:$0xF000] =	vst v63  }
0x219: {  	s0 =	rddreg [dreg:$0xc]  }
0x21a: {  	[tilespmem:s22], [sflag:$0x4] =	stream.strided.gather [hbm4b:s0+s18], $0x1000, s20, s18, $0x38;
	[tilespmem:$0xF000] =	vst v63  }
0x21b: {  	_ =	swait.ge [sflag:s28], $0x4000  }
0x21c: {  	[sflag:s28] =	ssyncset.done $0x0  }
0x21d: {  	[sflag:s28] =	ssyncadd.s32 $0xFFFFC000  }
0x21e: {  	_ =	swait.ge [sflag:s26], $0x1000  }
0x21f: {  	[sflag:s26] =	ssyncset.done $0x0  }
0x220: {  	s0 =	rddreg [dreg:$0xd];
	[sflag:s26] =	ssyncadd.s32 $0xFFFFF000  }
0x221: {  	[hbm4b:s0+s2] =	stream.linear.scatter [tilespmem:s11], [sflag:$0x8], $0x4000, $0x38;
	[tilespmem:$0xF000] =	vst v63  }
0x222: {  	s1 =	rddreg [dreg:$0xe]  }
0x223: {  	[tilespmem:s11], [sflag:$0x2] =	stream.linear.gather [hbm4b:s1+s2], $0x4000, $0x38;
	[tilespmem:$0xF000] =	vst v63  }
0x224: {  	s0 =	rddreg [dreg:$0xf]  }
0x225: {  	[tilespmem:s31], [sflag:$0x5] =	stream.strided.gather [hbm4b:s0+s18], $0x1000, s20, s18, $0x38;
	[tilespmem:$0xF000] =	vst v63  }
0x226: {  	_ =	swait.ge [sflag:s21], $0x4000  }
0x227: {  	[sflag:s21] =	ssyncset.done $0x0  }
0x228: {  	[sflag:s21] =	ssyncadd.s32 $0xFFFFC000  }
0x229: {  	_ =	swait.ge [sflag:s30], $0x1000  }
0x22a: {  	[sflag:s30] =	ssyncset.done $0x0  }
0x22b: {  	[sflag:s30] =	ssyncadd.s32 $0xFFFFF000  }
0x22c: {  	_ =	swait.ge [sflag:s7], $0x4000  }
0x22d: {  	[sflag:s7] =	ssyncset.done $0x0  }
0x22e: {  	s0 =	rddreg [dreg:$0x10];
	[sflag:s7] =	ssyncadd.s32 $0xFFFFC000  }
0x22f: {  	[hbm4b:s0+s2] =	stream.linear.scatter [tilespmem:s9], [sflag:$0x7], $0x4000, $0x38;
	[tilespmem:$0xF000] =	vst v63  }
0x230: {  	s1 =	rddreg [dreg:$0x11]  }
0x231: {  	[tilespmem:s9], [sflag:$0x3] =	stream.linear.gather [hbm4b:s1+s2], $0x4000, $0x38;
	[tilespmem:$0xF000] =	vst v63  }
0x232: {  	s0 =	rddreg [dreg:$0x12]  }
0x233: {  	[tilespmem:s29], [sflag:$0x6] =	stream.strided.gather [hbm4b:s0+s18], $0x1000, s20, s18, $0x38;
	[tilespmem:$0xF000] =	vst v63  }
0x234: {  	_ =	swait.ge [sflag:s8], $0x4000  }
0x235: {  	[sflag:s8] =	ssyncset.done $0x0  }
0x236: {  	[sflag:s8] =	ssyncadd.s32 $0xFFFFC000  }
0x237: {  	_ =	swait.ge [sflag:s6], $0x1000  }
0x238: {  	[sflag:s6] =	ssyncset.done $0x0  }
0x239: {  	[sflag:s6] =	ssyncadd.s32 $0xFFFFF000  }
0x23a: {  	_ =	swait.ge [sflag:s5], $0x4000  }
0x23b: {  	[sflag:s5] =	ssyncset.done $0x0  }
0x23c: {  	s0 =	rddreg [dreg:$0x13];
	[sflag:s5] =	ssyncadd.s32 $0xFFFFC000  }
0x23d: {  	[hbm4b:s0+s2] =	stream.linear.scatter [tilespmem:s2], [sflag:$0x8], $0x4000, $0x38;
	[tilespmem:$0xF000] =	vst v63  }
0x23e: {  	s1 =	rddreg [dreg:$0x14]  }
0x23f: {  	[tilespmem:s2], [sflag:$0x1] =	stream.linear.gather [hbm4b:s1+s2], $0x4000, $0x38;
	[tilespmem:$0xF000] =	vst v63  }
0x240: {  	s0 =	rddreg [dreg:$0x15]  }
0x241: {  	[tilespmem:s22], [sflag:$0x4] =	stream.strided.gather [hbm4b:s0+s18], $0x1000, s20, s18, $0x38;
	[tilespmem:$0xF000] =	vst v63  }
0x242: {  	_ =	swait.ge [sflag:s28], $0x4000  }
0x243: {  	[sflag:s28] =	ssyncset.done $0x0  }
0x244: {  	[sflag:s28] =	ssyncadd.s32 $0xFFFFC000  }
0x245: {  	_ =	swait.ge [sflag:s26], $0x1000  }
0x246: {  	[sflag:s26] =	ssyncset.done $0x0  }
0x247: {  	[sflag:s26] =	ssyncadd.s32 $0xFFFFF000  }
0x248: {  	_ =	swait.ge [sflag:s7], $0x4000  }
0x249: {  	[sflag:s7] =	ssyncset.done $0x0  }
0x24a: {  	s0 =	rddreg [dreg:$0x16];
	[sflag:s7] =	ssyncadd.s32 $0xFFFFC000  }
0x24b: {  	[hbm4b:s0+s2] =	stream.linear.scatter [tilespmem:s11], [sflag:$0x7], $0x4000, $0x38;
	[tilespmem:$0xF000] =	vst v63  }
0x24c: {  	s1 =	rddreg [dreg:$0x17]  }
0x24d: {  	[tilespmem:s11], [sflag:$0x2] =	stream.linear.gather [hbm4b:s1+s2], $0x4000, $0x38;
	[tilespmem:$0xF000] =	vst v63  }
0x24e: {  	s0 =	rddreg [dreg:$0x18]  }
0x24f: {  	[tilespmem:s31], [sflag:$0x5] =	stream.strided.gather [hbm4b:s0+s18], $0x1000, s20, s18, $0x38;
	[tilespmem:$0xF000] =	vst v63  }
0x250: {  	_ =	swait.ge [sflag:s21], $0x4000  }
0x251: {  	[sflag:s21] =	ssyncset.done $0x0  }
0x252: {  	[sflag:s21] =	ssyncadd.s32 $0xFFFFC000  }
0x253: {  	_ =	swait.ge [sflag:s30], $0x1000  }
0x254: {  	[sflag:s30] =	ssyncset.done $0x0  }
0x255: {  	[sflag:s30] =	ssyncadd.s32 $0xFFFFF000  }
0x256: {  	_ =	swait.ge [sflag:s5], $0x4000  }
0x257: {  	[sflag:s5] =	ssyncset.done $0x0  }
0x258: {  	s0 =	rddreg [dreg:$0x19];
	[sflag:s5] =	ssyncadd.s32 $0xFFFFC000  }
0x259: {  	[hbm4b:s0+s2] =	stream.linear.scatter [tilespmem:s9], [sflag:$0x8], $0x4000, $0x38;
	[tilespmem:$0xF000] =	vst v63  }
0x25a: {  	s1 =	rddreg [dreg:$0x1a]  }
0x25b: {  	[tilespmem:s9], [sflag:$0x3] =	stream.linear.gather [hbm4b:s1+s2], $0x4000, $0x38;
	[tilespmem:$0xF000] =	vst v63  }
0x25c: {  	s0 =	rddreg [dreg:$0x1b]  }
0x25d: {  	[tilespmem:s29], [sflag:$0x6] =	stream.strided.gather [hbm4b:s0+s18], $0x1000, s20, s18, $0x38;
	[tilespmem:$0xF000] =	vst v63  }
0x25e: {  	_ =	swait.ge [sflag:s8], $0x4000  }
0x25f: {  	[sflag:s8] =	ssyncset.done $0x0  }
0x260: {  	[sflag:s8] =	ssyncadd.s32 $0xFFFFC000  }
0x261: {  	_ =	swait.ge [sflag:s6], $0x1000  }
0x262: {  	[sflag:s6] =	ssyncset.done $0x0  }
0x263: {  	[sflag:s6] =	ssyncadd.s32 $0xFFFFF000  }
0x264: {  	_ =	swait.ge [sflag:s7], $0x4000  }
0x265: {  	[sflag:s7] =	ssyncset.done $0x0  }
0x266: {  	s0 =	rddreg [dreg:$0x1c];
	[sflag:s7] =	ssyncadd.s32 $0xFFFFC000  }
0x267: {  	[hbm4b:s0+s2] =	stream.linear.scatter [tilespmem:s2], [sflag:$0x7], $0x4000, $0x38;
	[tilespmem:$0xF000] =	vst v63  }
0x268: {  	s1 =	rddreg [dreg:$0x1d]  }
0x269: {  	[tilespmem:s2], [sflag:$0x1] =	stream.linear.gather [hbm4b:s1+s2], $0x4000, $0x38;
	[tilespmem:$0xF000] =	vst v63  }
0x26a: {  	s0 =	rddreg [dreg:$0x1e]  }
0x26b: {  	[tilespmem:s22], [sflag:$0x4] =	stream.strided.gather [hbm4b:s0+s18], $0x1000, s20, s18, $0x38;
	[tilespmem:$0xF000] =	vst v63  }
0x26c: {  	_ =	swait.ge [sflag:s28], $0x4000  }
0x26d: {  	[sflag:s28] =	ssyncset.done $0x0  }
0x26e: {  	[sflag:s28] =	ssyncadd.s32 $0xFFFFC000  }
0x26f: {  	_ =	swait.ge [sflag:s26], $0x1000  }
0x270: {  	[sflag:s26] =	ssyncset.done $0x0  }
0x271: {  	[sflag:s26] =	ssyncadd.s32 $0xFFFFF000  }
0x272: {  	_ =	swait.ge [sflag:s5], $0x4000  }
0x273: {  	s0 =	rddreg [dreg:$0x1f];
	[sflag:s5] =	ssyncset.done $0x0  }
0x274: {  	s1 =	sld [smem:$0x7F7];
	[sflag:s5] =	ssyncadd.s32 $0xFFFFC000  }
0x275: {  	[hbm4b:s0+s2] =	stream.linear.scatter [tilespmem:s11], [sflag:$0x8], $0x4000, $0x38;
	[tilespmem:$0xF000] =	vst v63  }
0x276: {  	s0 =	sld [smem:$0x7F8]  }
0x277: {  	[tilespmem:s11], [sflag:$0x2] =	stream.linear.gather [hbm4b:s1+s2], $0x4000, $0x38;
	[tilespmem:$0xF000] =	vst v63  }
0x278: {  	_ = 	snop  }
0x279: {  	[tilespmem:s31], [sflag:$0x5] =	stream.strided.gather [hbm4b:s0+s18], $0x1000, s20, s18, $0x38;
	[tilespmem:$0xF000] =	vst v63  }
0x27a: {  	_ =	swait.ge [sflag:s21], $0x4000  }
0x27b: {  	[sflag:s21] =	ssyncset.done $0x0  }
0x27c: {  	[sflag:s21] =	ssyncadd.s32 $0xFFFFC000  }
0x27d: {  	_ =	swait.ge [sflag:s30], $0x1000  }
0x27e: {  	[sflag:s30] =	ssyncset.done $0x0  }
0x27f: {  	[sflag:s30] =	ssyncadd.s32 $0xFFFFF000  }
0x280: {  	_ =	swait.ge [sflag:s7], $0x4000  }
0x281: {  	s0 =	sld [smem:$0x7F9]  }
0x282: {  	[sflag:s7] =	ssyncset.done $0x0  }
0x283: {  	s1 =	sld [smem:$0x7FA];
	[sflag:s7] =	ssyncadd.s32 $0xFFFFC000  }
0x284: {  	[hbm4b:s0+s2] =	stream.linear.scatter [tilespmem:s9], [sflag:$0x7], $0x4000, $0x38;
	[tilespmem:$0xF000] =	vst v63  }
0x285: {  	s0 =	sld [smem:$0x7FB]  }
0x286: {  	[tilespmem:s9], [sflag:$0x3] =	stream.linear.gather [hbm4b:s1+s2], $0x4000, $0x38;
	[tilespmem:$0xF000] =	vst v63  }
0x287: {  	_ = 	snop  }
0x288: {  	[tilespmem:s29], [sflag:$0x6] =	stream.strided.gather [hbm4b:s0+s18], $0x1000, s20, s18, $0x38;
	[tilespmem:$0xF000] =	vst v63  }
0x289: {  	_ =	swait.ge [sflag:s8], $0x4000  }
0x28a: {  	[sflag:s8] =	ssyncset.done $0x0  }
0x28b: {  	[sflag:s8] =	ssyncadd.s32 $0xFFFFC000  }
0x28c: {  	_ =	swait.ge [sflag:s6], $0x1000  }
0x28d: {  	[sflag:s6] =	ssyncset.done $0x0  }
0x28e: {  	[sflag:s6] =	ssyncadd.s32 $0xFFFFF000  }
0x28f: {  	_ =	swait.ge [sflag:s5], $0x4000  }
0x290: {  	s0 =	sld [smem:$0x7FC]  }
0x291: {  	[sflag:s5] =	ssyncset.done $0x0  }
0x292: {  	s1 =	sld [smem:$0x7FD];
	[sflag:s5] =	ssyncadd.s32 $0xFFFFC000  }
0x293: {  	[hbm4b:s0+s2] =	stream.linear.scatter [tilespmem:s2], [sflag:$0x8], $0x4000, $0x38;
	[tilespmem:$0xF000] =	vst v63  }
0x294: {  	_ = 	snop  }
0x295: {  	[tilespmem:s2], [sflag:$0x1] =	stream.linear.gather [hbm4b:s1+s2], $0x4000, $0x38;
	[tilespmem:$0xF000] =	vst v63  }
0x296: {  	_ = 	snop  }
0x297: {  	[tilespmem:s22], [sflag:$0x4] =	stream.strided.gather [hbm4b:s17+s18], $0x1000, s20, s18, $0x38;
	[tilespmem:$0xF000] =	vst v63  }
0x298: {  	_ =	swait.ge [sflag:s28], $0x4000  }
0x299: {  	[sflag:s28] =	ssyncset.done $0x0  }
0x29a: {  	[sflag:s28] =	ssyncadd.s32 $0xFFFFC000  }
0x29b: {  	_ =	swait.ge [sflag:s26], $0x1000  }
0x29c: {  	[sflag:s26] =	ssyncset.done $0x0  }
0x29d: {  	[sflag:s26] =	ssyncadd.s32 $0xFFFFF000  }
0x29e: {  	_ =	swait.ge [sflag:s7], $0x4000  }
0x29f: {  	[sflag:s7] =	ssyncset.done $0x0  }
0x2a0: {  	[sflag:s7] =	ssyncadd.s32 $0xFFFFC000  }
0x2a1: {  	[hbm4b:s23+s2] =	stream.linear.scatter [tilespmem:s11], [sflag:$0x7], $0x4000, $0x38;
	[tilespmem:$0xF000] =	vst v63  }
0x2a2: {  	_ = 	snop  }
0x2a3: {  	[tilespmem:s11], [sflag:$0x2] =	stream.linear.gather [hbm4b:s24+s2], $0x4000, $0x38;
	[tilespmem:$0xF000] =	vst v63  }
0x2a4: {  	_ = 	snop  }
0x2a5: {  	[tilespmem:s31], [sflag:$0x5] =	stream.strided.gather [hbm4b:s25+s18], $0x1000, s20, s18, $0x38;
	[tilespmem:$0xF000] =	vst v63  }
0x2a6: {  	_ =	swait.ge [sflag:s21], $0x4000  }
0x2a7: {  	[sflag:s21] =	ssyncset.done $0x0  }
0x2a8: {  	[sflag:s21] =	ssyncadd.s32 $0xFFFFC000  }
0x2a9: {  	_ =	swait.ge [sflag:s30], $0x1000  }
0x2aa: {  	[sflag:s30] =	ssyncset.done $0x0  }
0x2ab: {  	[sflag:s30] =	ssyncadd.s32 $0xFFFFF000  }
0x2ac: {  	_ =	swait.ge [sflag:s5], $0x4000  }
0x2ad: {  	[sflag:s5] =	ssyncset.done $0x0  }
0x2ae: {  	[sflag:s5] =	ssyncadd.s32 $0xFFFFC000  }
0x2af: {  	[hbm4b:s15+s2] =	stream.linear.scatter [tilespmem:s9], [sflag:$0x8], $0x4000, $0x38;
	[tilespmem:$0xF000] =	vst v63  }
0x2b0: {  	_ = 	snop  }
0x2b1: {  	[tilespmem:s9], [sflag:$0x3] =	stream.linear.gather [hbm4b:s16+s2], $0x4000, $0x38;
	[tilespmem:$0xF000] =	vst v63  }
0x2b2: {  	_ = 	snop  }
0x2b3: {  	[tilespmem:s29], [sflag:$0x6] =	stream.strided.gather [hbm4b:s19+s18], $0x1000, s20, s18, $0x38;
	[tilespmem:$0xF000] =	vst v63  }
0x2b4: {  	_ =	swait.ge [sflag:s8], $0x4000  }
0x2b5: {  	[sflag:s8] =	ssyncset.done $0x0  }
0x2b6: {  	[sflag:s8] =	ssyncadd.s32 $0xFFFFC000  }
0x2b7: {  	_ =	swait.ge [sflag:s6], $0x1000  }
0x2b8: {  	[sflag:s6] =	ssyncset.done $0x0  }
0x2b9: {  	[sflag:s6] =	ssyncadd.s32 $0xFFFFF000  }
0x2ba: {  	_ =	swait.ge [sflag:s7], $0x4000  }
0x2bb: {  	[sflag:s7] =	ssyncset.done $0x0  }
0x2bc: {  	[sflag:s7] =	ssyncadd.s32 $0xFFFFC000  }
0x2bd: {  	[hbm4b:s12+s2] =	stream.linear.scatter [tilespmem:s2], [sflag:$0x7], $0x4000, $0x38;
	[tilespmem:$0xF000] =	vst v63  }
0x2be: {  	_ = 	snop  }
0x2bf: {  	[tilespmem:s2], [sflag:$0x1] =	stream.linear.gather [hbm4b:s13+s2], $0x4000, $0x38;
	[tilespmem:$0xF000] =	vst v63  }
0x2c0: {  	_ = 	snop  }
0x2c1: {  	[tilespmem:s22], [sflag:$0x4] =	stream.strided.gather [hbm4b:s14+s18], $0x1000, s20, s18, $0x38;
	[tilespmem:$0xF000] =	vst v63  }
0x2c2: {  	_ =	swait.ge [sflag:s28], $0x4000  }
0x2c3: {  	[sflag:s28] =	ssyncset.done $0x0  }
0x2c4: {  	[sflag:s28] =	ssyncadd.s32 $0xFFFFC000  }
0x2c5: {  	_ =	swait.ge [sflag:s26], $0x1000  }
0x2c6: {  	[sflag:s26] =	ssyncset.done $0x0  }
0x2c7: {  	[sflag:s26] =	ssyncadd.s32 $0xFFFFF000  }
0x2c8: {  	_ =	swait.ge [sflag:s5], $0x4000  }
0x2c9: {  	[sflag:s5] =	ssyncset.done $0x0  }
0x2ca: {  	[sflag:s5] =	ssyncadd.s32 $0xFFFFC000  }
0x2cb: {  	[hbm4b:s10+s2] =	stream.linear.scatter [tilespmem:s11], [sflag:$0x8], $0x4000, $0x38;
	[tilespmem:$0xF000] =	vst v63  }
0x2cc: {  	_ =	swait.ge [sflag:s21], $0x4000  }
0x2cd: {  	[sflag:s21] =	ssyncset.done $0x0  }
0x2ce: {  	[sflag:s21] =	ssyncadd.s32 $0xFFFFC000  }
0x2cf: {  	_ =	swait.ge [sflag:s30], $0x1000  }
0x2d0: {  	[sflag:s30] =	ssyncset.done $0x0  }
0x2d1: {  	[sflag:s30] =	ssyncadd.s32 $0xFFFFF000  }
0x2d2: {  	_ =	swait.ge [sflag:s7], $0x4000  }
0x2d3: {  	[sflag:s7] =	ssyncset.done $0x0  }
0x2d4: {  	[sflag:s7] =	ssyncadd.s32 $0xFFFFC000  }
0x2d5: {  	[hbm4b:s4+s2] =	stream.linear.scatter [tilespmem:s9], [sflag:$0x7], $0x4000, $0x38;
	[tilespmem:$0xF000] =	vst v63  }
0x2d6: {  	_ =	swait.ge [sflag:s8], $0x4000  }
0x2d7: {  	[sflag:s8] =	ssyncset.done $0x0  }
0x2d8: {  	[sflag:s8] =	ssyncadd.s32 $0xFFFFC000  }
0x2d9: {  	_ =	swait.ge [sflag:s6], $0x1000  }
0x2da: {  	[sflag:s6] =	ssyncset.done $0x0  }
0x2db: {  	[sflag:s6] =	ssyncadd.s32 $0xFFFFF000  }
0x2dc: {  	_ =	swait.ge [sflag:s5], $0x4000  }
0x2dd: {  	[sflag:s5] =	ssyncset.done $0x0  }
0x2de: {  	[sflag:s5] =	ssyncadd.s32 $0xFFFFC000  }
0x2df: {  	[hbm4b:s3+s2] =	stream.linear.scatter [tilespmem:s2], [sflag:$0x8], $0x4000, $0x38;
	[tilespmem:$0xF000] =	vst v63  }
0x2e0: {  	_ =	swait.ge [sflag:s7], $0x4000  }
0x2e1: {  	[sflag:s7] =	ssyncset.done $0x0  }
0x2e2: {  	[sflag:s7] =	ssyncadd.s32 $0xFFFFC000  }
0x2e3: {  	_ =	swait.ge [sflag:s5], $0x4000  }
0x2e4: {  	[sflag:s5] =	ssyncset.done $0x0  }
0x2e5: {  	[sflag:s5] =	ssyncadd.s32 $0xFFFFC000  }
0x2e6: {  	_ =	sfence.sel $0x180000  }
0x2e7: {  	[bflag:$0x0] =	sbarrier.arrive $0xFFFF  }
0x2e8: {  	_ =	strace $0x90000047  }
0x2e9: {  	s31 =	stileid.u32;
	[bflag:$0x2] =	sbarrier.arrive $0xFFFF  }
0x2ea: {  	p0 =	sne.s32 s31, $0x0;
	s0 =	rddreg [dreg:$0x3]  }
0x2eb: {  	s0 =	sadd.s32 @!p0 $0x100000, s0  }
0x2ec: {  	[sflag:s0] =	ssyncadd.tile.s32 @!p0 $0x1;
	_ =	shalt  }
.Lfunc_end2:
_tile_overlayer_lowered:
.L_overlay_start_2:
0x2ed: {  	(tag) =	ssettag $0x2  }
0x2ee: {  	s0 =	rddreg [dreg:$0x0];
	s2 =	stileid.u32  }
0x2ef: {  	s1 =	rddreg [dreg:$0x1];
	p0 =	sne.s32 s2, $0x0  }
0x2f0: {  	s3 =	rddreg [dreg:$0x2];
	[bflag:$0x3] =	sbarrier.arrive $0xFFFF;
	s2 =	simm.s32 @!p0 $0x1C09  }
0x2f1: {  	[timem:s3], [sflag:s2] =	dma.local @!p0 [hbm:s0], s1  }
0x2f2: {  	s0 =	simm.s32 @!p0 $0x9  }
0x2f3: {  	_ =	swait.ge @!p0 [sflag:s0], s1  }
0x2f4: {  	s1 =	ssub.s32 @!p0 $0x0, s1;
	[sflag:s0] =	ssyncset.done @!p0 $0x0  }
0x2f5: {  	[sflag:s0] =	ssyncadd.s32 @!p0 s1  }
0x2f6: {  	[bflag:$0x3] =	sbarrier.arrive $0xFFFF  }
0x2f7: {  	_ =	shalt  }

</sc_bundles>
